<compile_context>
chip_gen: v7x
topology: tpu7x:2x2x1
jax: 0.10.2.dev20260603
libtpu: 0.0.44.dev20260713+nightly
codegen_flags: <defaults>
</compile_context>

<pallas_src>
import dataclasses
import functools

import jax
import jax.numpy as jnp
from jax import lax
from jax.experimental import pallas as pl
from jax.experimental.pallas import tpu as pltpu
from jax.experimental.pallas import tpu_sc as plsc

N_JOB = 50000
N_SRC = 10000
E = 120000
D = 128
H = 4
C = 32
NREL = 5

NC = 2
NS = 16
TILES = NC * NS

E_PAD = 122880
SLAB = E_PAD // TILES
CH = 512
CH5 = 3840

DEN_R = 250240
DEN_PR = 51200
DEN_PSLAB = DEN_PR // NS
SLAB2 = E_PAD // NS
ACC_ROWS = 50048
ACC_SLAB = ACC_ROWS // NS



def _mesh():
    return plsc.VectorSubcoreMesh(core_axis_name="c", subcore_axis_name="s")


def _sc_params():
    cp = pltpu.CompilerParams()
    if "needs_layout_passes" in pltpu.CompilerParams.__dataclass_fields__:
        cp = dataclasses.replace(cp, needs_layout_passes=False)
    if "use_tc_tiling_on_sc" in pltpu.CompilerParams.__dataclass_fields__:
        cp = dataclasses.replace(cp, use_tc_tiling_on_sc=False)
    return cp


def _tc_project(xs, W, As):
    BLK = 2000

    def body(x_ref, w_ref, a_ref, hs_ref, as_ref):
        h = jnp.dot(x_ref[0], w_ref[0], preferred_element_type=jnp.float32)
        hs_ref[0] = h
        as_ref[0] = jnp.dot(h, a_ref[0], preferred_element_type=jnp.float32)

    return pl.pallas_call(
        body,
        grid=(NREL, N_SRC // BLK),
        in_specs=[
            pl.BlockSpec((1, BLK, D), lambda r, i: (r, i, 0)),
            pl.BlockSpec((1, D, D), lambda r, i: (r, 0, 0)),
            pl.BlockSpec((1, D, H), lambda r, i: (r, 0, 0)),
        ],
        out_specs=[
            pl.BlockSpec((1, BLK, D), lambda r, i: (r, i, 0)),
            pl.BlockSpec((1, BLK, H), lambda r, i: (r, i, 0)),
        ],
        out_shape=[
            jax.ShapeDtypeStruct((NREL, N_SRC, D), jnp.float32),
            jax.ShapeDtypeStruct((NREL, N_SRC, H), jnp.float32),
        ],
    )(xs, W, As)


def _tc_dst_alpha(x_job, W, Ad):
    BLK = 2000

    def body(x_ref, w_ref, ad_ref, out_ref):
        cols = [
            jnp.dot(w_ref[r], ad_ref[r], preferred_element_type=jnp.float32)
            for r in range(NREL)
        ]
        wd = jnp.concatenate(cols, axis=1)
        out_ref[...] = jnp.dot(x_ref[...], wd, preferred_element_type=jnp.float32)

    return pl.pallas_call(
        body,
        grid=(N_JOB // BLK,),
        in_specs=[
            pl.BlockSpec((BLK, D), lambda i: (i, 0)),
            pl.BlockSpec((NREL, D, D), lambda i: (0, 0, 0)),
            pl.BlockSpec((NREL, D, 16), lambda i: (0, 0, 0)),
        ],
        out_specs=pl.BlockSpec((BLK, 16 * NREL), lambda i: (i, 0)),
        out_shape=jax.ShapeDtypeStruct((N_JOB, 16 * NREL), jnp.float32),
    )(x_job, W, Ad)


def _sc_edge_ex_den(src_flat, dst_flat, asv, adv_flat, zden):
    @functools.partial(
        pl.kernel,
        out_type=[
            jax.ShapeDtypeStruct((NREL * E_PAD, H), jnp.float32),
            jax.ShapeDtypeStruct((NREL * DEN_PR, 8), jnp.float32),
            jax.ShapeDtypeStruct((NREL * H * E_PAD,), jnp.float32),
        ],
        mesh=_mesh(),
        compiler_params=_sc_params(),
        scratch_types=[
            pltpu.VMEM((N_SRC, H), jnp.float32),
            pltpu.VMEM((CH,), jnp.int32),
            pltpu.VMEM((CH,), jnp.int32),
            pltpu.VMEM((CH,), jnp.int32),
            pltpu.VMEM((CH, 16), jnp.float32),
            pltpu.VMEM((CH, H), jnp.float32),
            pltpu.VMEM((CH, 8), jnp.float32),
            pltpu.VMEM((CH, 8), jnp.float32),
            pltpu.VMEM((H, CH), jnp.float32),
            pltpu.VMEM_SHARED((DEN_PR, 8), jnp.float32),
        ],
    )
    def k(src_hbm, dst_hbm, as_hbm, ad_hbm, zden_hbm, ex_hbm, den_hbm,
          coef_hbm, as_tab, srcv, dstv, adix, adrows, exb, exb8, denrows,
          cbuf, den_sp):
        core = lax.axis_index("c")
        sub = lax.axis_index("s")
        iota16 = lax.iota(jnp.int32, 16)

        rlo = core * 2
        rhi = 2 + core * 3

        pltpu.sync_copy(zden_hbm.at[pl.ds(0, CH)], exb8)

        @pl.loop(rlo, rhi)
        def _(r):
            pltpu.sync_copy(as_hbm.at[r], as_tab)
            pltpu.sync_copy(zden_hbm, den_sp.at[pl.ds(sub * DEN_PSLAB, DEN_PSLAB)])
            plsc.subcore_barrier()

            @pl.loop(0, SLAB2 // CH)
            def _(chix):
                base = r * E_PAD + sub * SLAB2 + chix * CH
                pltpu.sync_copy(
                    (src_hbm.at[pl.ds(base, CH)], dst_hbm.at[pl.ds(base, CH)]),
                    (srcv, dstv))

                @pl.loop(0, CH, step=16)
                def _(i):
                    adix[pl.ds(i, 16)] = dstv[pl.ds(i, 16)] * 5 + r

                pltpu.sync_copy(ad_hbm.at[adix], adrows)

                epos0 = sub * SLAB2 + chix * CH

                @pl.loop(0, CH, step=16)
                def _(i):
                    s16 = srcv[pl.ds(i, 16)]
                    pos = iota16 + (epos0 + i)
                    mask = pos < E
                    off = iota16 + i
                    for h in range(H):
                        hvec = jnp.full((16,), h, jnp.int32)
                        a_s = plsc.load_gather(as_tab, [s16, hvec])
                        a_d = plsc.load_gather(adrows, [off, hvec])
                        s = a_s + a_d
                        s = jnp.maximum(s, 0.2 * s)
                        ex = jnp.where(mask, jnp.exp(s), 0.0)
                        plsc.store_scatter(exb, [off, hvec], ex)
                        plsc.store_scatter(exb8, [off, hvec], ex)

                pltpu.sync_copy(exb, ex_hbm.at[pl.ds(base, CH)])
                pltpu.sync_copy(exb8, den_sp.at[dstv], add=True)

            plsc.subcore_barrier()
            pltpu.sync_copy(
                den_sp.at[pl.ds(sub * DEN_PSLAB, DEN_PSLAB)],
                den_hbm.at[pl.ds(r * DEN_PR + sub * DEN_PSLAB, DEN_PSLAB)],
            )
            plsc.subcore_barrier()

            @pl.loop(0, SLAB2 // CH)
            def _(chix):
                base = r * E_PAD + sub * SLAB2 + chix * CH
                pltpu.sync_copy(
                    (dst_hbm.at[pl.ds(base, CH)], ex_hbm.at[pl.ds(base, CH)]),
                    (dstv, exb))

                @pl.loop(0, CH, step=16)
                def _(i):
                    adix[pl.ds(i, 16)] = dstv[pl.ds(i, 16)] + r * DEN_PR

                pltpu.sync_copy(den_hbm.at[adix], denrows)

                @pl.loop(0, CH, step=16)
                def _(i):
                    off = iota16 + i
                    for h in range(H):
                        hvec = jnp.full((16,), h, jnp.int32)
                        exv = plsc.load_gather(exb, [off, hvec])
                        dnv = plsc.load_gather(denrows, [off, hvec])
                        cbuf[h, pl.ds(i, 16)] = exv / (dnv + 1e-16)

                for h in range(H):
                    pltpu.sync_copy(
                        cbuf.at[h],
                        coef_hbm.at[pl.ds(
                            (r * H + h) * E_PAD + sub * SLAB2 + chix * CH, CH)],
                    )

    return k(src_flat, dst_flat, asv, adv_flat, zden)


def _sc_messages(src_flat, dst_flat, coef, hs_flat, zacc):
    CH2 = C // 2

    @functools.partial(
        pl.kernel,
        out_type=jax.ShapeDtypeStruct((2 * H * ACC_ROWS, CH2), jnp.float32),
        mesh=_mesh(),
        compiler_params=_sc_params(),
        scratch_types=[
            pltpu.VMEM((CH5,), jnp.int32),
            pltpu.VMEM((CH5,), jnp.int32),
            pltpu.VMEM((CH5,), jnp.int32),
            pltpu.VMEM((CH5,), jnp.float32),
            pltpu.VMEM((CH5, CH2), jnp.float32),
            pltpu.VMEM_SHARED((ACC_ROWS, CH2), jnp.float32),
        ],
    )
    def k(src_hbm, dst_hbm, coef_hbm, hs_hbm, zacc_hbm, num_hbm,
          srcv, dstv, hsix, coefv, hrows, acc):
        core = lax.axis_index("c")
        sub = lax.axis_index("s")
        w = core * NS + sub

        @pl.loop(0, 4)
        def _(pi):
            h = core * 2 + (pi >> 1)
            half = pi & 1
            p = core * 4 + pi
            pltpu.sync_copy(zacc_hbm, acc.at[pl.ds(sub * ACC_SLAB, ACC_SLAB)])
            plsc.subcore_barrier()

            @pl.loop(0, NREL)
            def _(r):
                @pl.loop(0, SLAB2 // CH5)
                def _(chix):
                    base = r * E_PAD + sub * SLAB2 + chix * CH5
                    cbase = (r * H + h) * E_PAD + sub * SLAB2 + chix * CH5
                    pltpu.sync_copy(
                        (src_hbm.at[pl.ds(base, CH5)],
                         dst_hbm.at[pl.ds(base, CH5)],
                         coef_hbm.at[pl.ds(cbase, CH5)]),
                        (srcv, dstv, coefv))

                    hs0 = r * N_SRC * 2 * H + h * 2 + half

                    @pl.loop(0, CH5, step=16)
                    def _(i):
                        hsix[pl.ds(i, 16)] = srcv[pl.ds(i, 16)] * (2 * H) + hs0

                    pltpu.sync_copy(hs_hbm.at[hsix], hrows)

                    @pl.loop(0, CH5, step=16)
                    def _(i):
                        c16 = coefv[pl.ds(i, 16)]
                        for j in range(16):
                            cv = c16[j]
                            hrows[i + j, :] = hrows[i + j, :] * cv

                    pltpu.sync_copy(hrows, acc.at[dstv], add=True)

            plsc.subcore_barrier()
            pltpu.sync_copy(
                acc.at[pl.ds(sub * ACC_SLAB, ACC_SLAB)],
                num_hbm.at[pl.ds(p * ACC_ROWS + sub * ACC_SLAB, ACC_SLAB)],
            )
            plsc.subcore_barrier()

    return k(src_flat, dst_flat, coef, hs_flat, zacc)


def _tc_epilogue(parts, x_job, bias, ln_gamma, ln_beta):
    BLK = 1000

    W16 = C // 2

    def body(*refs):
        nrefs = refs[:8]
        xr, br, gr, btr, outr = refs[8:]
        bsum = jnp.sum(br[...], axis=0, keepdims=True)
        phs = []
        for q, nr in enumerate(nrefs):
            ph = (nr[...] + xr[:, q * W16:(q + 1) * W16]
                  + bsum[:, q * W16:(q + 1) * W16])
            phs.append(jnp.maximum(ph, 0.0))
        s1 = phs[0].sum(-1, keepdims=True)
        for p in phs[1:]:
            s1 = s1 + p.sum(-1, keepdims=True)
        mu = s1 * (1.0 / D)
        s2 = ((phs[0] - mu) ** 2).sum(-1, keepdims=True)
        for p in phs[1:]:
            s2 = s2 + ((p - mu) ** 2).sum(-1, keepdims=True)
        rstd = lax.rsqrt(s2 * (1.0 / D) + 1e-5)
        for q, p in enumerate(phs):
            outr[:, q * W16:(q + 1) * W16] = (
                (p - mu) * rstd * gr[:, q * W16:(q + 1) * W16]
                + btr[:, q * W16:(q + 1) * W16]
            )

    return pl.pallas_call(
        body,
        grid=(N_JOB // BLK,),
        in_specs=[pl.BlockSpec((BLK, W16), lambda i: (i, 0))] * 8 + [
            pl.BlockSpec((BLK, D), lambda i: (i, 0)),
            pl.BlockSpec((NREL, D), lambda i: (0, 0)),
            pl.BlockSpec((1, D), lambda i: (0, 0)),
            pl.BlockSpec((1, D), lambda i: (0, 0)),
        ],
        out_specs=pl.BlockSpec((BLK, D), lambda i: (i, 0)),
        out_shape=jax.ShapeDtypeStruct((N_JOB, D), jnp.float32),
    )(*parts, x_job, bias, ln_gamma.reshape(1, D), ln_beta.reshape(1, D))


def kernel(x_job, x_station, x_machine, x_robot, ei_can_load, ei_loaded,
           ei_will_execute, ei_execute, ei_hold, W, att_src, att_dst, bias,
           ln_gamma, ln_beta):
    eis = [ei_can_load, ei_loaded, ei_will_execute, ei_execute, ei_hold]
    xs = jnp.stack([x_station, x_station, x_machine, x_machine, x_robot])

    srcs = [jnp.pad(ei[0].astype(jnp.int32), (0, E_PAD - E)) for ei in eis]
    dsts = [jnp.pad(ei[1].astype(jnp.int32), (0, E_PAD - E)) for ei in eis]
    src_flat = jnp.concatenate(srcs)
    dst_flat = jnp.concatenate(dsts)

    eye = jnp.eye(H, dtype=jnp.float32)
    As = (att_src[:, :, :, None] * eye[:, None, :]).reshape(NREL, D, H)
    Ad4 = (att_dst[:, :, :, None] * eye[:, None, :]).reshape(NREL, D, H)
    Ad = jnp.concatenate([Ad4, jnp.zeros((NREL, D, 12), jnp.float32)], axis=-1)

    hs, asv = _tc_project(xs, W, As)
    adv = _tc_dst_alpha(x_job, W, Ad)

    zden = jnp.zeros((DEN_PSLAB, 8), jnp.float32)
    ex, den, coef = _sc_edge_ex_den(
        src_flat, dst_flat, asv, adv.reshape(NREL * N_JOB, 16), zden)

    zacc = jnp.zeros((ACC_SLAB, C // 2), jnp.float32)
    num = _sc_messages(
        src_flat, dst_flat, coef, hs.reshape(NREL * N_SRC * 2 * H, C // 2),
        zacc)

    parts = [lax.slice(num, (p * ACC_ROWS, 0), (p * ACC_ROWS + N_JOB, C // 2))
             for p in range(2 * H)]
    return _tc_epilogue(parts, x_job, bias, ln_gamma, ln_beta)

# --- scband reference (transcript-rebuilt; emitter-appended) ---
"""Pipeline reference for scband-job-embedding-4776003633687 (READ-ONLY COPY).

The authoritative reference and input builder live on the scoring server;
editing this copy changes nothing except your own understanding.
"""

import jax, jax.numpy as jnp
import numpy as np

N_JOB = 50000
N_ST = 10000
N_MA = 10000
N_RO = 10000
E = 120000
D = 128
H = 4
C = 32
REL_SRC_N = [N_ST, N_ST, N_MA, N_MA, N_RO]


def setup_inputs(seed: int = 0) -> dict:
    key = jax.random.key(seed)
    ks = jax.random.split(key, 24)
    x_job = jax.random.normal(ks[0], (N_JOB, D), jnp.float32)
    x_station = jax.random.normal(ks[1], (N_ST, D), jnp.float32)
    x_machine = jax.random.normal(ks[2], (N_MA, D), jnp.float32)
    x_robot = jax.random.normal(ks[3], (N_RO, D), jnp.float32)
    edges = []
    for i, n_src in enumerate(REL_SRC_N):
        src = jax.random.randint(ks[4 + 2 * i], (E,), 0, n_src)
        dst = jax.random.randint(ks[5 + 2 * i], (E,), 0, N_JOB)
        edges.append(jnp.stack([src, dst]))
    W = jax.random.normal(ks[14], (5, D, H * C), jnp.float32) * 0.05
    att_src = jax.random.normal(ks[15], (5, H, C), jnp.float32) * 0.1
    att_dst = jax.random.normal(ks[16], (5, H, C), jnp.float32) * 0.1
    bias = jnp.zeros((5, H * C), jnp.float32)
    ln_gamma = jnp.ones((D,), jnp.float32)
    ln_beta = jnp.zeros((D,), jnp.float32)
    return {
        "x_job": x_job, "x_station": x_station, "x_machine": x_machine, "x_robot": x_robot,
        "ei_can_load": edges[0], "ei_loaded": edges[1], "ei_will_execute": edges[2],
        "ei_execute": edges[3], "ei_hold": edges[4],
        "W": W, "att_src": att_src, "att_dst": att_dst, "bias": bias,
        "ln_gamma": ln_gamma, "ln_beta": ln_beta,
    }


def _gat(x_src, x_dst, ei, W, a_src, a_dst, b):
    n_dst = x_dst.shape[0]
    hs = (x_src @ W).reshape(-1, H, C)
    hd = (x_dst @ W).reshape(-1, H, C)
    src = ei[0]
    dst = ei[1]
    ae = (hs[src] * a_src[None]).sum(-1) + (hd[dst] * a_dst[None]).sum(-1)  # [E, H]
    ae = jax.nn.leaky_relu(ae, 0.2)
    amax = jax.ops.segment_max(ae, dst, num_segments=n_dst)
    amax = jnp.where(jnp.isfinite(amax), amax, 0.0)
    ex = jnp.exp(ae - amax[dst])
    den = jax.ops.segment_sum(ex, dst, num_segments=n_dst)
    coef = ex / (den[dst] + 1e-16)
    msg = hs[src] * coef[..., None]
    out = jax.ops.segment_sum(msg, dst, num_segments=n_dst)
    return out.reshape(n_dst, H * C) + b


def reference(x_job, x_station, x_machine, x_robot, ei_can_load, ei_loaded,
              ei_will_execute, ei_execute, ei_hold, W, att_src, att_dst, bias,
              ln_gamma, ln_beta):
    eis = [ei_can_load, ei_loaded, ei_will_execute, ei_execute, ei_hold]
    xs = [x_station, x_station, x_machine, x_machine, x_robot]
    h = jnp.zeros((N_JOB, D), jnp.float32)
    for r in range(5):
        h = h + _gat(xs[r], x_job, eis[r], W[r], att_src[r], att_dst[r], bias[r])
    # residual: dj == out_dim -> Identity
    h = h + x_job
    h = jax.nn.relu(h)
    mu = h.mean(-1, keepdims=True)
    var = ((h - mu) ** 2).mean(-1, keepdims=True)
    h = (h - mu) / jnp.sqrt(var + 1e-5) * ln_gamma + ln_beta
    return h

if __name__ == "__main__":
    import jax
    _d = setup_inputs()
    print(jax.jit(kernel)(*tuple(_d.values())))

</pallas_src>

<mosaic_0001>
#map = affine_map<(d0, d1) -> (0)>
#map1 = affine_map<(d0, d1) -> (0, 0)>
module attributes {stable_mosaic.version = 14 : i64} {
  func.func @k(%arg0: i32, %arg1: i32, %arg2: memref<614400xi32, #tpu.memory_space<hbm>>, %arg3: memref<614400xi32, #tpu.memory_space<hbm>>, %arg4: memref<2457600xf32, #tpu.memory_space<hbm>>, %arg5: memref<400000x16xf32, #tpu.memory_space<hbm>>, %arg6: memref<3128x16xf32, #tpu.memory_space<hbm>>, %arg7: memref<400384x16xf32, #tpu.memory_space<hbm>>, %arg8: memref<3840xi32, #tpu.memory_space<vmem>>, %arg9: memref<3840xi32, #tpu.memory_space<vmem>>, %arg10: memref<3840xi32, #tpu.memory_space<vmem>>, %arg11: memref<3840xf32, #tpu.memory_space<vmem>>, %arg12: memref<3840x16xf32, #tpu.memory_space<vmem>>, %arg13: memref<50048x16xf32, #tpu.memory_space<vmem_shared>>) attributes {dimension_semantics = [#tpu.dimension_semantics<core_parallel>, #tpu.dimension_semantics<subcore_parallel>], iteration_bounds = array<i64: 2, 16>, scalar_prefetch = 0 : i64, scratch_operands = 6 : i64, tpu.core_type = #tpu.core_type<sc_vector_subcore>, window_params = [{transform_indices = #map}, {transform_indices = #map}, {transform_indices = #map}, {transform_indices = #map1}, {transform_indices = #map1}, {transform_indices = #map1}]} {
    %mul3A = arith.constant 16 : i32
    %mul3A_0 = arith.muli %arg0, %mul3A : i32
    %add3A = arith.addi %mul3A_0, %arg1 : i32
    %scan3A = arith.constant 0 : i32
    %scan3A_1 = arith.constant 4 : i32
    %scan3A_2 = arith.addi %scan3A, %scan3A_1 : i32
    %scan3A_3 = arith.constant 1 : i32
    scf.for %scan3A_5 = %scan3A to %scan3A_2 step %scan3A_3  : i32 {
      %mul3A_6 = arith.constant 1 : i32
      %mul3A_7 = arith.muli %scan3A_5, %mul3A_6 : i32
      %add3A_8 = arith.constant 0 : i32
      %add3A_9 = arith.addi %add3A_8, %mul3A_7 : i32
      %mul3A_10 = arith.constant 2 : i32
      %mul3A_11 = arith.muli %arg0, %mul3A_10 : i32
      %shift_right_arithmetic3A = arith.constant 1 : i32
      %shift_right_arithmetic3A_12 = arith.shrsi %add3A_9, %shift_right_arithmetic3A : i32
      %add3A_13 = arith.addi %mul3A_11, %shift_right_arithmetic3A_12 : i32
      %and3A = arith.constant 1 : i32
      %and3A_14 = arith.andi %add3A_9, %and3A : i32
      %mul3A_15 = arith.constant 4 : i32
      %mul3A_16 = arith.muli %arg0, %mul3A_15 : i32
      %add3A_17 = arith.addi %mul3A_16, %add3A_9 : i32
      %mul3A_18 = arith.constant 3128 : i32
      %mul3A_19 = arith.muli %arg1, %mul3A_18 : i32
      "tpu.region"() ({
        %run_scoped3A = tpu.sem_alloc : memref<!tpu.dma_semaphore, #tpu.memory_space<semaphore_mem>>
        %dma_start3A = arith.constant 0 : i32
        %dma_start3A_34 = tpu.memref_slice %arg13[%mul3A_19, %dma_start3A] : memref<50048x16xf32, #tpu.memory_space<vmem_shared>> -> memref<3128x16xf32, #tpu.memory_space<vmem_shared>>
        tpu.enqueue_dma source(%arg6 : memref<3128x16xf32, #tpu.memory_space<hbm>>) target(%dma_start3A_34 : memref<3128x16xf32, #tpu.memory_space<vmem_shared>>) target_semaphore(%run_scoped3A : memref<!tpu.dma_semaphore, #tpu.memory_space<semaphore_mem>>)
        %dma_wait3A = arith.constant 0 : i32
        %dma_wait3A_35 = tpu.memref_slice %arg13[%mul3A_19, %dma_wait3A] : memref<50048x16xf32, #tpu.memory_space<vmem_shared>> -> memref<3128x16xf32, #tpu.memory_space<vmem_shared>>
        tpu.wait_dma2 semaphore(%run_scoped3A : memref<!tpu.dma_semaphore, #tpu.memory_space<semaphore_mem>>) src(%arg6 : memref<3128x16xf32, #tpu.memory_space<hbm>>) dst(%dma_wait3A_35 : memref<3128x16xf32, #tpu.memory_space<vmem_shared>>)
        tpu.yield
      }) : () -> ()
      %barrier3A = arith.constant 0 : index
      tpu.barrier barrier_id(%barrier3A)
      %scan3A_20 = arith.constant 0 : i32
      %scan3A_21 = arith.constant 5 : i32
      %scan3A_22 = arith.addi %scan3A_20, %scan3A_21 : i32
      %scan3A_23 = arith.constant 1 : i32
      scf.for %scan3A_34 = %scan3A_20 to %scan3A_22 step %scan3A_23  : i32 {
        %mul3A_35 = arith.constant 1 : i32
        %mul3A_36 = arith.muli %scan3A_34, %mul3A_35 : i32
        %add3A_37 = arith.constant 0 : i32
        %add3A_38 = arith.addi %add3A_37, %mul3A_36 : i32
        %scan3A_39 = arith.constant 0 : i32
        %scan3A_40 = arith.constant 2 : i32
        %scan3A_41 = arith.addi %scan3A_39, %scan3A_40 : i32
        %scan3A_42 = arith.constant 1 : i32
        scf.for %scan3A_44 = %scan3A_39 to %scan3A_41 step %scan3A_42  : i32 {
          %mul3A_45 = arith.constant 1 : i32
          %mul3A_46 = arith.muli %scan3A_44, %mul3A_45 : i32
          %add3A_47 = arith.constant 0 : i32
          %add3A_48 = arith.addi %add3A_47, %mul3A_46 : i32
          %mul3A_49 = arith.constant 122880 : i32
          %mul3A_50 = arith.muli %add3A_38, %mul3A_49 : i32
          %mul3A_51 = arith.constant 7680 : i32
          %mul3A_52 = arith.muli %arg1, %mul3A_51 : i32
          %add3A_53 = arith.addi %mul3A_50, %mul3A_52 : i32
          %mul3A_54 = arith.constant 3840 : i32
          %mul3A_55 = arith.muli %add3A_48, %mul3A_54 : i32
          %add3A_56 = arith.addi %add3A_53, %mul3A_55 : i32
          %mul3A_57 = arith.constant 4 : i32
          %mul3A_58 = arith.muli %add3A_38, %mul3A_57 : i32
          %add3A_59 = arith.addi %mul3A_58, %add3A_13 : i32
          %mul3A_60 = arith.constant 122880 : i32
          %mul3A_61 = arith.muli %add3A_59, %mul3A_60 : i32
          %mul3A_62 = arith.constant 7680 : i32
          %mul3A_63 = arith.muli %arg1, %mul3A_62 : i32
          %add3A_64 = arith.addi %mul3A_61, %mul3A_63 : i32
          %mul3A_65 = arith.constant 3840 : i32
          %mul3A_66 = arith.muli %add3A_48, %mul3A_65 : i32
          %add3A_67 = arith.addi %add3A_64, %mul3A_66 : i32
          "tpu.region"() ({
            %run_scoped3A = tpu.sem_alloc : memref<!tpu.dma_semaphore, #tpu.memory_space<semaphore_mem>>
            %dma_start3A = tpu.memref_slice %arg2[%add3A_56] : memref<614400xi32, #tpu.memory_space<hbm>> -> memref<3840xi32, #tpu.memory_space<hbm>>
            %dma_start3A_88 = tpu.memref_slice %arg2[%add3A_56] : memref<614400xi32, #tpu.memory_space<hbm>> -> memref<3840xi32, #tpu.memory_space<hbm>>
            tpu.enqueue_dma source(%dma_start3A_88 : memref<3840xi32, #tpu.memory_space<hbm>>) target(%arg8 : memref<3840xi32, #tpu.memory_space<vmem>>) target_semaphore(%run_scoped3A : memref<!tpu.dma_semaphore, #tpu.memory_space<semaphore_mem>>)
            %dma_start3A_89 = tpu.memref_slice %arg3[%add3A_56] : memref<614400xi32, #tpu.memory_space<hbm>> -> memref<3840xi32, #tpu.memory_space<hbm>>
            %dma_start3A_90 = tpu.memref_slice %arg3[%add3A_56] : memref<614400xi32, #tpu.memory_space<hbm>> -> memref<3840xi32, #tpu.memory_space<hbm>>
            tpu.enqueue_dma source(%dma_start3A_90 : memref<3840xi32, #tpu.memory_space<hbm>>) target(%arg9 : memref<3840xi32, #tpu.memory_space<vmem>>) target_semaphore(%run_scoped3A : memref<!tpu.dma_semaphore, #tpu.memory_space<semaphore_mem>>)
            %dma_start3A_91 = tpu.memref_slice %arg4[%add3A_67] : memref<2457600xf32, #tpu.memory_space<hbm>> -> memref<3840xf32, #tpu.memory_space<hbm>>
            %dma_start3A_92 = tpu.memref_slice %arg4[%add3A_67] : memref<2457600xf32, #tpu.memory_space<hbm>> -> memref<3840xf32, #tpu.memory_space<hbm>>
            tpu.enqueue_dma source(%dma_start3A_92 : memref<3840xf32, #tpu.memory_space<hbm>>) target(%arg11 : memref<3840xf32, #tpu.memory_space<vmem>>) target_semaphore(%run_scoped3A : memref<!tpu.dma_semaphore, #tpu.memory_space<semaphore_mem>>)
            %dma_wait3A = tpu.memref_slice %arg2[%add3A_56] : memref<614400xi32, #tpu.memory_space<hbm>> -> memref<3840xi32, #tpu.memory_space<hbm>>
            %dma_wait3A_93 = tpu.memref_slice %arg2[%add3A_56] : memref<614400xi32, #tpu.memory_space<hbm>> -> memref<3840xi32, #tpu.memory_space<hbm>>
            tpu.wait_dma2 semaphore(%run_scoped3A : memref<!tpu.dma_semaphore, #tpu.memory_space<semaphore_mem>>) src(%dma_wait3A_93 : memref<3840xi32, #tpu.memory_space<hbm>>) dst(%arg8 : memref<3840xi32, #tpu.memory_space<vmem>>)
            %dma_wait3A_94 = tpu.memref_slice %arg3[%add3A_56] : memref<614400xi32, #tpu.memory_space<hbm>> -> memref<3840xi32, #tpu.memory_space<hbm>>
            %dma_wait3A_95 = tpu.memref_slice %arg3[%add3A_56] : memref<614400xi32, #tpu.memory_space<hbm>> -> memref<3840xi32, #tpu.memory_space<hbm>>
            tpu.wait_dma2 semaphore(%run_scoped3A : memref<!tpu.dma_semaphore, #tpu.memory_space<semaphore_mem>>) src(%dma_wait3A_95 : memref<3840xi32, #tpu.memory_space<hbm>>) dst(%arg9 : memref<3840xi32, #tpu.memory_space<vmem>>)
            %dma_wait3A_96 = tpu.memref_slice %arg4[%add3A_67] : memref<2457600xf32, #tpu.memory_space<hbm>> -> memref<3840xf32, #tpu.memory_space<hbm>>
            %dma_wait3A_97 = tpu.memref_slice %arg4[%add3A_67] : memref<2457600xf32, #tpu.memory_space<hbm>> -> memref<3840xf32, #tpu.memory_space<hbm>>
            tpu.wait_dma2 semaphore(%run_scoped3A : memref<!tpu.dma_semaphore, #tpu.memory_space<semaphore_mem>>) src(%dma_wait3A_97 : memref<3840xf32, #tpu.memory_space<hbm>>) dst(%arg11 : memref<3840xf32, #tpu.memory_space<vmem>>)
            tpu.yield
          }) : () -> ()
          %mul3A_68 = arith.constant 10000 : i32
          %mul3A_69 = arith.muli %add3A_38, %mul3A_68 : i32
          %mul3A_70 = arith.constant 2 : i32
          %mul3A_71 = arith.muli %mul3A_69, %mul3A_70 : i32
          %mul3A_72 = arith.constant 4 : i32
          %mul3A_73 = arith.muli %mul3A_71, %mul3A_72 : i32
          %mul3A_74 = arith.constant 2 : i32
          %mul3A_75 = arith.muli %add3A_13, %mul3A_74 : i32
          %add3A_76 = arith.addi %mul3A_73, %mul3A_75 : i32
          %add3A_77 = arith.addi %add3A_76, %and3A_14 : i32
          %scan3A_78 = arith.constant 0 : i32
          %scan3A_79 = arith.constant 240 : i32
          %scan3A_80 = arith.addi %scan3A_78, %scan3A_79 : i32
          %scan3A_81 = arith.constant 1 : i32
          scf.for %scan3A_88 = %scan3A_78 to %scan3A_80 step %scan3A_81  : i32 {
            %mul3A_89 = arith.constant 16 : i32
            %mul3A_90 = arith.muli %scan3A_88, %mul3A_89 : i32
            %add3A_91 = arith.constant 0 : i32
            %add3A_92 = arith.addi %add3A_91, %mul3A_90 : i32
            %get3A = arith.index_cast %add3A_92 : i32 to index
            %get3A_93 = tpu.vector_load %arg8[%get3A] {strides = array<i32>} : memref<3840xi32, #tpu.memory_space<vmem>>, vector<16xi32>,
            %mul3A_94 = arith.constant 8 : i32
            %mul3A_95 = vector.broadcast %mul3A_94 : i32 to vector<16xi32>
            %mul3A_96 = arith.muli %get3A_93, %mul3A_95 : vector<16xi32>
            %add3A_97 = vector.broadcast %add3A_77 : i32 to vector<16xi32>
            %add3A_98 = arith.addi %mul3A_96, %add3A_97 : vector<16xi32>
            %swap3A = arith.index_cast %add3A_92 : i32 to index
            %swap3A_99 = tpu.vector_load %arg10[%swap3A] {strides = array<i32>} : memref<3840xi32, #tpu.memory_space<vmem>>, vector<16xi32>,
            tpu.vector_store %arg10[%swap3A], %add3A_98 {strides = array<i32>} : memref<3840xi32, #tpu.memory_space<vmem>>, vector<16xi32>,
          }
          %scan3A_82 = arith.constant 240 : i32
          "tpu.region"() ({
            %run_scoped3A = tpu.sem_alloc : memref<!tpu.dma_semaphore, #tpu.memory_space<semaphore_mem>>
            %dma_start3A = arith.constant 0 : i32
            %dma_start3A_88 = arith.constant 0 : i32
            %dma_start3A_89 = tpu.memref_slice %arg5[%dma_start3A, %dma_start3A_88] : memref<400000x16xf32, #tpu.memory_space<hbm>> -> memref<400000x16xf32, #tpu.memory_space<hbm>>
            tpu.enqueue_indirect_dma source(%dma_start3A_89 : memref<400000x16xf32, #tpu.memory_space<hbm>>) target(%arg12 : memref<3840x16xf32, #tpu.memory_space<vmem>>) offsets(%arg10 : memref<3840xi32, #tpu.memory_space<vmem>>) semaphore(%run_scoped3A : memref<!tpu.dma_semaphore, #tpu.memory_space<semaphore_mem>>)
            %dma_wait3A = arith.constant 0 : i32
            %dma_wait3A_90 = arith.constant 0 : i32
            %dma_wait3A_91 = tpu.memref_slice %arg5[%dma_wait3A, %dma_wait3A_90] : memref<400000x16xf32, #tpu.memory_space<hbm>> -> memref<400000x16xf32, #tpu.memory_space<hbm>>
            tpu.wait_indirect_dma semaphore(%run_scoped3A : memref<!tpu.dma_semaphore, #tpu.memory_space<semaphore_mem>>) src(%dma_wait3A_91 : memref<400000x16xf32, #tpu.memory_space<hbm>>) dst(%arg12 : memref<3840x16xf32, #tpu.memory_space<vmem>>)
            tpu.yield
          }) : () -> ()
          %scan3A_83 = arith.constant 0 : i32
          %scan3A_84 = arith.constant 240 : i32
          %scan3A_85 = arith.addi %scan3A_83, %scan3A_84 : i32
          %scan3A_86 = arith.constant 1 : i32
          scf.for %scan3A_88 = %scan3A_83 to %scan3A_85 step %scan3A_86  : i32 {
            %mul3A_89 = arith.constant 16 : i32
            %mul3A_90 = arith.muli %scan3A_88, %mul3A_89 : i32
            %add3A_91 = arith.constant 0 : i32
            %add3A_92 = arith.addi %add3A_91, %mul3A_90 : i32
            %get3A = arith.index_cast %add3A_92 : i32 to index
            %get3A_93 = tpu.vector_load %arg11[%get3A] {strides = array<i32>} : memref<3840xf32, #tpu.memory_space<vmem>>, vector<16xf32>,
            %slice3A = vector.extract_strided_slice %get3A_93 {offsets = [0], sizes = [1], strides = [1]} : vector<16xf32> to vector<1xf32>
            %squeeze3A = vector.extract %slice3A[0] : f32 from vector<1xf32>
            %add3A_94 = arith.constant 0 : i32
            %add3A_95 = arith.addi %add3A_92, %add3A_94 : i32
            %get3A_96 = arith.index_cast %add3A_95 : i32 to index
            %get3A_97 = arith.constant 0 : index
            %get3A_98 = tpu.vector_load %arg12[%get3A_96, %get3A_97] {strides = array<i32>} : memref<3840x16xf32, #tpu.memory_space<vmem>>, vector<16xf32>,
            %mul3A_99 = vector.broadcast %squeeze3A : f32 to vector<16xf32>
            %mul3A_100 = arith.mulf %get3A_98, %mul3A_99 : vector<16xf32>
            %add3A_101 = arith.constant 0 : i32
            %add3A_102 = arith.addi %add3A_92, %add3A_101 : i32
            %swap3A = arith.index_cast %add3A_102 : i32 to index
            %swap3A_103 = arith.constant 0 : index
            %swap3A_104 = tpu.vector_load %arg12[%swap3A, %swap3A_103] {strides = array<i32>} : memref<3840x16xf32, #tpu.memory_space<vmem>>, vector<16xf32>,
            tpu.vector_store %arg12[%swap3A, %swap3A_103], %mul3A_100 {strides = array<i32>} : memref<3840x16xf32, #tpu.memory_space<vmem>>, vector<16xf32>,
            %slice3A_105 = vector.extract_strided_slice %get3A_93 {offsets = [1], sizes = [1], strides = [1]} : vector<16xf32> to vector<1xf32>
            %squeeze3A_106 = vector.extract %slice3A_105[0] : f32 from vector<1xf32>
            %add3A_107 = arith.constant 1 : i32
            %add3A_108 = arith.addi %add3A_92, %add3A_107 : i32
            %get3A_109 = arith.index_cast %add3A_108 : i32 to index
            %get3A_110 = arith.constant 0 : index
            %get3A_111 = tpu.vector_load %arg12[%get3A_109, %get3A_110] {strides = array<i32>} : memref<3840x16xf32, #tpu.memory_space<vmem>>, vector<16xf32>,
            %mul3A_112 = vector.broadcast %squeeze3A_106 : f32 to vector<16xf32>
            %mul3A_113 = arith.mulf %get3A_111, %mul3A_112 : vector<16xf32>
            %add3A_114 = arith.constant 1 : i32
            %add3A_115 = arith.addi %add3A_92, %add3A_114 : i32
            %swap3A_116 = arith.index_cast %add3A_115 : i32 to index
            %swap3A_117 = arith.constant 0 : index
            %swap3A_118 = tpu.vector_load %arg12[%swap3A_116, %swap3A_117] {strides = array<i32>} : memref<3840x16xf32, #tpu.memory_space<vmem>>, vector<16xf32>,
            tpu.vector_store %arg12[%swap3A_116, %swap3A_117], %mul3A_113 {strides = array<i32>} : memref<3840x16xf32, #tpu.memory_space<vmem>>, vector<16xf32>,
            %slice3A_119 = vector.extract_strided_slice %get3A_93 {offsets = [2], sizes = [1], strides = [1]} : vector<16xf32> to vector<1xf32>
            %squeeze3A_120 = vector.extract %slice3A_119[0] : f32 from vector<1xf32>
            %add3A_121 = arith.constant 2 : i32
            %add3A_122 = arith.addi %add3A_92, %add3A_121 : i32
            %get3A_123 = arith.index_cast %add3A_122 : i32 to index
            %get3A_124 = arith.constant 0 : index
            %get3A_125 = tpu.vector_load %arg12[%get3A_123, %get3A_124] {strides = array<i32>} : memref<3840x16xf32, #tpu.memory_space<vmem>>, vector<16xf32>,
            %mul3A_126 = vector.broadcast %squeeze3A_120 : f32 to vector<16xf32>
            %mul3A_127 = arith.mulf %get3A_125, %mul3A_126 : vector<16xf32>
            %add3A_128 = arith.constant 2 : i32
            %add3A_129 = arith.addi %add3A_92, %add3A_128 : i32
            %swap3A_130 = arith.index_cast %add3A_129 : i32 to index
            %swap3A_131 = arith.constant 0 : index
            %swap3A_132 = tpu.vector_load %arg12[%swap3A_130, %swap3A_131] {strides = array<i32>} : memref<3840x16xf32, #tpu.memory_space<vmem>>, vector<16xf32>,
            tpu.vector_store %arg12[%swap3A_130, %swap3A_131], %mul3A_127 {strides = array<i32>} : memref<3840x16xf32, #tpu.memory_space<vmem>>, vector<16xf32>,
            %slice3A_133 = vector.extract_strided_slice %get3A_93 {offsets = [3], sizes = [1], strides = [1]} : vector<16xf32> to vector<1xf32>
            %squeeze3A_134 = vector.extract %slice3A_133[0] : f32 from vector<1xf32>
            %add3A_135 = arith.constant 3 : i32
            %add3A_136 = arith.addi %add3A_92, %add3A_135 : i32
            %get3A_137 = arith.index_cast %add3A_136 : i32 to index
            %get3A_138 = arith.constant 0 : index
            %get3A_139 = tpu.vector_load %arg12[%get3A_137, %get3A_138] {strides = array<i32>} : memref<3840x16xf32, #tpu.memory_space<vmem>>, vector<16xf32>,
            %mul3A_140 = vector.broadcast %squeeze3A_134 : f32 to vector<16xf32>
            %mul3A_141 = arith.mulf %get3A_139, %mul3A_140 : vector<16xf32>
            %add3A_142 = arith.constant 3 : i32
            %add3A_143 = arith.addi %add3A_92, %add3A_142 : i32
            %swap3A_144 = arith.index_cast %add3A_143 : i32 to index
            %swap3A_145 = arith.constant 0 : index
            %swap3A_146 = tpu.vector_load %arg12[%swap3A_144, %swap3A_145] {strides = array<i32>} : memref<3840x16xf32, #tpu.memory_space<vmem>>, vector<16xf32>,
            tpu.vector_store %arg12[%swap3A_144, %swap3A_145], %mul3A_141 {strides = array<i32>} : memref<3840x16xf32, #tpu.memory_space<vmem>>, vector<16xf32>,
            %slice3A_147 = vector.extract_strided_slice %get3A_93 {offsets = [4], sizes = [1], strides = [1]} : vector<16xf32> to vector<1xf32>
            %squeeze3A_148 = vector.extract %slice3A_147[0] : f32 from vector<1xf32>
            %add3A_149 = arith.constant 4 : i32
            %add3A_150 = arith.addi %add3A_92, %add3A_149 : i32
            %get3A_151 = arith.index_cast %add3A_150 : i32 to index
            %get3A_152 = arith.constant 0 : index
            %get3A_153 = tpu.vector_load %arg12[%get3A_151, %get3A_152] {strides = array<i32>} : memref<3840x16xf32, #tpu.memory_space<vmem>>, vector<16xf32>,
            %mul3A_154 = vector.broadcast %squeeze3A_148 : f32 to vector<16xf32>
            %mul3A_155 = arith.mulf %get3A_153, %mul3A_154 : vector<16xf32>
            %add3A_156 = arith.constant 4 : i32
            %add3A_157 = arith.addi %add3A_92, %add3A_156 : i32
            %swap3A_158 = arith.index_cast %add3A_157 : i32 to index
            %swap3A_159 = arith.constant 0 : index
            %swap3A_160 = tpu.vector_load %arg12[%swap3A_158, %swap3A_159] {strides = array<i32>} : memref<3840x16xf32, #tpu.memory_space<vmem>>, vector<16xf32>,
            tpu.vector_store %arg12[%swap3A_158, %swap3A_159], %mul3A_155 {strides = array<i32>} : memref<3840x16xf32, #tpu.memory_space<vmem>>, vector<16xf32>,
            %slice3A_161 = vector.extract_strided_slice %get3A_93 {offsets = [5], sizes = [1], strides = [1]} : vector<16xf32> to vector<1xf32>
            %squeeze3A_162 = vector.extract %slice3A_161[0] : f32 from vector<1xf32>
            %add3A_163 = arith.constant 5 : i32
            %add3A_164 = arith.addi %add3A_92, %add3A_163 : i32
            %get3A_165 = arith.index_cast %add3A_164 : i32 to index
            %get3A_166 = arith.constant 0 : index
            %get3A_167 = tpu.vector_load %arg12[%get3A_165, %get3A_166] {strides = array<i32>} : memref<3840x16xf32, #tpu.memory_space<vmem>>, vector<16xf32>,
            %mul3A_168 = vector.broadcast %squeeze3A_162 : f32 to vector<16xf32>
            %mul3A_169 = arith.mulf %get3A_167, %mul3A_168 : vector<16xf32>
            %add3A_170 = arith.constant 5 : i32
            %add3A_171 = arith.addi %add3A_92, %add3A_170 : i32
            %swap3A_172 = arith.index_cast %add3A_171 : i32 to index
            %swap3A_173 = arith.constant 0 : index
            %swap3A_174 = tpu.vector_load %arg12[%swap3A_172, %swap3A_173] {strides = array<i32>} : memref<3840x16xf32, #tpu.memory_space<vmem>>, vector<16xf32>,
            tpu.vector_store %arg12[%swap3A_172, %swap3A_173], %mul3A_169 {strides = array<i32>} : memref<3840x16xf32, #tpu.memory_space<vmem>>, vector<16xf32>,
            %slice3A_175 = vector.extract_strided_slice %get3A_93 {offsets = [6], sizes = [1], strides = [1]} : vector<16xf32> to vector<1xf32>
            %squeeze3A_176 = vector.extract %slice3A_175[0] : f32 from vector<1xf32>
            %add3A_177 = arith.constant 6 : i32
            %add3A_178 = arith.addi %add3A_92, %add3A_177 : i32
            %get3A_179 = arith.index_cast %add3A_178 : i32 to index
            %get3A_180 = arith.constant 0 : index
            %get3A_181 = tpu.vector_load %arg12[%get3A_179, %get3A_180] {strides = array<i32>} : memref<3840x16xf32, #tpu.memory_space<vmem>>, vector<16xf32>,
            %mul3A_182 = vector.broadcast %squeeze3A_176 : f32 to vector<16xf32>
            %mul3A_183 = arith.mulf %get3A_181, %mul3A_182 : vector<16xf32>
            %add3A_184 = arith.constant 6 : i32
            %add3A_185 = arith.addi %add3A_92, %add3A_184 : i32
            %swap3A_186 = arith.index_cast %add3A_185 : i32 to index
            %swap3A_187 = arith.constant 0 : index
            %swap3A_188 = tpu.vector_load %arg12[%swap3A_186, %swap3A_187] {strides = array<i32>} : memref<3840x16xf32, #tpu.memory_space<vmem>>, vector<16xf32>,
            tpu.vector_store %arg12[%swap3A_186, %swap3A_187], %mul3A_183 {strides = array<i32>} : memref<3840x16xf32, #tpu.memory_space<vmem>>, vector<16xf32>,
            %slice3A_189 = vector.extract_strided_slice %get3A_93 {offsets = [7], sizes = [1], strides = [1]} : vector<16xf32> to vector<1xf32>
            %squeeze3A_190 = vector.extract %slice3A_189[0] : f32 from vector<1xf32>
            %add3A_191 = arith.constant 7 : i32
            %add3A_192 = arith.addi %add3A_92, %add3A_191 : i32
            %get3A_193 = arith.index_cast %add3A_192 : i32 to index
            %get3A_194 = arith.constant 0 : index
            %get3A_195 = tpu.vector_load %arg12[%get3A_193, %get3A_194] {strides = array<i32>} : memref<3840x16xf32, #tpu.memory_space<vmem>>, vector<16xf32>,
            %mul3A_196 = vector.broadcast %squeeze3A_190 : f32 to vector<16xf32>
            %mul3A_197 = arith.mulf %get3A_195, %mul3A_196 : vector<16xf32>
            %add3A_198 = arith.constant 7 : i32
            %add3A_199 = arith.addi %add3A_92, %add3A_198 : i32
            %swap3A_200 = arith.index_cast %add3A_199 : i32 to index
            %swap3A_201 = arith.constant 0 : index
            %swap3A_202 = tpu.vector_load %arg12[%swap3A_200, %swap3A_201] {strides = array<i32>} : memref<3840x16xf32, #tpu.memory_space<vmem>>, vector<16xf32>,
            tpu.vector_store %arg12[%swap3A_200, %swap3A_201], %mul3A_197 {strides = array<i32>} : memref<3840x16xf32, #tpu.memory_space<vmem>>, vector<16xf32>,
            %slice3A_203 = vector.extract_strided_slice %get3A_93 {offsets = [8], sizes = [1], strides = [1]} : vector<16xf32> to vector<1xf32>
            %squeeze3A_204 = vector.extract %slice3A_203[0] : f32 from vector<1xf32>
            %add3A_205 = arith.constant 8 : i32
            %add3A_206 = arith.addi %add3A_92, %add3A_205 : i32
            %get3A_207 = arith.index_cast %add3A_206 : i32 to index
            %get3A_208 = arith.constant 0 : index
            %get3A_209 = tpu.vector_load %arg12[%get3A_207, %get3A_208] {strides = array<i32>} : memref<3840x16xf32, #tpu.memory_space<vmem>>, vector<16xf32>,
            %mul3A_210 = vector.broadcast %squeeze3A_204 : f32 to vector<16xf32>
            %mul3A_211 = arith.mulf %get3A_209, %mul3A_210 : vector<16xf32>
            %add3A_212 = arith.constant 8 : i32
            %add3A_213 = arith.addi %add3A_92, %add3A_212 : i32
            %swap3A_214 = arith.index_cast %add3A_213 : i32 to index
            %swap3A_215 = arith.constant 0 : index
            %swap3A_216 = tpu.vector_load %arg12[%swap3A_214, %swap3A_215] {strides = array<i32>} : memref<3840x16xf32, #tpu.memory_space<vmem>>, vector<16xf32>,
            tpu.vector_store %arg12[%swap3A_214, %swap3A_215], %mul3A_211 {strides = array<i32>} : memref<3840x16xf32, #tpu.memory_space<vmem>>, vector<16xf32>,
            %slice3A_217 = vector.extract_strided_slice %get3A_93 {offsets = [9], sizes = [1], strides = [1]} : vector<16xf32> to vector<1xf32>
            %squeeze3A_218 = vector.extract %slice3A_217[0] : f32 from vector<1xf32>
            %add3A_219 = arith.constant 9 : i32
            %add3A_220 = arith.addi %add3A_92, %add3A_219 : i32
            %get3A_221 = arith.index_cast %add3A_220 : i32 to index
            %get3A_222 = arith.constant 0 : index
            %get3A_223 = tpu.vector_load %arg12[%get3A_221, %get3A_222] {strides = array<i32>} : memref<3840x16xf32, #tpu.memory_space<vmem>>, vector<16xf32>,
            %mul3A_224 = vector.broadcast %squeeze3A_218 : f32 to vector<16xf32>
            %mul3A_225 = arith.mulf %get3A_223, %mul3A_224 : vector<16xf32>
            %add3A_226 = arith.constant 9 : i32
            %add3A_227 = arith.addi %add3A_92, %add3A_226 : i32
            %swap3A_228 = arith.index_cast %add3A_227 : i32 to index
            %swap3A_229 = arith.constant 0 : index
            %swap3A_230 = tpu.vector_load %arg12[%swap3A_228, %swap3A_229] {strides = array<i32>} : memref<3840x16xf32, #tpu.memory_space<vmem>>, vector<16xf32>,
            tpu.vector_store %arg12[%swap3A_228, %swap3A_229], %mul3A_225 {strides = array<i32>} : memref<3840x16xf32, #tpu.memory_space<vmem>>, vector<16xf32>,
            %slice3A_231 = vector.extract_strided_slice %get3A_93 {offsets = [10], sizes = [1], strides = [1]} : vector<16xf32> to vector<1xf32>
            %squeeze3A_232 = vector.extract %slice3A_231[0] : f32 from vector<1xf32>
            %add3A_233 = arith.constant 10 : i32
            %add3A_234 = arith.addi %add3A_92, %add3A_233 : i32
            %get3A_235 = arith.index_cast %add3A_234 : i32 to index
            %get3A_236 = arith.constant 0 : index
            %get3A_237 = tpu.vector_load %arg12[%get3A_235, %get3A_236] {strides = array<i32>} : memref<3840x16xf32, #tpu.memory_space<vmem>>, vector<16xf32>,
            %mul3A_238 = vector.broadcast %squeeze3A_232 : f32 to vector<16xf32>
            %mul3A_239 = arith.mulf %get3A_237, %mul3A_238 : vector<16xf32>
            %add3A_240 = arith.constant 10 : i32
            %add3A_241 = arith.addi %add3A_92, %add3A_240 : i32
            %swap3A_242 = arith.index_cast %add3A_241 : i32 to index
            %swap3A_243 = arith.constant 0 : index
            %swap3A_244 = tpu.vector_load %arg12[%swap3A_242, %swap3A_243] {strides = array<i32>} : memref<3840x16xf32, #tpu.memory_space<vmem>>, vector<16xf32>,
            tpu.vector_store %arg12[%swap3A_242, %swap3A_243], %mul3A_239 {strides = array<i32>} : memref<3840x16xf32, #tpu.memory_space<vmem>>, vector<16xf32>,
            %slice3A_245 = vector.extract_strided_slice %get3A_93 {offsets = [11], sizes = [1], strides = [1]} : vector<16xf32> to vector<1xf32>
            %squeeze3A_246 = vector.extract %slice3A_245[0] : f32 from vector<1xf32>
            %add3A_247 = arith.constant 11 : i32
            %add3A_248 = arith.addi %add3A_92, %add3A_247 : i32
            %get3A_249 = arith.index_cast %add3A_248 : i32 to index
            %get3A_250 = arith.constant 0 : index
            %get3A_251 = tpu.vector_load %arg12[%get3A_249, %get3A_250] {strides = array<i32>} : memref<3840x16xf32, #tpu.memory_space<vmem>>, vector<16xf32>,
            %mul3A_252 = vector.broadcast %squeeze3A_246 : f32 to vector<16xf32>
            %mul3A_253 = arith.mulf %get3A_251, %mul3A_252 : vector<16xf32>
            %add3A_254 = arith.constant 11 : i32
            %add3A_255 = arith.addi %add3A_92, %add3A_254 : i32
            %swap3A_256 = arith.index_cast %add3A_255 : i32 to index
            %swap3A_257 = arith.constant 0 : index
            %swap3A_258 = tpu.vector_load %arg12[%swap3A_256, %swap3A_257] {strides = array<i32>} : memref<3840x16xf32, #tpu.memory_space<vmem>>, vector<16xf32>,
            tpu.vector_store %arg12[%swap3A_256, %swap3A_257], %mul3A_253 {strides = array<i32>} : memref<3840x16xf32, #tpu.memory_space<vmem>>, vector<16xf32>,
            %slice3A_259 = vector.extract_strided_slice %get3A_93 {offsets = [12], sizes = [1], strides = [1]} : vector<16xf32> to vector<1xf32>
            %squeeze3A_260 = vector.extract %slice3A_259[0] : f32 from vector<1xf32>
            %add3A_261 = arith.constant 12 : i32
            %add3A_262 = arith.addi %add3A_92, %add3A_261 : i32
            %get3A_263 = arith.index_cast %add3A_262 : i32 to index
            %get3A_264 = arith.constant 0 : index
            %get3A_265 = tpu.vector_load %arg12[%get3A_263, %get3A_264] {strides = array<i32>} : memref<3840x16xf32, #tpu.memory_space<vmem>>, vector<16xf32>,
            %mul3A_266 = vector.broadcast %squeeze3A_260 : f32 to vector<16xf32>
            %mul3A_267 = arith.mulf %get3A_265, %mul3A_266 : vector<16xf32>
            %add3A_268 = arith.constant 12 : i32
            %add3A_269 = arith.addi %add3A_92, %add3A_268 : i32
            %swap3A_270 = arith.index_cast %add3A_269 : i32 to index
            %swap3A_271 = arith.constant 0 : index
            %swap3A_272 = tpu.vector_load %arg12[%swap3A_270, %swap3A_271] {strides = array<i32>} : memref<3840x16xf32, #tpu.memory_space<vmem>>, vector<16xf32>,
            tpu.vector_store %arg12[%swap3A_270, %swap3A_271], %mul3A_267 {strides = array<i32>} : memref<3840x16xf32, #tpu.memory_space<vmem>>, vector<16xf32>,
            %slice3A_273 = vector.extract_strided_slice %get3A_93 {offsets = [13], sizes = [1], strides = [1]} : vector<16xf32> to vector<1xf32>
            %squeeze3A_274 = vector.extract %slice3A_273[0] : f32 from vector<1xf32>
            %add3A_275 = arith.constant 13 : i32
            %add3A_276 = arith.addi %add3A_92, %add3A_275 : i32
            %get3A_277 = arith.index_cast %add3A_276 : i32 to index
            %get3A_278 = arith.constant 0 : index
            %get3A_279 = tpu.vector_load %arg12[%get3A_277, %get3A_278] {strides = array<i32>} : memref<3840x16xf32, #tpu.memory_space<vmem>>, vector<16xf32>,
            %mul3A_280 = vector.broadcast %squeeze3A_274 : f32 to vector<16xf32>
            %mul3A_281 = arith.mulf %get3A_279, %mul3A_280 : vector<16xf32>
            %add3A_282 = arith.constant 13 : i32
            %add3A_283 = arith.addi %add3A_92, %add3A_282 : i32
            %swap3A_284 = arith.index_cast %add3A_283 : i32 to index
            %swap3A_285 = arith.constant 0 : index
            %swap3A_286 = tpu.vector_load %arg12[%swap3A_284, %swap3A_285] {strides = array<i32>} : memref<3840x16xf32, #tpu.memory_space<vmem>>, vector<16xf32>,
            tpu.vector_store %arg12[%swap3A_284, %swap3A_285], %mul3A_281 {strides = array<i32>} : memref<3840x16xf32, #tpu.memory_space<vmem>>, vector<16xf32>,
            %slice3A_287 = vector.extract_strided_slice %get3A_93 {offsets = [14], sizes = [1], strides = [1]} : vector<16xf32> to vector<1xf32>
            %squeeze3A_288 = vector.extract %slice3A_287[0] : f32 from vector<1xf32>
            %add3A_289 = arith.constant 14 : i32
            %add3A_290 = arith.addi %add3A_92, %add3A_289 : i32
            %get3A_291 = arith.index_cast %add3A_290 : i32 to index
            %get3A_292 = arith.constant 0 : index
            %get3A_293 = tpu.vector_load %arg12[%get3A_291, %get3A_292] {strides = array<i32>} : memref<3840x16xf32, #tpu.memory_space<vmem>>, vector<16xf32>,
            %mul3A_294 = vector.broadcast %squeeze3A_288 : f32 to vector<16xf32>
            %mul3A_295 = arith.mulf %get3A_293, %mul3A_294 : vector<16xf32>
            %add3A_296 = arith.constant 14 : i32
            %add3A_297 = arith.addi %add3A_92, %add3A_296 : i32
            %swap3A_298 = arith.index_cast %add3A_297 : i32 to index
            %swap3A_299 = arith.constant 0 : index
            %swap3A_300 = tpu.vector_load %arg12[%swap3A_298, %swap3A_299] {strides = array<i32>} : memref<3840x16xf32, #tpu.memory_space<vmem>>, vector<16xf32>,
            tpu.vector_store %arg12[%swap3A_298, %swap3A_299], %mul3A_295 {strides = array<i32>} : memref<3840x16xf32, #tpu.memory_space<vmem>>, vector<16xf32>,
            %slice3A_301 = vector.extract_strided_slice %get3A_93 {offsets = [15], sizes = [1], strides = [1]} : vector<16xf32> to vector<1xf32>
            %squeeze3A_302 = vector.extract %slice3A_301[0] : f32 from vector<1xf32>
            %add3A_303 = arith.constant 15 : i32
            %add3A_304 = arith.addi %add3A_92, %add3A_303 : i32
            %get3A_305 = arith.index_cast %add3A_304 : i32 to index
            %get3A_306 = arith.constant 0 : index
            %get3A_307 = tpu.vector_load %arg12[%get3A_305, %get3A_306] {strides = array<i32>} : memref<3840x16xf32, #tpu.memory_space<vmem>>, vector<16xf32>,
            %mul3A_308 = vector.broadcast %squeeze3A_302 : f32 to vector<16xf32>
            %mul3A_309 = arith.mulf %get3A_307, %mul3A_308 : vector<16xf32>
            %add3A_310 = arith.constant 15 : i32
            %add3A_311 = arith.addi %add3A_92, %add3A_310 : i32
            %swap3A_312 = arith.index_cast %add3A_311 : i32 to index
            %swap3A_313 = arith.constant 0 : index
            %swap3A_314 = tpu.vector_load %arg12[%swap3A_312, %swap3A_313] {strides = array<i32>} : memref<3840x16xf32, #tpu.memory_space<vmem>>, vector<16xf32>,
            tpu.vector_store %arg12[%swap3A_312, %swap3A_313], %mul3A_309 {strides = array<i32>} : memref<3840x16xf32, #tpu.memory_space<vmem>>, vector<16xf32>,
          }
          %scan3A_87 = arith.constant 240 : i32
          "tpu.region"() ({
            %run_scoped3A = tpu.sem_alloc : memref<!tpu.dma_semaphore, #tpu.memory_space<semaphore_mem>>
            %dma_start3A = arith.constant 0 : i32
            %dma_start3A_88 = arith.constant 0 : i32
            %dma_start3A_89 = tpu.memref_slice %arg13[%dma_start3A, %dma_start3A_88] : memref<50048x16xf32, #tpu.memory_space<vmem_shared>> -> memref<50048x16xf32, #tpu.memory_space<vmem_shared>>
            tpu.enqueue_indirect_dma source(%arg12 : memref<3840x16xf32, #tpu.memory_space<vmem>>) target(%dma_start3A_89 : memref<50048x16xf32, #tpu.memory_space<vmem_shared>>) offsets(%arg9 : memref<3840xi32, #tpu.memory_space<vmem>>) semaphore(%run_scoped3A : memref<!tpu.dma_semaphore, #tpu.memory_space<semaphore_mem>>) {add = true}
            %dma_wait3A = arith.constant 0 : i32
            %dma_wait3A_90 = arith.constant 0 : i32
            %dma_wait3A_91 = tpu.memref_slice %arg13[%dma_wait3A, %dma_wait3A_90] : memref<50048x16xf32, #tpu.memory_space<vmem_shared>> -> memref<50048x16xf32, #tpu.memory_space<vmem_shared>>
            tpu.wait_indirect_dma semaphore(%run_scoped3A : memref<!tpu.dma_semaphore, #tpu.memory_space<semaphore_mem>>) src(%arg12 : memref<3840x16xf32, #tpu.memory_space<vmem>>) dst(%dma_wait3A_91 : memref<50048x16xf32, #tpu.memory_space<vmem_shared>>)
            tpu.yield
          }) : () -> ()
        }
        %scan3A_43 = arith.constant 2 : i32
      }
      %scan3A_24 = arith.constant 5 : i32
      %barrier3A_25 = arith.constant 0 : index
      tpu.barrier barrier_id(%barrier3A_25)
      %mul3A_26 = arith.constant 3128 : i32
      %mul3A_27 = arith.muli %arg1, %mul3A_26 : i32
      %mul3A_28 = arith.constant 50048 : i32
      %mul3A_29 = arith.muli %add3A_17, %mul3A_28 : i32
      %mul3A_30 = arith.constant 3128 : i32
      %mul3A_31 = arith.muli %arg1, %mul3A_30 : i32
      %add3A_32 = arith.addi %mul3A_29, %mul3A_31 : i32
      "tpu.region"() ({
        %run_scoped3A = tpu.sem_alloc : memref<!tpu.dma_semaphore, #tpu.memory_space<semaphore_mem>>
        %dma_start3A = arith.constant 0 : i32
        %dma_start3A_34 = tpu.memref_slice %arg7[%add3A_32, %dma_start3A] : memref<400384x16xf32, #tpu.memory_space<hbm>> -> memref<3128x16xf32, #tpu.memory_space<hbm>>
        %dma_start3A_35 = arith.constant 0 : i32
        %dma_start3A_36 = tpu.memref_slice %arg13[%mul3A_27, %dma_start3A_35] : memref<50048x16xf32, #tpu.memory_space<vmem_shared>> -> memref<3128x16xf32, #tpu.memory_space<vmem_shared>>
        tpu.enqueue_dma source(%dma_start3A_36 : memref<3128x16xf32, #tpu.memory_space<vmem_shared>>) target(%dma_start3A_34 : memref<3128x16xf32, #tpu.memory_space<hbm>>) target_semaphore(%run_scoped3A : memref<!tpu.dma_semaphore, #tpu.memory_space<semaphore_mem>>)
        %dma_wait3A = arith.constant 0 : i32
        %dma_wait3A_37 = tpu.memref_slice %arg7[%add3A_32, %dma_wait3A] : memref<400384x16xf32, #tpu.memory_space<hbm>> -> memref<3128x16xf32, #tpu.memory_space<hbm>>
        %dma_wait3A_38 = arith.constant 0 : i32
        %dma_wait3A_39 = tpu.memref_slice %arg13[%mul3A_27, %dma_wait3A_38] : memref<50048x16xf32, #tpu.memory_space<vmem_shared>> -> memref<3128x16xf32, #tpu.memory_space<vmem_shared>>
        tpu.wait_dma2 semaphore(%run_scoped3A : memref<!tpu.dma_semaphore, #tpu.memory_space<semaphore_mem>>) src(%dma_wait3A_39 : memref<3128x16xf32, #tpu.memory_space<vmem_shared>>) dst(%dma_wait3A_37 : memref<3128x16xf32, #tpu.memory_space<hbm>>)
        tpu.yield
      }) : () -> ()
      %barrier3A_33 = arith.constant 0 : index
      tpu.barrier barrier_id(%barrier3A_33)
    }
    %scan3A_4 = arith.constant 4 : i32
    return
  }
}

#map = affine_map<(d0, d1) -> (0)>
#map1 = affine_map<(d0, d1) -> (0, 0, 0)>
#map2 = affine_map<(d0, d1) -> (0, 0)>
module attributes {stable_mosaic.version = 14 : i64} {
  func.func @k(%arg0: i32, %arg1: i32, %arg2: memref<614400xi32, #tpu.memory_space<hbm>>, %arg3: memref<614400xi32, #tpu.memory_space<hbm>>, %arg4: memref<5x10000x4xf32, #tpu.memory_space<hbm>>, %arg5: memref<250000x16xf32, #tpu.memory_space<hbm>>, %arg6: memref<3200x8xf32, #tpu.memory_space<hbm>>, %arg7: memref<614400x4xf32, #tpu.memory_space<hbm>>, %arg8: memref<256000x8xf32, #tpu.memory_space<hbm>>, %arg9: memref<2457600xf32, #tpu.memory_space<hbm>>, %arg10: memref<10000x4xf32, #tpu.memory_space<vmem>>, %arg11: memref<512xi32, #tpu.memory_space<vmem>>, %arg12: memref<512xi32, #tpu.memory_space<vmem>>, %arg13: memref<512xi32, #tpu.memory_space<vmem>>, %arg14: memref<512x16xf32, #tpu.memory_space<vmem>>, %arg15: memref<512x4xf32, #tpu.memory_space<vmem>>, %arg16: memref<512x8xf32, #tpu.memory_space<vmem>>, %arg17: memref<512x8xf32, #tpu.memory_space<vmem>>, %arg18: memref<4x512xf32, #tpu.memory_space<vmem>>, %arg19: memref<51200x8xf32, #tpu.memory_space<vmem_shared>>) attributes {dimension_semantics = [#tpu.dimension_semantics<core_parallel>, #tpu.dimension_semantics<subcore_parallel>], iteration_bounds = array<i64: 2, 16>, scalar_prefetch = 0 : i64, scratch_operands = 10 : i64, tpu.core_type = #tpu.core_type<sc_vector_subcore>, window_params = [{transform_indices = #map}, {transform_indices = #map}, {transform_indices = #map1}, {transform_indices = #map2}, {transform_indices = #map2}, {transform_indices = #map2}, {transform_indices = #map2}, {transform_indices = #map}]} {
    %iota3A = tpu.iota {dimensions = array<i32: 0>} : vector<16xi32>
    %mul3A = arith.constant 2 : i32
    %mul3A_0 = arith.muli %arg0, %mul3A : i32
    %mul3A_1 = arith.constant 3 : i32
    %mul3A_2 = arith.muli %arg0, %mul3A_1 : i32
    %add3A = arith.constant 2 : i32
    %add3A_3 = arith.addi %add3A, %mul3A_2 : i32
    "tpu.region"() ({
      %run_scoped3A = tpu.sem_alloc : memref<!tpu.dma_semaphore, #tpu.memory_space<semaphore_mem>>
      %dma_start3A = arith.constant 0 : i32
      %dma_start3A_18 = arith.constant 0 : i32
      %dma_start3A_19 = tpu.memref_slice %arg6[%dma_start3A, %dma_start3A_18] : memref<3200x8xf32, #tpu.memory_space<hbm>> -> memref<512x8xf32, #tpu.memory_space<hbm>>
      %dma_start3A_20 = arith.constant 0 : i32
      %dma_start3A_21 = arith.constant 0 : i32
      %dma_start3A_22 = tpu.memref_slice %arg6[%dma_start3A_20, %dma_start3A_21] : memref<3200x8xf32, #tpu.memory_space<hbm>> -> memref<512x8xf32, #tpu.memory_space<hbm>>
      tpu.enqueue_dma source(%dma_start3A_22 : memref<512x8xf32, #tpu.memory_space<hbm>>) target(%arg16 : memref<512x8xf32, #tpu.memory_space<vmem>>) target_semaphore(%run_scoped3A : memref<!tpu.dma_semaphore, #tpu.memory_space<semaphore_mem>>)
      %dma_wait3A = arith.constant 0 : i32
      %dma_wait3A_23 = arith.constant 0 : i32
      %dma_wait3A_24 = tpu.memref_slice %arg6[%dma_wait3A, %dma_wait3A_23] : memref<3200x8xf32, #tpu.memory_space<hbm>> -> memref<512x8xf32, #tpu.memory_space<hbm>>
      %dma_wait3A_25 = arith.constant 0 : i32
      %dma_wait3A_26 = arith.constant 0 : i32
      %dma_wait3A_27 = tpu.memref_slice %arg6[%dma_wait3A_25, %dma_wait3A_26] : memref<3200x8xf32, #tpu.memory_space<hbm>> -> memref<512x8xf32, #tpu.memory_space<hbm>>
      tpu.wait_dma2 semaphore(%run_scoped3A : memref<!tpu.dma_semaphore, #tpu.memory_space<semaphore_mem>>) src(%dma_wait3A_27 : memref<512x8xf32, #tpu.memory_space<hbm>>) dst(%arg16 : memref<512x8xf32, #tpu.memory_space<vmem>>)
      tpu.yield
    }) : () -> ()
    %sub3A = arith.subi %add3A_3, %mul3A_0 : i32
    %sub3A_4 = arith.constant 1 : i32
    %sub3A_5 = arith.constant 1 : i32
    %sub3A_6 = arith.subi %sub3A_4, %sub3A_5 : i32
    %add3A_7 = arith.addi %sub3A, %sub3A_6 : i32
    %div3A = arith.constant 1 : i32
    %div3A_8 = arith.divsi %add3A_7, %div3A : i32
    %while3A = arith.constant 1 : i32
    %while3A_9 = arith.constant 0 : i32
    %while3A_10 = arith.subi %div3A_8, %while3A_9 : i32
    %while3A_11 = arith.addi %while3A_9, %while3A_10 : i32
    %while3A_12 = arith.constant 1 : i32
    %while3A_13 = arith.divsi %while3A_10, %while3A_12 : i32
    %while3A_14 = arith.muli %while3A_13, %while3A_12 : i32
    %while3A_15 = arith.addi %while3A_9, %while3A_14 : i32
    %while3A_16 = arith.constant 1 : i32
    scf.for %while3A_18 = %while3A_9 to %while3A_15 step %while3A_16  : i32 {
      %mul3A_19 = arith.muli %while3A_18, %while3A : i32
      %add3A_20 = arith.addi %mul3A_0, %mul3A_19 : i32
      "tpu.region"() ({
        %run_scoped3A = tpu.sem_alloc : memref<!tpu.dma_semaphore, #tpu.memory_space<semaphore_mem>>
        %dma_start3A = arith.constant 0 : i32
        %dma_start3A_41 = arith.constant 0 : i32
        %dma_start3A_42 = tpu.memref_slice %arg4[%add3A_20, %dma_start3A, %dma_start3A_41] : memref<5x10000x4xf32, #tpu.memory_space<hbm>> -> memref<1x10000x4xf32, #tpu.memory_space<hbm>>
        %dma_start3A_43 = tpu.memref_squeeze %dma_start3A_42 : memref<1x10000x4xf32, #tpu.memory_space<hbm>> -> memref<10000x4xf32, #tpu.memory_space<hbm>>
        %dma_start3A_44 = arith.constant 0 : i32
        %dma_start3A_45 = arith.constant 0 : i32
        %dma_start3A_46 = tpu.memref_slice %arg4[%add3A_20, %dma_start3A_44, %dma_start3A_45] : memref<5x10000x4xf32, #tpu.memory_space<hbm>> -> memref<1x10000x4xf32, #tpu.memory_space<hbm>>
        %dma_start3A_47 = tpu.memref_squeeze %dma_start3A_46 : memref<1x10000x4xf32, #tpu.memory_space<hbm>> -> memref<10000x4xf32, #tpu.memory_space<hbm>>
        tpu.enqueue_dma source(%dma_start3A_47 : memref<10000x4xf32, #tpu.memory_space<hbm>>) target(%arg10 : memref<10000x4xf32, #tpu.memory_space<vmem>>) target_semaphore(%run_scoped3A : memref<!tpu.dma_semaphore, #tpu.memory_space<semaphore_mem>>)
        %dma_wait3A = arith.constant 0 : i32
        %dma_wait3A_48 = arith.constant 0 : i32
        %dma_wait3A_49 = tpu.memref_slice %arg4[%add3A_20, %dma_wait3A, %dma_wait3A_48] : memref<5x10000x4xf32, #tpu.memory_space<hbm>> -> memref<1x10000x4xf32, #tpu.memory_space<hbm>>
        %dma_wait3A_50 = tpu.memref_squeeze %dma_wait3A_49 : memref<1x10000x4xf32, #tpu.memory_space<hbm>> -> memref<10000x4xf32, #tpu.memory_space<hbm>>
        %dma_wait3A_51 = arith.constant 0 : i32
        %dma_wait3A_52 = arith.constant 0 : i32
        %dma_wait3A_53 = tpu.memref_slice %arg4[%add3A_20, %dma_wait3A_51, %dma_wait3A_52] : memref<5x10000x4xf32, #tpu.memory_space<hbm>> -> memref<1x10000x4xf32, #tpu.memory_space<hbm>>
        %dma_wait3A_54 = tpu.memref_squeeze %dma_wait3A_53 : memref<1x10000x4xf32, #tpu.memory_space<hbm>> -> memref<10000x4xf32, #tpu.memory_space<hbm>>
        tpu.wait_dma2 semaphore(%run_scoped3A : memref<!tpu.dma_semaphore, #tpu.memory_space<semaphore_mem>>) src(%dma_wait3A_54 : memref<10000x4xf32, #tpu.memory_space<hbm>>) dst(%arg10 : memref<10000x4xf32, #tpu.memory_space<vmem>>)
        tpu.yield
      }) : () -> ()
      %mul3A_21 = arith.constant 3200 : i32
      %mul3A_22 = arith.muli %arg1, %mul3A_21 : i32
      "tpu.region"() ({
        %run_scoped3A = tpu.sem_alloc : memref<!tpu.dma_semaphore, #tpu.memory_space<semaphore_mem>>
        %dma_start3A = arith.constant 0 : i32
        %dma_start3A_41 = tpu.memref_slice %arg19[%mul3A_22, %dma_start3A] : memref<51200x8xf32, #tpu.memory_space<vmem_shared>> -> memref<3200x8xf32, #tpu.memory_space<vmem_shared>>
        tpu.enqueue_dma source(%arg6 : memref<3200x8xf32, #tpu.memory_space<hbm>>) target(%dma_start3A_41 : memref<3200x8xf32, #tpu.memory_space<vmem_shared>>) target_semaphore(%run_scoped3A : memref<!tpu.dma_semaphore, #tpu.memory_space<semaphore_mem>>)
        %dma_wait3A = arith.constant 0 : i32
        %dma_wait3A_42 = tpu.memref_slice %arg19[%mul3A_22, %dma_wait3A] : memref<51200x8xf32, #tpu.memory_space<vmem_shared>> -> memref<3200x8xf32, #tpu.memory_space<vmem_shared>>
        tpu.wait_dma2 semaphore(%run_scoped3A : memref<!tpu.dma_semaphore, #tpu.memory_space<semaphore_mem>>) src(%arg6 : memref<3200x8xf32, #tpu.memory_space<hbm>>) dst(%dma_wait3A_42 : memref<3200x8xf32, #tpu.memory_space<vmem_shared>>)
        tpu.yield
      }) : () -> ()
      %barrier3A = arith.constant 0 : index
      tpu.barrier barrier_id(%barrier3A)
      %scan3A = arith.constant 0 : i32
      %scan3A_23 = arith.constant 15 : i32
      %scan3A_24 = arith.addi %scan3A, %scan3A_23 : i32
      %scan3A_25 = arith.constant 1 : i32
      scf.for %scan3A_41 = %scan3A to %scan3A_24 step %scan3A_25  : i32 {
        %mul3A_42 = arith.constant 1 : i32
        %mul3A_43 = arith.muli %scan3A_41, %mul3A_42 : i32
        %add3A_44 = arith.constant 0 : i32
        %add3A_45 = arith.addi %add3A_44, %mul3A_43 : i32
        %mul3A_46 = arith.constant 122880 : i32
        %mul3A_47 = arith.muli %add3A_20, %mul3A_46 : i32
        %mul3A_48 = arith.constant 7680 : i32
        %mul3A_49 = arith.muli %arg1, %mul3A_48 : i32
        %add3A_50 = arith.addi %mul3A_47, %mul3A_49 : i32
        %mul3A_51 = arith.constant 512 : i32
        %mul3A_52 = arith.muli %add3A_45, %mul3A_51 : i32
        %add3A_53 = arith.addi %add3A_50, %mul3A_52 : i32
        "tpu.region"() ({
          %run_scoped3A = tpu.sem_alloc : memref<!tpu.dma_semaphore, #tpu.memory_space<semaphore_mem>>
          %dma_start3A = tpu.memref_slice %arg2[%add3A_53] : memref<614400xi32, #tpu.memory_space<hbm>> -> memref<512xi32, #tpu.memory_space<hbm>>
          %dma_start3A_69 = tpu.memref_slice %arg2[%add3A_53] : memref<614400xi32, #tpu.memory_space<hbm>> -> memref<512xi32, #tpu.memory_space<hbm>>
          tpu.enqueue_dma source(%dma_start3A_69 : memref<512xi32, #tpu.memory_space<hbm>>) target(%arg11 : memref<512xi32, #tpu.memory_space<vmem>>) target_semaphore(%run_scoped3A : memref<!tpu.dma_semaphore, #tpu.memory_space<semaphore_mem>>)
          %dma_start3A_70 = tpu.memref_slice %arg3[%add3A_53] : memref<614400xi32, #tpu.memory_space<hbm>> -> memref<512xi32, #tpu.memory_space<hbm>>
          %dma_start3A_71 = tpu.memref_slice %arg3[%add3A_53] : memref<614400xi32, #tpu.memory_space<hbm>> -> memref<512xi32, #tpu.memory_space<hbm>>
          tpu.enqueue_dma source(%dma_start3A_71 : memref<512xi32, #tpu.memory_space<hbm>>) target(%arg12 : memref<512xi32, #tpu.memory_space<vmem>>) target_semaphore(%run_scoped3A : memref<!tpu.dma_semaphore, #tpu.memory_space<semaphore_mem>>)
          %dma_wait3A = tpu.memref_slice %arg2[%add3A_53] : memref<614400xi32, #tpu.memory_space<hbm>> -> memref<512xi32, #tpu.memory_space<hbm>>
          %dma_wait3A_72 = tpu.memref_slice %arg2[%add3A_53] : memref<614400xi32, #tpu.memory_space<hbm>> -> memref<512xi32, #tpu.memory_space<hbm>>
          tpu.wait_dma2 semaphore(%run_scoped3A : memref<!tpu.dma_semaphore, #tpu.memory_space<semaphore_mem>>) src(%dma_wait3A_72 : memref<512xi32, #tpu.memory_space<hbm>>) dst(%arg11 : memref<512xi32, #tpu.memory_space<vmem>>)
          %dma_wait3A_73 = tpu.memref_slice %arg3[%add3A_53] : memref<614400xi32, #tpu.memory_space<hbm>> -> memref<512xi32, #tpu.memory_space<hbm>>
          %dma_wait3A_74 = tpu.memref_slice %arg3[%add3A_53] : memref<614400xi32, #tpu.memory_space<hbm>> -> memref<512xi32, #tpu.memory_space<hbm>>
          tpu.wait_dma2 semaphore(%run_scoped3A : memref<!tpu.dma_semaphore, #tpu.memory_space<semaphore_mem>>) src(%dma_wait3A_74 : memref<512xi32, #tpu.memory_space<hbm>>) dst(%arg12 : memref<512xi32, #tpu.memory_space<vmem>>)
          tpu.yield
        }) : () -> ()
        %scan3A_54 = arith.constant 0 : i32
        %scan3A_55 = arith.constant 32 : i32
        %scan3A_56 = arith.addi %scan3A_54, %scan3A_55 : i32
        %scan3A_57 = arith.constant 1 : i32
        scf.for %scan3A_69 = %scan3A_54 to %scan3A_56 step %scan3A_57  : i32 {
          %mul3A_70 = arith.constant 16 : i32
          %mul3A_71 = arith.muli %scan3A_69, %mul3A_70 : i32
          %add3A_72 = arith.constant 0 : i32
          %add3A_73 = arith.addi %add3A_72, %mul3A_71 : i32
          %get3A = arith.index_cast %add3A_73 : i32 to index
          %get3A_74 = tpu.vector_load %arg12[%get3A] {strides = array<i32>} : memref<512xi32, #tpu.memory_space<vmem>>, vector<16xi32>,
          %mul3A_75 = arith.constant 5 : i32
          %mul3A_76 = vector.broadcast %mul3A_75 : i32 to vector<16xi32>
          %mul3A_77 = arith.muli %get3A_74, %mul3A_76 : vector<16xi32>
          %add3A_78 = vector.broadcast %add3A_20 : i32 to vector<16xi32>
          %add3A_79 = arith.addi %mul3A_77, %add3A_78 : vector<16xi32>
          %swap3A = arith.index_cast %add3A_73 : i32 to index
          %swap3A_80 = tpu.vector_load %arg13[%swap3A] {strides = array<i32>} : memref<512xi32, #tpu.memory_space<vmem>>, vector<16xi32>,
          tpu.vector_store %arg13[%swap3A], %add3A_79 {strides = array<i32>} : memref<512xi32, #tpu.memory_space<vmem>>, vector<16xi32>,
        }
        %scan3A_58 = arith.constant 32 : i32
        "tpu.region"() ({
          %run_scoped3A = tpu.sem_alloc : memref<!tpu.dma_semaphore, #tpu.memory_space<semaphore_mem>>
          %dma_start3A = arith.constant 0 : i32
          %dma_start3A_69 = arith.constant 0 : i32
          %dma_start3A_70 = tpu.memref_slice %arg5[%dma_start3A, %dma_start3A_69] : memref<250000x16xf32, #tpu.memory_space<hbm>> -> memref<250000x16xf32, #tpu.memory_space<hbm>>
          tpu.enqueue_indirect_dma source(%dma_start3A_70 : memref<250000x16xf32, #tpu.memory_space<hbm>>) target(%arg14 : memref<512x16xf32, #tpu.memory_space<vmem>>) offsets(%arg13 : memref<512xi32, #tpu.memory_space<vmem>>) semaphore(%run_scoped3A : memref<!tpu.dma_semaphore, #tpu.memory_space<semaphore_mem>>)
          %dma_wait3A = arith.constant 0 : i32
          %dma_wait3A_71 = arith.constant 0 : i32
          %dma_wait3A_72 = tpu.memref_slice %arg5[%dma_wait3A, %dma_wait3A_71] : memref<250000x16xf32, #tpu.memory_space<hbm>> -> memref<250000x16xf32, #tpu.memory_space<hbm>>
          tpu.wait_indirect_dma semaphore(%run_scoped3A : memref<!tpu.dma_semaphore, #tpu.memory_space<semaphore_mem>>) src(%dma_wait3A_72 : memref<250000x16xf32, #tpu.memory_space<hbm>>) dst(%arg14 : memref<512x16xf32, #tpu.memory_space<vmem>>)
          tpu.yield
        }) : () -> ()
        %mul3A_59 = arith.constant 7680 : i32
        %mul3A_60 = arith.muli %arg1, %mul3A_59 : i32
        %mul3A_61 = arith.constant 512 : i32
        %mul3A_62 = arith.muli %add3A_45, %mul3A_61 : i32
        %add3A_63 = arith.addi %mul3A_60, %mul3A_62 : i32
        %scan3A_64 = arith.constant 0 : i32
        %scan3A_65 = arith.constant 32 : i32
        %scan3A_66 = arith.addi %scan3A_64, %scan3A_65 : i32
        %scan3A_67 = arith.constant 1 : i32
        scf.for %scan3A_69 = %scan3A_64 to %scan3A_66 step %scan3A_67  : i32 {
          %mul3A_70 = arith.constant 16 : i32
          %mul3A_71 = arith.muli %scan3A_69, %mul3A_70 : i32
          %add3A_72 = arith.constant 0 : i32
          %add3A_73 = arith.addi %add3A_72, %mul3A_71 : i32
          %get3A = arith.index_cast %add3A_73 : i32 to index
          %get3A_74 = tpu.vector_load %arg11[%get3A] {strides = array<i32>} : memref<512xi32, #tpu.memory_space<vmem>>, vector<16xi32>,
          %add3A_75 = arith.addi %add3A_63, %add3A_73 : i32
          %add3A_76 = vector.broadcast %add3A_75 : i32 to vector<16xi32>
          %add3A_77 = arith.addi %iota3A, %add3A_76 : vector<16xi32>
          %lt3A = arith.constant 120000 : i32
          %lt3A_78 = vector.broadcast %lt3A : i32 to vector<16xi32>
          %lt3A_79 = arith.cmpi slt, %add3A_77, %lt3A_78 : vector<16xi32>
          %add3A_80 = vector.broadcast %add3A_73 : i32 to vector<16xi32>
          %add3A_81 = arith.addi %iota3A, %add3A_80 : vector<16xi32>
          %broadcast_in_dim3A = arith.constant 0 : i32
          %broadcast_in_dim3A_82 = vector.broadcast %broadcast_in_dim3A : i32 to vector<16xi32>
          %gather3A = tpu.vector_load_idx %arg10[%get3A_74, %broadcast_in_dim3A_82] : memref<10000x4xf32, #tpu.memory_space<vmem>>[vector<16xi32>, vector<16xi32>], vector<16xf32>,
          %gather3A_83 = tpu.vector_load_idx %arg14[%add3A_81, %broadcast_in_dim3A_82] : memref<512x16xf32, #tpu.memory_space<vmem>>[vector<16xi32>, vector<16xi32>], vector<16xf32>,
          %add3A_84 = arith.addf %gather3A, %gather3A_83 : vector<16xf32>
          %mul3A_85 = arith.constant 2.000000e-01 : f32
          %mul3A_86 = vector.broadcast %mul3A_85 : f32 to vector<16xf32>
          %mul3A_87 = arith.mulf %mul3A_86, %add3A_84 : vector<16xf32>
          %max3A = arith.maximumf %add3A_84, %mul3A_87 : vector<16xf32>
          %exp3A = math.exp %max3A : vector<16xf32>
          %jit3A = arith.constant 0.000000e+00 : f32
          %broadcast_in_dim3A_88 = vector.broadcast %jit3A : f32 to vector<16xf32>
          %select_n3A = arith.select %lt3A_79, %exp3A, %broadcast_in_dim3A_88 : vector<16xi1>, vector<16xf32>
          tpu.vector_store_idx %arg15[%add3A_81, %broadcast_in_dim3A_82], %select_n3A : memref<512x4xf32, #tpu.memory_space<vmem>>[vector<16xi32>, vector<16xi32>], vector<16xf32>,
          tpu.vector_store_idx %arg16[%add3A_81, %broadcast_in_dim3A_82], %select_n3A : memref<512x8xf32, #tpu.memory_space<vmem>>[vector<16xi32>, vector<16xi32>], vector<16xf32>,
          %broadcast_in_dim3A_89 = arith.constant 1 : i32
          %broadcast_in_dim3A_90 = vector.broadcast %broadcast_in_dim3A_89 : i32 to vector<16xi32>
          %gather3A_91 = tpu.vector_load_idx %arg10[%get3A_74, %broadcast_in_dim3A_90] : memref<10000x4xf32, #tpu.memory_space<vmem>>[vector<16xi32>, vector<16xi32>], vector<16xf32>,
          %gather3A_92 = tpu.vector_load_idx %arg14[%add3A_81, %broadcast_in_dim3A_90] : memref<512x16xf32, #tpu.memory_space<vmem>>[vector<16xi32>, vector<16xi32>], vector<16xf32>,
          %add3A_93 = arith.addf %gather3A_91, %gather3A_92 : vector<16xf32>
          %mul3A_94 = arith.constant 2.000000e-01 : f32
          %mul3A_95 = vector.broadcast %mul3A_94 : f32 to vector<16xf32>
          %mul3A_96 = arith.mulf %mul3A_95, %add3A_93 : vector<16xf32>
          %max3A_97 = arith.maximumf %add3A_93, %mul3A_96 : vector<16xf32>
          %exp3A_98 = math.exp %max3A_97 : vector<16xf32>
          %jit3A_99 = arith.constant 0.000000e+00 : f32
          %broadcast_in_dim3A_100 = vector.broadcast %jit3A_99 : f32 to vector<16xf32>
          %select_n3A_101 = arith.select %lt3A_79, %exp3A_98, %broadcast_in_dim3A_100 : vector<16xi1>, vector<16xf32>
          tpu.vector_store_idx %arg15[%add3A_81, %broadcast_in_dim3A_90], %select_n3A_101 : memref<512x4xf32, #tpu.memory_space<vmem>>[vector<16xi32>, vector<16xi32>], vector<16xf32>,
          tpu.vector_store_idx %arg16[%add3A_81, %broadcast_in_dim3A_90], %select_n3A_101 : memref<512x8xf32, #tpu.memory_space<vmem>>[vector<16xi32>, vector<16xi32>], vector<16xf32>,
          %broadcast_in_dim3A_102 = arith.constant 2 : i32
          %broadcast_in_dim3A_103 = vector.broadcast %broadcast_in_dim3A_102 : i32 to vector<16xi32>
          %gather3A_104 = tpu.vector_load_idx %arg10[%get3A_74, %broadcast_in_dim3A_103] : memref<10000x4xf32, #tpu.memory_space<vmem>>[vector<16xi32>, vector<16xi32>], vector<16xf32>,
          %gather3A_105 = tpu.vector_load_idx %arg14[%add3A_81, %broadcast_in_dim3A_103] : memref<512x16xf32, #tpu.memory_space<vmem>>[vector<16xi32>, vector<16xi32>], vector<16xf32>,
          %add3A_106 = arith.addf %gather3A_104, %gather3A_105 : vector<16xf32>
          %mul3A_107 = arith.constant 2.000000e-01 : f32
          %mul3A_108 = vector.broadcast %mul3A_107 : f32 to vector<16xf32>
          %mul3A_109 = arith.mulf %mul3A_108, %add3A_106 : vector<16xf32>
          %max3A_110 = arith.maximumf %add3A_106, %mul3A_109 : vector<16xf32>
          %exp3A_111 = math.exp %max3A_110 : vector<16xf32>
          %jit3A_112 = arith.constant 0.000000e+00 : f32
          %broadcast_in_dim3A_113 = vector.broadcast %jit3A_112 : f32 to vector<16xf32>
          %select_n3A_114 = arith.select %lt3A_79, %exp3A_111, %broadcast_in_dim3A_113 : vector<16xi1>, vector<16xf32>
          tpu.vector_store_idx %arg15[%add3A_81, %broadcast_in_dim3A_103], %select_n3A_114 : memref<512x4xf32, #tpu.memory_space<vmem>>[vector<16xi32>, vector<16xi32>], vector<16xf32>,
          tpu.vector_store_idx %arg16[%add3A_81, %broadcast_in_dim3A_103], %select_n3A_114 : memref<512x8xf32, #tpu.memory_space<vmem>>[vector<16xi32>, vector<16xi32>], vector<16xf32>,
          %broadcast_in_dim3A_115 = arith.constant 3 : i32
          %broadcast_in_dim3A_116 = vector.broadcast %broadcast_in_dim3A_115 : i32 to vector<16xi32>
          %gather3A_117 = tpu.vector_load_idx %arg10[%get3A_74, %broadcast_in_dim3A_116] : memref<10000x4xf32, #tpu.memory_space<vmem>>[vector<16xi32>, vector<16xi32>], vector<16xf32>,
          %gather3A_118 = tpu.vector_load_idx %arg14[%add3A_81, %broadcast_in_dim3A_116] : memref<512x16xf32, #tpu.memory_space<vmem>>[vector<16xi32>, vector<16xi32>], vector<16xf32>,
          %add3A_119 = arith.addf %gather3A_117, %gather3A_118 : vector<16xf32>
          %mul3A_120 = arith.constant 2.000000e-01 : f32
          %mul3A_121 = vector.broadcast %mul3A_120 : f32 to vector<16xf32>
          %mul3A_122 = arith.mulf %mul3A_121, %add3A_119 : vector<16xf32>
          %max3A_123 = arith.maximumf %add3A_119, %mul3A_122 : vector<16xf32>
          %exp3A_124 = math.exp %max3A_123 : vector<16xf32>
          %jit3A_125 = arith.constant 0.000000e+00 : f32
          %broadcast_in_dim3A_126 = vector.broadcast %jit3A_125 : f32 to vector<16xf32>
          %select_n3A_127 = arith.select %lt3A_79, %exp3A_124, %broadcast_in_dim3A_126 : vector<16xi1>, vector<16xf32>
          tpu.vector_store_idx %arg15[%add3A_81, %broadcast_in_dim3A_116], %select_n3A_127 : memref<512x4xf32, #tpu.memory_space<vmem>>[vector<16xi32>, vector<16xi32>], vector<16xf32>,
          tpu.vector_store_idx %arg16[%add3A_81, %broadcast_in_dim3A_116], %select_n3A_127 : memref<512x8xf32, #tpu.memory_space<vmem>>[vector<16xi32>, vector<16xi32>], vector<16xf32>,
        }
        %scan3A_68 = arith.constant 32 : i32
        "tpu.region"() ({
          %run_scoped3A = tpu.sem_alloc : memref<!tpu.dma_semaphore, #tpu.memory_space<semaphore_mem>>
          %dma_start3A = arith.constant 0 : i32
          %dma_start3A_69 = tpu.memref_slice %arg7[%add3A_53, %dma_start3A] : memref<614400x4xf32, #tpu.memory_space<hbm>> -> memref<512x4xf32, #tpu.memory_space<hbm>>
          %dma_start3A_70 = arith.constant 0 : i32
          %dma_start3A_71 = tpu.memref_slice %arg7[%add3A_53, %dma_start3A_70] : memref<614400x4xf32, #tpu.memory_space<hbm>> -> memref<512x4xf32, #tpu.memory_space<hbm>>
          tpu.enqueue_dma source(%arg15 : memref<512x4xf32, #tpu.memory_space<vmem>>) target(%dma_start3A_71 : memref<512x4xf32, #tpu.memory_space<hbm>>) target_semaphore(%run_scoped3A : memref<!tpu.dma_semaphore, #tpu.memory_space<semaphore_mem>>)
          %dma_wait3A = arith.constant 0 : i32
          %dma_wait3A_72 = tpu.memref_slice %arg7[%add3A_53, %dma_wait3A] : memref<614400x4xf32, #tpu.memory_space<hbm>> -> memref<512x4xf32, #tpu.memory_space<hbm>>
          %dma_wait3A_73 = arith.constant 0 : i32
          %dma_wait3A_74 = tpu.memref_slice %arg7[%add3A_53, %dma_wait3A_73] : memref<614400x4xf32, #tpu.memory_space<hbm>> -> memref<512x4xf32, #tpu.memory_space<hbm>>
          tpu.wait_dma2 semaphore(%run_scoped3A : memref<!tpu.dma_semaphore, #tpu.memory_space<semaphore_mem>>) src(%arg15 : memref<512x4xf32, #tpu.memory_space<vmem>>) dst(%dma_wait3A_74 : memref<512x4xf32, #tpu.memory_space<hbm>>)
          tpu.yield
        }) : () -> ()
        "tpu.region"() ({
          %run_scoped3A = tpu.sem_alloc : memref<!tpu.dma_semaphore, #tpu.memory_space<semaphore_mem>>
          %dma_start3A = arith.constant 0 : i32
          %dma_start3A_69 = arith.constant 0 : i32
          %dma_start3A_70 = tpu.memref_slice %arg19[%dma_start3A, %dma_start3A_69] : memref<51200x8xf32, #tpu.memory_space<vmem_shared>> -> memref<51200x8xf32, #tpu.memory_space<vmem_shared>>
          tpu.enqueue_indirect_dma source(%arg16 : memref<512x8xf32, #tpu.memory_space<vmem>>) target(%dma_start3A_70 : memref<51200x8xf32, #tpu.memory_space<vmem_shared>>) offsets(%arg12 : memref<512xi32, #tpu.memory_space<vmem>>) semaphore(%run_scoped3A : memref<!tpu.dma_semaphore, #tpu.memory_space<semaphore_mem>>) {add = true}
          %dma_wait3A = arith.constant 0 : i32
          %dma_wait3A_71 = arith.constant 0 : i32
          %dma_wait3A_72 = tpu.memref_slice %arg19[%dma_wait3A, %dma_wait3A_71] : memref<51200x8xf32, #tpu.memory_space<vmem_shared>> -> memref<51200x8xf32, #tpu.memory_space<vmem_shared>>
          tpu.wait_indirect_dma semaphore(%run_scoped3A : memref<!tpu.dma_semaphore, #tpu.memory_space<semaphore_mem>>) src(%arg16 : memref<512x8xf32, #tpu.memory_space<vmem>>) dst(%dma_wait3A_72 : memref<51200x8xf32, #tpu.memory_space<vmem_shared>>)
          tpu.yield
        }) : () -> ()
      }
      %scan3A_26 = arith.constant 15 : i32
      %barrier3A_27 = arith.constant 0 : index
      tpu.barrier barrier_id(%barrier3A_27)
      %mul3A_28 = arith.constant 3200 : i32
      %mul3A_29 = arith.muli %arg1, %mul3A_28 : i32
      %mul3A_30 = arith.constant 51200 : i32
      %mul3A_31 = arith.muli %add3A_20, %mul3A_30 : i32
      %mul3A_32 = arith.constant 3200 : i32
      %mul3A_33 = arith.muli %arg1, %mul3A_32 : i32
      %add3A_34 = arith.addi %mul3A_31, %mul3A_33 : i32
      "tpu.region"() ({
        %run_scoped3A = tpu.sem_alloc : memref<!tpu.dma_semaphore, #tpu.memory_space<semaphore_mem>>
        %dma_start3A = arith.constant 0 : i32
        %dma_start3A_41 = tpu.memref_slice %arg8[%add3A_34, %dma_start3A] : memref<256000x8xf32, #tpu.memory_space<hbm>> -> memref<3200x8xf32, #tpu.memory_space<hbm>>
        %dma_start3A_42 = arith.constant 0 : i32
        %dma_start3A_43 = tpu.memref_slice %arg19[%mul3A_29, %dma_start3A_42] : memref<51200x8xf32, #tpu.memory_space<vmem_shared>> -> memref<3200x8xf32, #tpu.memory_space<vmem_shared>>
        tpu.enqueue_dma source(%dma_start3A_43 : memref<3200x8xf32, #tpu.memory_space<vmem_shared>>) target(%dma_start3A_41 : memref<3200x8xf32, #tpu.memory_space<hbm>>) target_semaphore(%run_scoped3A : memref<!tpu.dma_semaphore, #tpu.memory_space<semaphore_mem>>)
        %dma_wait3A = arith.constant 0 : i32
        %dma_wait3A_44 = tpu.memref_slice %arg8[%add3A_34, %dma_wait3A] : memref<256000x8xf32, #tpu.memory_space<hbm>> -> memref<3200x8xf32, #tpu.memory_space<hbm>>
        %dma_wait3A_45 = arith.constant 0 : i32
        %dma_wait3A_46 = tpu.memref_slice %arg19[%mul3A_29, %dma_wait3A_45] : memref<51200x8xf32, #tpu.memory_space<vmem_shared>> -> memref<3200x8xf32, #tpu.memory_space<vmem_shared>>
        tpu.wait_dma2 semaphore(%run_scoped3A : memref<!tpu.dma_semaphore, #tpu.memory_space<semaphore_mem>>) src(%dma_wait3A_46 : memref<3200x8xf32, #tpu.memory_space<vmem_shared>>) dst(%dma_wait3A_44 : memref<3200x8xf32, #tpu.memory_space<hbm>>)
        tpu.yield
      }) : () -> ()
      %barrier3A_35 = arith.constant 0 : index
      tpu.barrier barrier_id(%barrier3A_35)
      %scan3A_36 = arith.constant 0 : i32
      %scan3A_37 = arith.constant 15 : i32
      %scan3A_38 = arith.addi %scan3A_36, %scan3A_37 : i32
      %scan3A_39 = arith.constant 1 : i32
      scf.for %scan3A_41 = %scan3A_36 to %scan3A_38 step %scan3A_39  : i32 {
        %mul3A_42 = arith.constant 1 : i32
        %mul3A_43 = arith.muli %scan3A_41, %mul3A_42 : i32
        %add3A_44 = arith.constant 0 : i32
        %add3A_45 = arith.addi %add3A_44, %mul3A_43 : i32
        %mul3A_46 = arith.constant 122880 : i32
        %mul3A_47 = arith.muli %add3A_20, %mul3A_46 : i32
        %mul3A_48 = arith.constant 7680 : i32
        %mul3A_49 = arith.muli %arg1, %mul3A_48 : i32
        %add3A_50 = arith.addi %mul3A_47, %mul3A_49 : i32
        %mul3A_51 = arith.constant 512 : i32
        %mul3A_52 = arith.muli %add3A_45, %mul3A_51 : i32
        %add3A_53 = arith.addi %add3A_50, %mul3A_52 : i32
        "tpu.region"() ({
          %run_scoped3A_115 = tpu.sem_alloc : memref<!tpu.dma_semaphore, #tpu.memory_space<semaphore_mem>>
          %dma_start3A = tpu.memref_slice %arg3[%add3A_53] : memref<614400xi32, #tpu.memory_space<hbm>> -> memref<512xi32, #tpu.memory_space<hbm>>
          %dma_start3A_116 = tpu.memref_slice %arg3[%add3A_53] : memref<614400xi32, #tpu.memory_space<hbm>> -> memref<512xi32, #tpu.memory_space<hbm>>
          tpu.enqueue_dma source(%dma_start3A_116 : memref<512xi32, #tpu.memory_space<hbm>>) target(%arg12 : memref<512xi32, #tpu.memory_space<vmem>>) target_semaphore(%run_scoped3A_115 : memref<!tpu.dma_semaphore, #tpu.memory_space<semaphore_mem>>)
          %dma_start3A_117 = arith.constant 0 : i32
          %dma_start3A_118 = tpu.memref_slice %arg7[%add3A_53, %dma_start3A_117] : memref<614400x4xf32, #tpu.memory_space<hbm>> -> memref<512x4xf32, #tpu.memory_space<hbm>>
          %dma_start3A_119 = arith.constant 0 : i32
          %dma_start3A_120 = tpu.memref_slice %arg7[%add3A_53, %dma_start3A_119] : memref<614400x4xf32, #tpu.memory_space<hbm>> -> memref<512x4xf32, #tpu.memory_space<hbm>>
          tpu.enqueue_dma source(%dma_start3A_120 : memref<512x4xf32, #tpu.memory_space<hbm>>) target(%arg15 : memref<512x4xf32, #tpu.memory_space<vmem>>) target_semaphore(%run_scoped3A_115 : memref<!tpu.dma_semaphore, #tpu.memory_space<semaphore_mem>>)
          %dma_wait3A = tpu.memref_slice %arg3[%add3A_53] : memref<614400xi32, #tpu.memory_space<hbm>> -> memref<512xi32, #tpu.memory_space<hbm>>
          %dma_wait3A_121 = tpu.memref_slice %arg3[%add3A_53] : memref<614400xi32, #tpu.memory_space<hbm>> -> memref<512xi32, #tpu.memory_space<hbm>>
          tpu.wait_dma2 semaphore(%run_scoped3A_115 : memref<!tpu.dma_semaphore, #tpu.memory_space<semaphore_mem>>) src(%dma_wait3A_121 : memref<512xi32, #tpu.memory_space<hbm>>) dst(%arg12 : memref<512xi32, #tpu.memory_space<vmem>>)
          %dma_wait3A_122 = arith.constant 0 : i32
          %dma_wait3A_123 = tpu.memref_slice %arg7[%add3A_53, %dma_wait3A_122] : memref<614400x4xf32, #tpu.memory_space<hbm>> -> memref<512x4xf32, #tpu.memory_space<hbm>>
          %dma_wait3A_124 = arith.constant 0 : i32
          %dma_wait3A_125 = tpu.memref_slice %arg7[%add3A_53, %dma_wait3A_124] : memref<614400x4xf32, #tpu.memory_space<hbm>> -> memref<512x4xf32, #tpu.memory_space<hbm>>
          tpu.wait_dma2 semaphore(%run_scoped3A_115 : memref<!tpu.dma_semaphore, #tpu.memory_space<semaphore_mem>>) src(%dma_wait3A_125 : memref<512x4xf32, #tpu.memory_space<hbm>>) dst(%arg15 : memref<512x4xf32, #tpu.memory_space<vmem>>)
          tpu.yield
        }) : () -> ()
        %scan3A_54 = arith.constant 0 : i32
        %scan3A_55 = arith.constant 32 : i32
        %scan3A_56 = arith.addi %scan3A_54, %scan3A_55 : i32
        %scan3A_57 = arith.constant 1 : i32
        scf.for %scan3A_115 = %scan3A_54 to %scan3A_56 step %scan3A_57  : i32 {
          %mul3A_116 = arith.constant 16 : i32
          %mul3A_117 = arith.muli %scan3A_115, %mul3A_116 : i32
          %add3A_118 = arith.constant 0 : i32
          %add3A_119 = arith.addi %add3A_118, %mul3A_117 : i32
          %get3A = arith.index_cast %add3A_119 : i32 to index
          %get3A_120 = tpu.vector_load %arg12[%get3A] {strides = array<i32>} : memref<512xi32, #tpu.memory_space<vmem>>, vector<16xi32>,
          %mul3A_121 = arith.constant 51200 : i32
          %mul3A_122 = arith.muli %add3A_20, %mul3A_121 : i32
          %add3A_123 = vector.broadcast %mul3A_122 : i32 to vector<16xi32>
          %add3A_124 = arith.addi %get3A_120, %add3A_123 : vector<16xi32>
          %swap3A = arith.index_cast %add3A_119 : i32 to index
          %swap3A_125 = tpu.vector_load %arg13[%swap3A] {strides = array<i32>} : memref<512xi32, #tpu.memory_space<vmem>>, vector<16xi32>,
          tpu.vector_store %arg13[%swap3A], %add3A_124 {strides = array<i32>} : memref<512xi32, #tpu.memory_space<vmem>>, vector<16xi32>,
        }
        %scan3A_58 = arith.constant 32 : i32
        "tpu.region"() ({
          %run_scoped3A_115 = tpu.sem_alloc : memref<!tpu.dma_semaphore, #tpu.memory_space<semaphore_mem>>
          %dma_start3A = arith.constant 0 : i32
          %dma_start3A_116 = arith.constant 0 : i32
          %dma_start3A_117 = tpu.memref_slice %arg8[%dma_start3A, %dma_start3A_116] : memref<256000x8xf32, #tpu.memory_space<hbm>> -> memref<256000x8xf32, #tpu.memory_space<hbm>>
          tpu.enqueue_indirect_dma source(%dma_start3A_117 : memref<256000x8xf32, #tpu.memory_space<hbm>>) target(%arg17 : memref<512x8xf32, #tpu.memory_space<vmem>>) offsets(%arg13 : memref<512xi32, #tpu.memory_space<vmem>>) semaphore(%run_scoped3A_115 : memref<!tpu.dma_semaphore, #tpu.memory_space<semaphore_mem>>)
          %dma_wait3A = arith.constant 0 : i32
          %dma_wait3A_118 = arith.constant 0 : i32
          %dma_wait3A_119 = tpu.memref_slice %arg8[%dma_wait3A, %dma_wait3A_118] : memref<256000x8xf32, #tpu.memory_space<hbm>> -> memref<256000x8xf32, #tpu.memory_space<hbm>>
          tpu.wait_indirect_dma semaphore(%run_scoped3A_115 : memref<!tpu.dma_semaphore, #tpu.memory_space<semaphore_mem>>) src(%dma_wait3A_119 : memref<256000x8xf32, #tpu.memory_space<hbm>>) dst(%arg17 : memref<512x8xf32, #tpu.memory_space<vmem>>)
          tpu.yield
        }) : () -> ()
        %scan3A_59 = arith.constant 0 : i32
        %scan3A_60 = arith.constant 32 : i32
        %scan3A_61 = arith.addi %scan3A_59, %scan3A_60 : i32
        %scan3A_62 = arith.constant 1 : i32
        scf.for %scan3A_115 = %scan3A_59 to %scan3A_61 step %scan3A_62  : i32 {
          %mul3A_116 = arith.constant 16 : i32
          %mul3A_117 = arith.muli %scan3A_115, %mul3A_116 : i32
          %add3A_118 = arith.constant 0 : i32
          %add3A_119 = arith.addi %add3A_118, %mul3A_117 : i32
          %add3A_120 = vector.broadcast %add3A_119 : i32 to vector<16xi32>
          %add3A_121 = arith.addi %iota3A, %add3A_120 : vector<16xi32>
          %broadcast_in_dim3A = arith.constant 0 : i32
          %broadcast_in_dim3A_122 = vector.broadcast %broadcast_in_dim3A : i32 to vector<16xi32>
          %gather3A = tpu.vector_load_idx %arg15[%add3A_121, %broadcast_in_dim3A_122] : memref<512x4xf32, #tpu.memory_space<vmem>>[vector<16xi32>, vector<16xi32>], vector<16xf32>,
          %gather3A_123 = tpu.vector_load_idx %arg17[%add3A_121, %broadcast_in_dim3A_122] : memref<512x8xf32, #tpu.memory_space<vmem>>[vector<16xi32>, vector<16xi32>], vector<16xf32>,
          %add3A_124 = arith.constant 1.000000e-16 : f32
          %add3A_125 = vector.broadcast %add3A_124 : f32 to vector<16xf32>
          %add3A_126 = arith.addf %gather3A_123, %add3A_125 : vector<16xf32>
          %div3A_127 = arith.divf %gather3A, %add3A_126 : vector<16xf32>
          %swap3A = arith.constant 0 : i32
          %swap3A_128 = arith.index_cast %swap3A : i32 to index
          %swap3A_129 = arith.index_cast %add3A_119 : i32 to index
          %swap3A_130 = tpu.vector_load %arg18[%swap3A_128, %swap3A_129] {strides = array<i32>} : memref<4x512xf32, #tpu.memory_space<vmem>>, vector<16xf32>,
          tpu.vector_store %arg18[%swap3A_128, %swap3A_129], %div3A_127 {strides = array<i32>} : memref<4x512xf32, #tpu.memory_space<vmem>>, vector<16xf32>,
          %broadcast_in_dim3A_131 = arith.constant 1 : i32
          %broadcast_in_dim3A_132 = vector.broadcast %broadcast_in_dim3A_131 : i32 to vector<16xi32>
          %gather3A_133 = tpu.vector_load_idx %arg15[%add3A_121, %broadcast_in_dim3A_132] : memref<512x4xf32, #tpu.memory_space<vmem>>[vector<16xi32>, vector<16xi32>], vector<16xf32>,
          %gather3A_134 = tpu.vector_load_idx %arg17[%add3A_121, %broadcast_in_dim3A_132] : memref<512x8xf32, #tpu.memory_space<vmem>>[vector<16xi32>, vector<16xi32>], vector<16xf32>,
          %add3A_135 = arith.constant 1.000000e-16 : f32
          %add3A_136 = vector.broadcast %add3A_135 : f32 to vector<16xf32>
          %add3A_137 = arith.addf %gather3A_134, %add3A_136 : vector<16xf32>
          %div3A_138 = arith.divf %gather3A_133, %add3A_137 : vector<16xf32>
          %swap3A_139 = arith.constant 1 : i32
          %swap3A_140 = arith.index_cast %swap3A_139 : i32 to index
          %swap3A_141 = arith.index_cast %add3A_119 : i32 to index
          %swap3A_142 = tpu.vector_load %arg18[%swap3A_140, %swap3A_141] {strides = array<i32>} : memref<4x512xf32, #tpu.memory_space<vmem>>, vector<16xf32>,
          tpu.vector_store %arg18[%swap3A_140, %swap3A_141], %div3A_138 {strides = array<i32>} : memref<4x512xf32, #tpu.memory_space<vmem>>, vector<16xf32>,
          %broadcast_in_dim3A_143 = arith.constant 2 : i32
          %broadcast_in_dim3A_144 = vector.broadcast %broadcast_in_dim3A_143 : i32 to vector<16xi32>
          %gather3A_145 = tpu.vector_load_idx %arg15[%add3A_121, %broadcast_in_dim3A_144] : memref<512x4xf32, #tpu.memory_space<vmem>>[vector<16xi32>, vector<16xi32>], vector<16xf32>,
          %gather3A_146 = tpu.vector_load_idx %arg17[%add3A_121, %broadcast_in_dim3A_144] : memref<512x8xf32, #tpu.memory_space<vmem>>[vector<16xi32>, vector<16xi32>], vector<16xf32>,
          %add3A_147 = arith.constant 1.000000e-16 : f32
          %add3A_148 = vector.broadcast %add3A_147 : f32 to vector<16xf32>
          %add3A_149 = arith.addf %gather3A_146, %add3A_148 : vector<16xf32>
          %div3A_150 = arith.divf %gather3A_145, %add3A_149 : vector<16xf32>
          %swap3A_151 = arith.constant 2 : i32
          %swap3A_152 = arith.index_cast %swap3A_151 : i32 to index
          %swap3A_153 = arith.index_cast %add3A_119 : i32 to index
          %swap3A_154 = tpu.vector_load %arg18[%swap3A_152, %swap3A_153] {strides = array<i32>} : memref<4x512xf32, #tpu.memory_space<vmem>>, vector<16xf32>,
          tpu.vector_store %arg18[%swap3A_152, %swap3A_153], %div3A_150 {strides = array<i32>} : memref<4x512xf32, #tpu.memory_space<vmem>>, vector<16xf32>,
          %broadcast_in_dim3A_155 = arith.constant 3 : i32
          %broadcast_in_dim3A_156 = vector.broadcast %broadcast_in_dim3A_155 : i32 to vector<16xi32>
          %gather3A_157 = tpu.vector_load_idx %arg15[%add3A_121, %broadcast_in_dim3A_156] : memref<512x4xf32, #tpu.memory_space<vmem>>[vector<16xi32>, vector<16xi32>], vector<16xf32>,
          %gather3A_158 = tpu.vector_load_idx %arg17[%add3A_121, %broadcast_in_dim3A_156] : memref<512x8xf32, #tpu.memory_space<vmem>>[vector<16xi32>, vector<16xi32>], vector<16xf32>,
          %add3A_159 = arith.constant 1.000000e-16 : f32
          %add3A_160 = vector.broadcast %add3A_159 : f32 to vector<16xf32>
          %add3A_161 = arith.addf %gather3A_158, %add3A_160 : vector<16xf32>
          %div3A_162 = arith.divf %gather3A_157, %add3A_161 : vector<16xf32>
          %swap3A_163 = arith.constant 3 : i32
          %swap3A_164 = arith.index_cast %swap3A_163 : i32 to index
          %swap3A_165 = arith.index_cast %add3A_119 : i32 to index
          %swap3A_166 = tpu.vector_load %arg18[%swap3A_164, %swap3A_165] {strides = array<i32>} : memref<4x512xf32, #tpu.memory_space<vmem>>, vector<16xf32>,
          tpu.vector_store %arg18[%swap3A_164, %swap3A_165], %div3A_162 {strides = array<i32>} : memref<4x512xf32, #tpu.memory_space<vmem>>, vector<16xf32>,
        }
        %scan3A_63 = arith.constant 32 : i32
        %mul3A_64 = arith.constant 4 : i32
        %mul3A_65 = arith.muli %add3A_20, %mul3A_64 : i32
        %add3A_66 = arith.constant 0 : i32
        %add3A_67 = arith.addi %mul3A_65, %add3A_66 : i32
        %mul3A_68 = arith.constant 122880 : i32
        %mul3A_69 = arith.muli %add3A_67, %mul3A_68 : i32
        %mul3A_70 = arith.constant 7680 : i32
        %mul3A_71 = arith.muli %arg1, %mul3A_70 : i32
        %add3A_72 = arith.addi %mul3A_69, %mul3A_71 : i32
        %mul3A_73 = arith.constant 512 : i32
        %mul3A_74 = arith.muli %add3A_45, %mul3A_73 : i32
        %add3A_75 = arith.addi %add3A_72, %mul3A_74 : i32
        %run_scoped3A = arith.constant 0 : i32
        "tpu.region"() ({
          %run_scoped3A_115 = tpu.sem_alloc : memref<!tpu.dma_semaphore, #tpu.memory_space<semaphore_mem>>
          %dma_start3A = arith.constant 0 : i32
          %dma_start3A_116 = tpu.memref_slice %arg18[%run_scoped3A, %dma_start3A] : memref<4x512xf32, #tpu.memory_space<vmem>> -> memref<1x512xf32, #tpu.memory_space<vmem>>
          %dma_start3A_117 = tpu.memref_squeeze %dma_start3A_116 : memref<1x512xf32, #tpu.memory_space<vmem>> -> memref<512xf32, #tpu.memory_space<vmem>>
          %dma_start3A_118 = tpu.memref_slice %arg9[%add3A_75] : memref<2457600xf32, #tpu.memory_space<hbm>> -> memref<512xf32, #tpu.memory_space<hbm>>
          %dma_start3A_119 = tpu.memref_slice %arg9[%add3A_75] : memref<2457600xf32, #tpu.memory_space<hbm>> -> memref<512xf32, #tpu.memory_space<hbm>>
          %dma_start3A_120 = arith.constant 0 : i32
          %dma_start3A_121 = tpu.memref_slice %arg18[%run_scoped3A, %dma_start3A_120] : memref<4x512xf32, #tpu.memory_space<vmem>> -> memref<1x512xf32, #tpu.memory_space<vmem>>
          %dma_start3A_122 = tpu.memref_squeeze %dma_start3A_121 : memref<1x512xf32, #tpu.memory_space<vmem>> -> memref<512xf32, #tpu.memory_space<vmem>>
          tpu.enqueue_dma source(%dma_start3A_122 : memref<512xf32, #tpu.memory_space<vmem>>) target(%dma_start3A_119 : memref<512xf32, #tpu.memory_space<hbm>>) target_semaphore(%run_scoped3A_115 : memref<!tpu.dma_semaphore, #tpu.memory_space<semaphore_mem>>)
          %dma_wait3A = arith.constant 0 : i32
          %dma_wait3A_123 = tpu.memref_slice %arg18[%run_scoped3A, %dma_wait3A] : memref<4x512xf32, #tpu.memory_space<vmem>> -> memref<1x512xf32, #tpu.memory_space<vmem>>
          %dma_wait3A_124 = tpu.memref_squeeze %dma_wait3A_123 : memref<1x512xf32, #tpu.memory_space<vmem>> -> memref<512xf32, #tpu.memory_space<vmem>>
          %dma_wait3A_125 = tpu.memref_slice %arg9[%add3A_75] : memref<2457600xf32, #tpu.memory_space<hbm>> -> memref<512xf32, #tpu.memory_space<hbm>>
          %dma_wait3A_126 = tpu.memref_slice %arg9[%add3A_75] : memref<2457600xf32, #tpu.memory_space<hbm>> -> memref<512xf32, #tpu.memory_space<hbm>>
          %dma_wait3A_127 = arith.constant 0 : i32
          %dma_wait3A_128 = tpu.memref_slice %arg18[%run_scoped3A, %dma_wait3A_127] : memref<4x512xf32, #tpu.memory_space<vmem>> -> memref<1x512xf32, #tpu.memory_space<vmem>>
          %dma_wait3A_129 = tpu.memref_squeeze %dma_wait3A_128 : memref<1x512xf32, #tpu.memory_space<vmem>> -> memref<512xf32, #tpu.memory_space<vmem>>
          tpu.wait_dma2 semaphore(%run_scoped3A_115 : memref<!tpu.dma_semaphore, #tpu.memory_space<semaphore_mem>>) src(%dma_wait3A_129 : memref<512xf32, #tpu.memory_space<vmem>>) dst(%dma_wait3A_126 : memref<512xf32, #tpu.memory_space<hbm>>)
          tpu.yield
        }) : () -> ()
        %mul3A_76 = arith.constant 4 : i32
        %mul3A_77 = arith.muli %add3A_20, %mul3A_76 : i32
        %add3A_78 = arith.constant 1 : i32
        %add3A_79 = arith.addi %mul3A_77, %add3A_78 : i32
        %mul3A_80 = arith.constant 122880 : i32
        %mul3A_81 = arith.muli %add3A_79, %mul3A_80 : i32
        %mul3A_82 = arith.constant 7680 : i32
        %mul3A_83 = arith.muli %arg1, %mul3A_82 : i32
        %add3A_84 = arith.addi %mul3A_81, %mul3A_83 : i32
        %mul3A_85 = arith.constant 512 : i32
        %mul3A_86 = arith.muli %add3A_45, %mul3A_85 : i32
        %add3A_87 = arith.addi %add3A_84, %mul3A_86 : i32
        %run_scoped3A_88 = arith.constant 1 : i32
        "tpu.region"() ({
          %run_scoped3A_115 = tpu.sem_alloc : memref<!tpu.dma_semaphore, #tpu.memory_space<semaphore_mem>>
          %dma_start3A = arith.constant 0 : i32
          %dma_start3A_116 = tpu.memref_slice %arg18[%run_scoped3A_88, %dma_start3A] : memref<4x512xf32, #tpu.memory_space<vmem>> -> memref<1x512xf32, #tpu.memory_space<vmem>>
          %dma_start3A_117 = tpu.memref_squeeze %dma_start3A_116 : memref<1x512xf32, #tpu.memory_space<vmem>> -> memref<512xf32, #tpu.memory_space<vmem>>
          %dma_start3A_118 = tpu.memref_slice %arg9[%add3A_87] : memref<2457600xf32, #tpu.memory_space<hbm>> -> memref<512xf32, #tpu.memory_space<hbm>>
          %dma_start3A_119 = tpu.memref_slice %arg9[%add3A_87] : memref<2457600xf32, #tpu.memory_space<hbm>> -> memref<512xf32, #tpu.memory_space<hbm>>
          %dma_start3A_120 = arith.constant 0 : i32
          %dma_start3A_121 = tpu.memref_slice %arg18[%run_scoped3A_88, %dma_start3A_120] : memref<4x512xf32, #tpu.memory_space<vmem>> -> memref<1x512xf32, #tpu.memory_space<vmem>>
          %dma_start3A_122 = tpu.memref_squeeze %dma_start3A_121 : memref<1x512xf32, #tpu.memory_space<vmem>> -> memref<512xf32, #tpu.memory_space<vmem>>
          tpu.enqueue_dma source(%dma_start3A_122 : memref<512xf32, #tpu.memory_space<vmem>>) target(%dma_start3A_119 : memref<512xf32, #tpu.memory_space<hbm>>) target_semaphore(%run_scoped3A_115 : memref<!tpu.dma_semaphore, #tpu.memory_space<semaphore_mem>>)
          %dma_wait3A = arith.constant 0 : i32
          %dma_wait3A_123 = tpu.memref_slice %arg18[%run_scoped3A_88, %dma_wait3A] : memref<4x512xf32, #tpu.memory_space<vmem>> -> memref<1x512xf32, #tpu.memory_space<vmem>>
          %dma_wait3A_124 = tpu.memref_squeeze %dma_wait3A_123 : memref<1x512xf32, #tpu.memory_space<vmem>> -> memref<512xf32, #tpu.memory_space<vmem>>
          %dma_wait3A_125 = tpu.memref_slice %arg9[%add3A_87] : memref<2457600xf32, #tpu.memory_space<hbm>> -> memref<512xf32, #tpu.memory_space<hbm>>
          %dma_wait3A_126 = tpu.memref_slice %arg9[%add3A_87] : memref<2457600xf32, #tpu.memory_space<hbm>> -> memref<512xf32, #tpu.memory_space<hbm>>
          %dma_wait3A_127 = arith.constant 0 : i32
          %dma_wait3A_128 = tpu.memref_slice %arg18[%run_scoped3A_88, %dma_wait3A_127] : memref<4x512xf32, #tpu.memory_space<vmem>> -> memref<1x512xf32, #tpu.memory_space<vmem>>
          %dma_wait3A_129 = tpu.memref_squeeze %dma_wait3A_128 : memref<1x512xf32, #tpu.memory_space<vmem>> -> memref<512xf32, #tpu.memory_space<vmem>>
          tpu.wait_dma2 semaphore(%run_scoped3A_115 : memref<!tpu.dma_semaphore, #tpu.memory_space<semaphore_mem>>) src(%dma_wait3A_129 : memref<512xf32, #tpu.memory_space<vmem>>) dst(%dma_wait3A_126 : memref<512xf32, #tpu.memory_space<hbm>>)
          tpu.yield
        }) : () -> ()
        %mul3A_89 = arith.constant 4 : i32
        %mul3A_90 = arith.muli %add3A_20, %mul3A_89 : i32
        %add3A_91 = arith.constant 2 : i32
        %add3A_92 = arith.addi %mul3A_90, %add3A_91 : i32
        %mul3A_93 = arith.constant 122880 : i32
        %mul3A_94 = arith.muli %add3A_92, %mul3A_93 : i32
        %mul3A_95 = arith.constant 7680 : i32
        %mul3A_96 = arith.muli %arg1, %mul3A_95 : i32
        %add3A_97 = arith.addi %mul3A_94, %mul3A_96 : i32
        %mul3A_98 = arith.constant 512 : i32
        %mul3A_99 = arith.muli %add3A_45, %mul3A_98 : i32
        %add3A_100 = arith.addi %add3A_97, %mul3A_99 : i32
        %run_scoped3A_101 = arith.constant 2 : i32
        "tpu.region"() ({
          %run_scoped3A_115 = tpu.sem_alloc : memref<!tpu.dma_semaphore, #tpu.memory_space<semaphore_mem>>
          %dma_start3A = arith.constant 0 : i32
          %dma_start3A_116 = tpu.memref_slice %arg18[%run_scoped3A_101, %dma_start3A] : memref<4x512xf32, #tpu.memory_space<vmem>> -> memref<1x512xf32, #tpu.memory_space<vmem>>
          %dma_start3A_117 = tpu.memref_squeeze %dma_start3A_116 : memref<1x512xf32, #tpu.memory_space<vmem>> -> memref<512xf32, #tpu.memory_space<vmem>>
          %dma_start3A_118 = tpu.memref_slice %arg9[%add3A_100] : memref<2457600xf32, #tpu.memory_space<hbm>> -> memref<512xf32, #tpu.memory_space<hbm>>
          %dma_start3A_119 = tpu.memref_slice %arg9[%add3A_100] : memref<2457600xf32, #tpu.memory_space<hbm>> -> memref<512xf32, #tpu.memory_space<hbm>>
          %dma_start3A_120 = arith.constant 0 : i32
          %dma_start3A_121 = tpu.memref_slice %arg18[%run_scoped3A_101, %dma_start3A_120] : memref<4x512xf32, #tpu.memory_space<vmem>> -> memref<1x512xf32, #tpu.memory_space<vmem>>
          %dma_start3A_122 = tpu.memref_squeeze %dma_start3A_121 : memref<1x512xf32, #tpu.memory_space<vmem>> -> memref<512xf32, #tpu.memory_space<vmem>>
          tpu.enqueue_dma source(%dma_start3A_122 : memref<512xf32, #tpu.memory_space<vmem>>) target(%dma_start3A_119 : memref<512xf32, #tpu.memory_space<hbm>>) target_semaphore(%run_scoped3A_115 : memref<!tpu.dma_semaphore, #tpu.memory_space<semaphore_mem>>)
          %dma_wait3A = arith.constant 0 : i32
          %dma_wait3A_123 = tpu.memref_slice %arg18[%run_scoped3A_101, %dma_wait3A] : memref<4x512xf32, #tpu.memory_space<vmem>> -> memref<1x512xf32, #tpu.memory_space<vmem>>
          %dma_wait3A_124 = tpu.memref_squeeze %dma_wait3A_123 : memref<1x512xf32, #tpu.memory_space<vmem>> -> memref<512xf32, #tpu.memory_space<vmem>>
          %dma_wait3A_125 = tpu.memref_slice %arg9[%add3A_100] : memref<2457600xf32, #tpu.memory_space<hbm>> -> memref<512xf32, #tpu.memory_space<hbm>>
          %dma_wait3A_126 = tpu.memref_slice %arg9[%add3A_100] : memref<2457600xf32, #tpu.memory_space<hbm>> -> memref<512xf32, #tpu.memory_space<hbm>>
          %dma_wait3A_127 = arith.constant 0 : i32
          %dma_wait3A_128 = tpu.memref_slice %arg18[%run_scoped3A_101, %dma_wait3A_127] : memref<4x512xf32, #tpu.memory_space<vmem>> -> memref<1x512xf32, #tpu.memory_space<vmem>>
          %dma_wait3A_129 = tpu.memref_squeeze %dma_wait3A_128 : memref<1x512xf32, #tpu.memory_space<vmem>> -> memref<512xf32, #tpu.memory_space<vmem>>
          tpu.wait_dma2 semaphore(%run_scoped3A_115 : memref<!tpu.dma_semaphore, #tpu.memory_space<semaphore_mem>>) src(%dma_wait3A_129 : memref<512xf32, #tpu.memory_space<vmem>>) dst(%dma_wait3A_126 : memref<512xf32, #tpu.memory_space<hbm>>)
          tpu.yield
        }) : () -> ()
        %mul3A_102 = arith.constant 4 : i32
        %mul3A_103 = arith.muli %add3A_20, %mul3A_102 : i32
        %add3A_104 = arith.constant 3 : i32
        %add3A_105 = arith.addi %mul3A_103, %add3A_104 : i32
        %mul3A_106 = arith.constant 122880 : i32
        %mul3A_107 = arith.muli %add3A_105, %mul3A_106 : i32
        %mul3A_108 = arith.constant 7680 : i32
        %mul3A_109 = arith.muli %arg1, %mul3A_108 : i32
        %add3A_110 = arith.addi %mul3A_107, %mul3A_109 : i32
        %mul3A_111 = arith.constant 512 : i32
        %mul3A_112 = arith.muli %add3A_45, %mul3A_111 : i32
        %add3A_113 = arith.addi %add3A_110, %mul3A_112 : i32
        %run_scoped3A_114 = arith.constant 3 : i32
        "tpu.region"() ({
          %run_scoped3A_115 = tpu.sem_alloc : memref<!tpu.dma_semaphore, #tpu.memory_space<semaphore_mem>>
          %dma_start3A = arith.constant 0 : i32
          %dma_start3A_116 = tpu.memref_slice %arg18[%run_scoped3A_114, %dma_start3A] : memref<4x512xf32, #tpu.memory_space<vmem>> -> memref<1x512xf32, #tpu.memory_space<vmem>>
          %dma_start3A_117 = tpu.memref_squeeze %dma_start3A_116 : memref<1x512xf32, #tpu.memory_space<vmem>> -> memref<512xf32, #tpu.memory_space<vmem>>
          %dma_start3A_118 = tpu.memref_slice %arg9[%add3A_113] : memref<2457600xf32, #tpu.memory_space<hbm>> -> memref<512xf32, #tpu.memory_space<hbm>>
          %dma_start3A_119 = tpu.memref_slice %arg9[%add3A_113] : memref<2457600xf32, #tpu.memory_space<hbm>> -> memref<512xf32, #tpu.memory_space<hbm>>
          %dma_start3A_120 = arith.constant 0 : i32
          %dma_start3A_121 = tpu.memref_slice %arg18[%run_scoped3A_114, %dma_start3A_120] : memref<4x512xf32, #tpu.memory_space<vmem>> -> memref<1x512xf32, #tpu.memory_space<vmem>>
          %dma_start3A_122 = tpu.memref_squeeze %dma_start3A_121 : memref<1x512xf32, #tpu.memory_space<vmem>> -> memref<512xf32, #tpu.memory_space<vmem>>
          tpu.enqueue_dma source(%dma_start3A_122 : memref<512xf32, #tpu.memory_space<vmem>>) target(%dma_start3A_119 : memref<512xf32, #tpu.memory_space<hbm>>) target_semaphore(%run_scoped3A_115 : memref<!tpu.dma_semaphore, #tpu.memory_space<semaphore_mem>>)
          %dma_wait3A = arith.constant 0 : i32
          %dma_wait3A_123 = tpu.memref_slice %arg18[%run_scoped3A_114, %dma_wait3A] : memref<4x512xf32, #tpu.memory_space<vmem>> -> memref<1x512xf32, #tpu.memory_space<vmem>>
          %dma_wait3A_124 = tpu.memref_squeeze %dma_wait3A_123 : memref<1x512xf32, #tpu.memory_space<vmem>> -> memref<512xf32, #tpu.memory_space<vmem>>
          %dma_wait3A_125 = tpu.memref_slice %arg9[%add3A_113] : memref<2457600xf32, #tpu.memory_space<hbm>> -> memref<512xf32, #tpu.memory_space<hbm>>
          %dma_wait3A_126 = tpu.memref_slice %arg9[%add3A_113] : memref<2457600xf32, #tpu.memory_space<hbm>> -> memref<512xf32, #tpu.memory_space<hbm>>
          %dma_wait3A_127 = arith.constant 0 : i32
          %dma_wait3A_128 = tpu.memref_slice %arg18[%run_scoped3A_114, %dma_wait3A_127] : memref<4x512xf32, #tpu.memory_space<vmem>> -> memref<1x512xf32, #tpu.memory_space<vmem>>
          %dma_wait3A_129 = tpu.memref_squeeze %dma_wait3A_128 : memref<1x512xf32, #tpu.memory_space<vmem>> -> memref<512xf32, #tpu.memory_space<vmem>>
          tpu.wait_dma2 semaphore(%run_scoped3A_115 : memref<!tpu.dma_semaphore, #tpu.memory_space<semaphore_mem>>) src(%dma_wait3A_129 : memref<512xf32, #tpu.memory_space<vmem>>) dst(%dma_wait3A_126 : memref<512xf32, #tpu.memory_space<hbm>>)
          tpu.yield
        }) : () -> ()
      }
      %scan3A_40 = arith.constant 15 : i32
    }
    %while3A_17 = arith.constant 1 : i32
    scf.for %while3A_18 = %while3A_15 to %while3A_11 step %while3A_17  : i32 {
      %mul3A_19 = arith.muli %while3A_18, %while3A : i32
      %add3A_20 = arith.addi %mul3A_0, %mul3A_19 : i32
      "tpu.region"() ({
        %run_scoped3A = tpu.sem_alloc : memref<!tpu.dma_semaphore, #tpu.memory_space<semaphore_mem>>
        %dma_start3A = arith.constant 0 : i32
        %dma_start3A_41 = arith.constant 0 : i32
        %dma_start3A_42 = tpu.memref_slice %arg4[%add3A_20, %dma_start3A, %dma_start3A_41] : memref<5x10000x4xf32, #tpu.memory_space<hbm>> -> memref<1x10000x4xf32, #tpu.memory_space<hbm>>
        %dma_start3A_43 = tpu.memref_squeeze %dma_start3A_42 : memref<1x10000x4xf32, #tpu.memory_space<hbm>> -> memref<10000x4xf32, #tpu.memory_space<hbm>>
        %dma_start3A_44 = arith.constant 0 : i32
        %dma_start3A_45 = arith.constant 0 : i32
        %dma_start3A_46 = tpu.memref_slice %arg4[%add3A_20, %dma_start3A_44, %dma_start3A_45] : memref<5x10000x4xf32, #tpu.memory_space<hbm>> -> memref<1x10000x4xf32, #tpu.memory_space<hbm>>
        %dma_start3A_47 = tpu.memref_squeeze %dma_start3A_46 : memref<1x10000x4xf32, #tpu.memory_space<hbm>> -> memref<10000x4xf32, #tpu.memory_space<hbm>>
        tpu.enqueue_dma source(%dma_start3A_47 : memref<10000x4xf32, #tpu.memory_space<hbm>>) target(%arg10 : memref<10000x4xf32, #tpu.memory_space<vmem>>) target_semaphore(%run_scoped3A : memref<!tpu.dma_semaphore, #tpu.memory_space<semaphore_mem>>)
        %dma_wait3A = arith.constant 0 : i32
        %dma_wait3A_48 = arith.constant 0 : i32
        %dma_wait3A_49 = tpu.memref_slice %arg4[%add3A_20, %dma_wait3A, %dma_wait3A_48] : memref<5x10000x4xf32, #tpu.memory_space<hbm>> -> memref<1x10000x4xf32, #tpu.memory_space<hbm>>
        %dma_wait3A_50 = tpu.memref_squeeze %dma_wait3A_49 : memref<1x10000x4xf32, #tpu.memory_space<hbm>> -> memref<10000x4xf32, #tpu.memory_space<hbm>>
        %dma_wait3A_51 = arith.constant 0 : i32
        %dma_wait3A_52 = arith.constant 0 : i32
        %dma_wait3A_53 = tpu.memref_slice %arg4[%add3A_20, %dma_wait3A_51, %dma_wait3A_52] : memref<5x10000x4xf32, #tpu.memory_space<hbm>> -> memref<1x10000x4xf32, #tpu.memory_space<hbm>>
        %dma_wait3A_54 = tpu.memref_squeeze %dma_wait3A_53 : memref<1x10000x4xf32, #tpu.memory_space<hbm>> -> memref<10000x4xf32, #tpu.memory_space<hbm>>
        tpu.wait_dma2 semaphore(%run_scoped3A : memref<!tpu.dma_semaphore, #tpu.memory_space<semaphore_mem>>) src(%dma_wait3A_54 : memref<10000x4xf32, #tpu.memory_space<hbm>>) dst(%arg10 : memref<10000x4xf32, #tpu.memory_space<vmem>>)
        tpu.yield
      }) : () -> ()
      %mul3A_21 = arith.constant 3200 : i32
      %mul3A_22 = arith.muli %arg1, %mul3A_21 : i32
      "tpu.region"() ({
        %run_scoped3A = tpu.sem_alloc : memref<!tpu.dma_semaphore, #tpu.memory_space<semaphore_mem>>
        %dma_start3A = arith.constant 0 : i32
        %dma_start3A_41 = tpu.memref_slice %arg19[%mul3A_22, %dma_start3A] : memref<51200x8xf32, #tpu.memory_space<vmem_shared>> -> memref<3200x8xf32, #tpu.memory_space<vmem_shared>>
        tpu.enqueue_dma source(%arg6 : memref<3200x8xf32, #tpu.memory_space<hbm>>) target(%dma_start3A_41 : memref<3200x8xf32, #tpu.memory_space<vmem_shared>>) target_semaphore(%run_scoped3A : memref<!tpu.dma_semaphore, #tpu.memory_space<semaphore_mem>>)
        %dma_wait3A = arith.constant 0 : i32
        %dma_wait3A_42 = tpu.memref_slice %arg19[%mul3A_22, %dma_wait3A] : memref<51200x8xf32, #tpu.memory_space<vmem_shared>> -> memref<3200x8xf32, #tpu.memory_space<vmem_shared>>
        tpu.wait_dma2 semaphore(%run_scoped3A : memref<!tpu.dma_semaphore, #tpu.memory_space<semaphore_mem>>) src(%arg6 : memref<3200x8xf32, #tpu.memory_space<hbm>>) dst(%dma_wait3A_42 : memref<3200x8xf32, #tpu.memory_space<vmem_shared>>)
        tpu.yield
      }) : () -> ()
      %barrier3A = arith.constant 0 : index
      tpu.barrier barrier_id(%barrier3A)
      %scan3A = arith.constant 0 : i32
      %scan3A_23 = arith.constant 15 : i32
      %scan3A_24 = arith.addi %scan3A, %scan3A_23 : i32
      %scan3A_25 = arith.constant 1 : i32
      scf.for %scan3A_41 = %scan3A to %scan3A_24 step %scan3A_25  : i32 {
        %mul3A_42 = arith.constant 1 : i32
        %mul3A_43 = arith.muli %scan3A_41, %mul3A_42 : i32
        %add3A_44 = arith.constant 0 : i32
        %add3A_45 = arith.addi %add3A_44, %mul3A_43 : i32
        %mul3A_46 = arith.constant 122880 : i32
        %mul3A_47 = arith.muli %add3A_20, %mul3A_46 : i32
        %mul3A_48 = arith.constant 7680 : i32
        %mul3A_49 = arith.muli %arg1, %mul3A_48 : i32
        %add3A_50 = arith.addi %mul3A_47, %mul3A_49 : i32
        %mul3A_51 = arith.constant 512 : i32
        %mul3A_52 = arith.muli %add3A_45, %mul3A_51 : i32
        %add3A_53 = arith.addi %add3A_50, %mul3A_52 : i32
        "tpu.region"() ({
          %run_scoped3A = tpu.sem_alloc : memref<!tpu.dma_semaphore, #tpu.memory_space<semaphore_mem>>
          %dma_start3A = tpu.memref_slice %arg2[%add3A_53] : memref<614400xi32, #tpu.memory_space<hbm>> -> memref<512xi32, #tpu.memory_space<hbm>>
          %dma_start3A_69 = tpu.memref_slice %arg2[%add3A_53] : memref<614400xi32, #tpu.memory_space<hbm>> -> memref<512xi32, #tpu.memory_space<hbm>>
          tpu.enqueue_dma source(%dma_start3A_69 : memref<512xi32, #tpu.memory_space<hbm>>) target(%arg11 : memref<512xi32, #tpu.memory_space<vmem>>) target_semaphore(%run_scoped3A : memref<!tpu.dma_semaphore, #tpu.memory_space<semaphore_mem>>)
          %dma_start3A_70 = tpu.memref_slice %arg3[%add3A_53] : memref<614400xi32, #tpu.memory_space<hbm>> -> memref<512xi32, #tpu.memory_space<hbm>>
          %dma_start3A_71 = tpu.memref_slice %arg3[%add3A_53] : memref<614400xi32, #tpu.memory_space<hbm>> -> memref<512xi32, #tpu.memory_space<hbm>>
          tpu.enqueue_dma source(%dma_start3A_71 : memref<512xi32, #tpu.memory_space<hbm>>) target(%arg12 : memref<512xi32, #tpu.memory_space<vmem>>) target_semaphore(%run_scoped3A : memref<!tpu.dma_semaphore, #tpu.memory_space<semaphore_mem>>)
          %dma_wait3A = tpu.memref_slice %arg2[%add3A_53] : memref<614400xi32, #tpu.memory_space<hbm>> -> memref<512xi32, #tpu.memory_space<hbm>>
          %dma_wait3A_72 = tpu.memref_slice %arg2[%add3A_53] : memref<614400xi32, #tpu.memory_space<hbm>> -> memref<512xi32, #tpu.memory_space<hbm>>
          tpu.wait_dma2 semaphore(%run_scoped3A : memref<!tpu.dma_semaphore, #tpu.memory_space<semaphore_mem>>) src(%dma_wait3A_72 : memref<512xi32, #tpu.memory_space<hbm>>) dst(%arg11 : memref<512xi32, #tpu.memory_space<vmem>>)
          %dma_wait3A_73 = tpu.memref_slice %arg3[%add3A_53] : memref<614400xi32, #tpu.memory_space<hbm>> -> memref<512xi32, #tpu.memory_space<hbm>>
          %dma_wait3A_74 = tpu.memref_slice %arg3[%add3A_53] : memref<614400xi32, #tpu.memory_space<hbm>> -> memref<512xi32, #tpu.memory_space<hbm>>
          tpu.wait_dma2 semaphore(%run_scoped3A : memref<!tpu.dma_semaphore, #tpu.memory_space<semaphore_mem>>) src(%dma_wait3A_74 : memref<512xi32, #tpu.memory_space<hbm>>) dst(%arg12 : memref<512xi32, #tpu.memory_space<vmem>>)
          tpu.yield
        }) : () -> ()
        %scan3A_54 = arith.constant 0 : i32
        %scan3A_55 = arith.constant 32 : i32
        %scan3A_56 = arith.addi %scan3A_54, %scan3A_55 : i32
        %scan3A_57 = arith.constant 1 : i32
        scf.for %scan3A_69 = %scan3A_54 to %scan3A_56 step %scan3A_57  : i32 {
          %mul3A_70 = arith.constant 16 : i32
          %mul3A_71 = arith.muli %scan3A_69, %mul3A_70 : i32
          %add3A_72 = arith.constant 0 : i32
          %add3A_73 = arith.addi %add3A_72, %mul3A_71 : i32
          %get3A = arith.index_cast %add3A_73 : i32 to index
          %get3A_74 = tpu.vector_load %arg12[%get3A] {strides = array<i32>} : memref<512xi32, #tpu.memory_space<vmem>>, vector<16xi32>,
          %mul3A_75 = arith.constant 5 : i32
          %mul3A_76 = vector.broadcast %mul3A_75 : i32 to vector<16xi32>
          %mul3A_77 = arith.muli %get3A_74, %mul3A_76 : vector<16xi32>
          %add3A_78 = vector.broadcast %add3A_20 : i32 to vector<16xi32>
          %add3A_79 = arith.addi %mul3A_77, %add3A_78 : vector<16xi32>
          %swap3A = arith.index_cast %add3A_73 : i32 to index
          %swap3A_80 = tpu.vector_load %arg13[%swap3A] {strides = array<i32>} : memref<512xi32, #tpu.memory_space<vmem>>, vector<16xi32>,
          tpu.vector_store %arg13[%swap3A], %add3A_79 {strides = array<i32>} : memref<512xi32, #tpu.memory_space<vmem>>, vector<16xi32>,
        }
        %scan3A_58 = arith.constant 32 : i32
        "tpu.region"() ({
          %run_scoped3A = tpu.sem_alloc : memref<!tpu.dma_semaphore, #tpu.memory_space<semaphore_mem>>
          %dma_start3A = arith.constant 0 : i32
          %dma_start3A_69 = arith.constant 0 : i32
          %dma_start3A_70 = tpu.memref_slice %arg5[%dma_start3A, %dma_start3A_69] : memref<250000x16xf32, #tpu.memory_space<hbm>> -> memref<250000x16xf32, #tpu.memory_space<hbm>>
          tpu.enqueue_indirect_dma source(%dma_start3A_70 : memref<250000x16xf32, #tpu.memory_space<hbm>>) target(%arg14 : memref<512x16xf32, #tpu.memory_space<vmem>>) offsets(%arg13 : memref<512xi32, #tpu.memory_space<vmem>>) semaphore(%run_scoped3A : memref<!tpu.dma_semaphore, #tpu.memory_space<semaphore_mem>>)
          %dma_wait3A = arith.constant 0 : i32
          %dma_wait3A_71 = arith.constant 0 : i32
          %dma_wait3A_72 = tpu.memref_slice %arg5[%dma_wait3A, %dma_wait3A_71] : memref<250000x16xf32, #tpu.memory_space<hbm>> -> memref<250000x16xf32, #tpu.memory_space<hbm>>
          tpu.wait_indirect_dma semaphore(%run_scoped3A : memref<!tpu.dma_semaphore, #tpu.memory_space<semaphore_mem>>) src(%dma_wait3A_72 : memref<250000x16xf32, #tpu.memory_space<hbm>>) dst(%arg14 : memref<512x16xf32, #tpu.memory_space<vmem>>)
          tpu.yield
        }) : () -> ()
        %mul3A_59 = arith.constant 7680 : i32
        %mul3A_60 = arith.muli %arg1, %mul3A_59 : i32
        %mul3A_61 = arith.constant 512 : i32
        %mul3A_62 = arith.muli %add3A_45, %mul3A_61 : i32
        %add3A_63 = arith.addi %mul3A_60, %mul3A_62 : i32
        %scan3A_64 = arith.constant 0 : i32
        %scan3A_65 = arith.constant 32 : i32
        %scan3A_66 = arith.addi %scan3A_64, %scan3A_65 : i32
        %scan3A_67 = arith.constant 1 : i32
        scf.for %scan3A_69 = %scan3A_64 to %scan3A_66 step %scan3A_67  : i32 {
          %mul3A_70 = arith.constant 16 : i32
          %mul3A_71 = arith.muli %scan3A_69, %mul3A_70 : i32
          %add3A_72 = arith.constant 0 : i32
          %add3A_73 = arith.addi %add3A_72, %mul3A_71 : i32
          %get3A = arith.index_cast %add3A_73 : i32 to index
          %get3A_74 = tpu.vector_load %arg11[%get3A] {strides = array<i32>} : memref<512xi32, #tpu.memory_space<vmem>>, vector<16xi32>,
          %add3A_75 = arith.addi %add3A_63, %add3A_73 : i32
          %add3A_76 = vector.broadcast %add3A_75 : i32 to vector<16xi32>
          %add3A_77 = arith.addi %iota3A, %add3A_76 : vector<16xi32>
          %lt3A = arith.constant 120000 : i32
          %lt3A_78 = vector.broadcast %lt3A : i32 to vector<16xi32>
          %lt3A_79 = arith.cmpi slt, %add3A_77, %lt3A_78 : vector<16xi32>
          %add3A_80 = vector.broadcast %add3A_73 : i32 to vector<16xi32>
          %add3A_81 = arith.addi %iota3A, %add3A_80 : vector<16xi32>
          %broadcast_in_dim3A = arith.constant 0 : i32
          %broadcast_in_dim3A_82 = vector.broadcast %broadcast_in_dim3A : i32 to vector<16xi32>
          %gather3A = tpu.vector_load_idx %arg10[%get3A_74, %broadcast_in_dim3A_82] : memref<10000x4xf32, #tpu.memory_space<vmem>>[vector<16xi32>, vector<16xi32>], vector<16xf32>,
          %gather3A_83 = tpu.vector_load_idx %arg14[%add3A_81, %broadcast_in_dim3A_82] : memref<512x16xf32, #tpu.memory_space<vmem>>[vector<16xi32>, vector<16xi32>], vector<16xf32>,
          %add3A_84 = arith.addf %gather3A, %gather3A_83 : vector<16xf32>
          %mul3A_85 = arith.constant 2.000000e-01 : f32
          %mul3A_86 = vector.broadcast %mul3A_85 : f32 to vector<16xf32>
          %mul3A_87 = arith.mulf %mul3A_86, %add3A_84 : vector<16xf32>
          %max3A = arith.maximumf %add3A_84, %mul3A_87 : vector<16xf32>
          %exp3A = math.exp %max3A : vector<16xf32>
          %jit3A = arith.constant 0.000000e+00 : f32
          %broadcast_in_dim3A_88 = vector.broadcast %jit3A : f32 to vector<16xf32>
          %select_n3A = arith.select %lt3A_79, %exp3A, %broadcast_in_dim3A_88 : vector<16xi1>, vector<16xf32>
          tpu.vector_store_idx %arg15[%add3A_81, %broadcast_in_dim3A_82], %select_n3A : memref<512x4xf32, #tpu.memory_space<vmem>>[vector<16xi32>, vector<16xi32>], vector<16xf32>,
          tpu.vector_store_idx %arg16[%add3A_81, %broadcast_in_dim3A_82], %select_n3A : memref<512x8xf32, #tpu.memory_space<vmem>>[vector<16xi32>, vector<16xi32>], vector<16xf32>,
          %broadcast_in_dim3A_89 = arith.constant 1 : i32
          %broadcast_in_dim3A_90 = vector.broadcast %broadcast_in_dim3A_89 : i32 to vector<16xi32>
          %gather3A_91 = tpu.vector_load_idx %arg10[%get3A_74, %broadcast_in_dim3A_90] : memref<10000x4xf32, #tpu.memory_space<vmem>>[vector<16xi32>, vector<16xi32>], vector<16xf32>,
          %gather3A_92 = tpu.vector_load_idx %arg14[%add3A_81, %broadcast_in_dim3A_90] : memref<512x16xf32, #tpu.memory_space<vmem>>[vector<16xi32>, vector<16xi32>], vector<16xf32>,
          %add3A_93 = arith.addf %gather3A_91, %gather3A_92 : vector<16xf32>
          %mul3A_94 = arith.constant 2.000000e-01 : f32
          %mul3A_95 = vector.broadcast %mul3A_94 : f32 to vector<16xf32>
          %mul3A_96 = arith.mulf %mul3A_95, %add3A_93 : vector<16xf32>
          %max3A_97 = arith.maximumf %add3A_93, %mul3A_96 : vector<16xf32>
          %exp3A_98 = math.exp %max3A_97 : vector<16xf32>
          %jit3A_99 = arith.constant 0.000000e+00 : f32
          %broadcast_in_dim3A_100 = vector.broadcast %jit3A_99 : f32 to vector<16xf32>
          %select_n3A_101 = arith.select %lt3A_79, %exp3A_98, %broadcast_in_dim3A_100 : vector<16xi1>, vector<16xf32>
          tpu.vector_store_idx %arg15[%add3A_81, %broadcast_in_dim3A_90], %select_n3A_101 : memref<512x4xf32, #tpu.memory_space<vmem>>[vector<16xi32>, vector<16xi32>], vector<16xf32>,
          tpu.vector_store_idx %arg16[%add3A_81, %broadcast_in_dim3A_90], %select_n3A_101 : memref<512x8xf32, #tpu.memory_space<vmem>>[vector<16xi32>, vector<16xi32>], vector<16xf32>,
          %broadcast_in_dim3A_102 = arith.constant 2 : i32
          %broadcast_in_dim3A_103 = vector.broadcast %broadcast_in_dim3A_102 : i32 to vector<16xi32>
          %gather3A_104 = tpu.vector_load_idx %arg10[%get3A_74, %broadcast_in_dim3A_103] : memref<10000x4xf32, #tpu.memory_space<vmem>>[vector<16xi32>, vector<16xi32>], vector<16xf32>,
          %gather3A_105 = tpu.vector_load_idx %arg14[%add3A_81, %broadcast_in_dim3A_103] : memref<512x16xf32, #tpu.memory_space<vmem>>[vector<16xi32>, vector<16xi32>], vector<16xf32>,
          %add3A_106 = arith.addf %gather3A_104, %gather3A_105 : vector<16xf32>
          %mul3A_107 = arith.constant 2.000000e-01 : f32
          %mul3A_108 = vector.broadcast %mul3A_107 : f32 to vector<16xf32>
          %mul3A_109 = arith.mulf %mul3A_108, %add3A_106 : vector<16xf32>
          %max3A_110 = arith.maximumf %add3A_106, %mul3A_109 : vector<16xf32>
          %exp3A_111 = math.exp %max3A_110 : vector<16xf32>
          %jit3A_112 = arith.constant 0.000000e+00 : f32
          %broadcast_in_dim3A_113 = vector.broadcast %jit3A_112 : f32 to vector<16xf32>
          %select_n3A_114 = arith.select %lt3A_79, %exp3A_111, %broadcast_in_dim3A_113 : vector<16xi1>, vector<16xf32>
          tpu.vector_store_idx %arg15[%add3A_81, %broadcast_in_dim3A_103], %select_n3A_114 : memref<512x4xf32, #tpu.memory_space<vmem>>[vector<16xi32>, vector<16xi32>], vector<16xf32>,
          tpu.vector_store_idx %arg16[%add3A_81, %broadcast_in_dim3A_103], %select_n3A_114 : memref<512x8xf32, #tpu.memory_space<vmem>>[vector<16xi32>, vector<16xi32>], vector<16xf32>,
          %broadcast_in_dim3A_115 = arith.constant 3 : i32
          %broadcast_in_dim3A_116 = vector.broadcast %broadcast_in_dim3A_115 : i32 to vector<16xi32>
          %gather3A_117 = tpu.vector_load_idx %arg10[%get3A_74, %broadcast_in_dim3A_116] : memref<10000x4xf32, #tpu.memory_space<vmem>>[vector<16xi32>, vector<16xi32>], vector<16xf32>,
          %gather3A_118 = tpu.vector_load_idx %arg14[%add3A_81, %broadcast_in_dim3A_116] : memref<512x16xf32, #tpu.memory_space<vmem>>[vector<16xi32>, vector<16xi32>], vector<16xf32>,
          %add3A_119 = arith.addf %gather3A_117, %gather3A_118 : vector<16xf32>
          %mul3A_120 = arith.constant 2.000000e-01 : f32
          %mul3A_121 = vector.broadcast %mul3A_120 : f32 to vector<16xf32>
          %mul3A_122 = arith.mulf %mul3A_121, %add3A_119 : vector<16xf32>
          %max3A_123 = arith.maximumf %add3A_119, %mul3A_122 : vector<16xf32>
          %exp3A_124 = math.exp %max3A_123 : vector<16xf32>
          %jit3A_125 = arith.constant 0.000000e+00 : f32
          %broadcast_in_dim3A_126 = vector.broadcast %jit3A_125 : f32 to vector<16xf32>
          %select_n3A_127 = arith.select %lt3A_79, %exp3A_124, %broadcast_in_dim3A_126 : vector<16xi1>, vector<16xf32>
          tpu.vector_store_idx %arg15[%add3A_81, %broadcast_in_dim3A_116], %select_n3A_127 : memref<512x4xf32, #tpu.memory_space<vmem>>[vector<16xi32>, vector<16xi32>], vector<16xf32>,
          tpu.vector_store_idx %arg16[%add3A_81, %broadcast_in_dim3A_116], %select_n3A_127 : memref<512x8xf32, #tpu.memory_space<vmem>>[vector<16xi32>, vector<16xi32>], vector<16xf32>,
        }
        %scan3A_68 = arith.constant 32 : i32
        "tpu.region"() ({
          %run_scoped3A = tpu.sem_alloc : memref<!tpu.dma_semaphore, #tpu.memory_space<semaphore_mem>>
          %dma_start3A = arith.constant 0 : i32
          %dma_start3A_69 = tpu.memref_slice %arg7[%add3A_53, %dma_start3A] : memref<614400x4xf32, #tpu.memory_space<hbm>> -> memref<512x4xf32, #tpu.memory_space<hbm>>
          %dma_start3A_70 = arith.constant 0 : i32
          %dma_start3A_71 = tpu.memref_slice %arg7[%add3A_53, %dma_start3A_70] : memref<614400x4xf32, #tpu.memory_space<hbm>> -> memref<512x4xf32, #tpu.memory_space<hbm>>
          tpu.enqueue_dma source(%arg15 : memref<512x4xf32, #tpu.memory_space<vmem>>) target(%dma_start3A_71 : memref<512x4xf32, #tpu.memory_space<hbm>>) target_semaphore(%run_scoped3A : memref<!tpu.dma_semaphore, #tpu.memory_space<semaphore_mem>>)
          %dma_wait3A = arith.constant 0 : i32
          %dma_wait3A_72 = tpu.memref_slice %arg7[%add3A_53, %dma_wait3A] : memref<614400x4xf32, #tpu.memory_space<hbm>> -> memref<512x4xf32, #tpu.memory_space<hbm>>
          %dma_wait3A_73 = arith.constant 0 : i32
          %dma_wait3A_74 = tpu.memref_slice %arg7[%add3A_53, %dma_wait3A_73] : memref<614400x4xf32, #tpu.memory_space<hbm>> -> memref<512x4xf32, #tpu.memory_space<hbm>>
          tpu.wait_dma2 semaphore(%run_scoped3A : memref<!tpu.dma_semaphore, #tpu.memory_space<semaphore_mem>>) src(%arg15 : memref<512x4xf32, #tpu.memory_space<vmem>>) dst(%dma_wait3A_74 : memref<512x4xf32, #tpu.memory_space<hbm>>)
          tpu.yield
        }) : () -> ()
        "tpu.region"() ({
          %run_scoped3A = tpu.sem_alloc : memref<!tpu.dma_semaphore, #tpu.memory_space<semaphore_mem>>
          %dma_start3A = arith.constant 0 : i32
          %dma_start3A_69 = arith.constant 0 : i32
          %dma_start3A_70 = tpu.memref_slice %arg19[%dma_start3A, %dma_start3A_69] : memref<51200x8xf32, #tpu.memory_space<vmem_shared>> -> memref<51200x8xf32, #tpu.memory_space<vmem_shared>>
          tpu.enqueue_indirect_dma source(%arg16 : memref<512x8xf32, #tpu.memory_space<vmem>>) target(%dma_start3A_70 : memref<51200x8xf32, #tpu.memory_space<vmem_shared>>) offsets(%arg12 : memref<512xi32, #tpu.memory_space<vmem>>) semaphore(%run_scoped3A : memref<!tpu.dma_semaphore, #tpu.memory_space<semaphore_mem>>) {add = true}
          %dma_wait3A = arith.constant 0 : i32
          %dma_wait3A_71 = arith.constant 0 : i32
          %dma_wait3A_72 = tpu.memref_slice %arg19[%dma_wait3A, %dma_wait3A_71] : memref<51200x8xf32, #tpu.memory_space<vmem_shared>> -> memref<51200x8xf32, #tpu.memory_space<vmem_shared>>
          tpu.wait_indirect_dma semaphore(%run_scoped3A : memref<!tpu.dma_semaphore, #tpu.memory_space<semaphore_mem>>) src(%arg16 : memref<512x8xf32, #tpu.memory_space<vmem>>) dst(%dma_wait3A_72 : memref<51200x8xf32, #tpu.memory_space<vmem_shared>>)
          tpu.yield
        }) : () -> ()
      }
      %scan3A_26 = arith.constant 15 : i32
      %barrier3A_27 = arith.constant 0 : index
      tpu.barrier barrier_id(%barrier3A_27)
      %mul3A_28 = arith.constant 3200 : i32
      %mul3A_29 = arith.muli %arg1, %mul3A_28 : i32
      %mul3A_30 = arith.constant 51200 : i32
      %mul3A_31 = arith.muli %add3A_20, %mul3A_30 : i32
      %mul3A_32 = arith.constant 3200 : i32
      %mul3A_33 = arith.muli %arg1, %mul3A_32 : i32
      %add3A_34 = arith.addi %mul3A_31, %mul3A_33 : i32
      "tpu.region"() ({
        %run_scoped3A = tpu.sem_alloc : memref<!tpu.dma_semaphore, #tpu.memory_space<semaphore_mem>>
        %dma_start3A = arith.constant 0 : i32
        %dma_start3A_41 = tpu.memref_slice %arg8[%add3A_34, %dma_start3A] : memref<256000x8xf32, #tpu.memory_space<hbm>> -> memref<3200x8xf32, #tpu.memory_space<hbm>>
        %dma_start3A_42 = arith.constant 0 : i32
        %dma_start3A_43 = tpu.memref_slice %arg19[%mul3A_29, %dma_start3A_42] : memref<51200x8xf32, #tpu.memory_space<vmem_shared>> -> memref<3200x8xf32, #tpu.memory_space<vmem_shared>>
        tpu.enqueue_dma source(%dma_start3A_43 : memref<3200x8xf32, #tpu.memory_space<vmem_shared>>) target(%dma_start3A_41 : memref<3200x8xf32, #tpu.memory_space<hbm>>) target_semaphore(%run_scoped3A : memref<!tpu.dma_semaphore, #tpu.memory_space<semaphore_mem>>)
        %dma_wait3A = arith.constant 0 : i32
        %dma_wait3A_44 = tpu.memref_slice %arg8[%add3A_34, %dma_wait3A] : memref<256000x8xf32, #tpu.memory_space<hbm>> -> memref<3200x8xf32, #tpu.memory_space<hbm>>
        %dma_wait3A_45 = arith.constant 0 : i32
        %dma_wait3A_46 = tpu.memref_slice %arg19[%mul3A_29, %dma_wait3A_45] : memref<51200x8xf32, #tpu.memory_space<vmem_shared>> -> memref<3200x8xf32, #tpu.memory_space<vmem_shared>>
        tpu.wait_dma2 semaphore(%run_scoped3A : memref<!tpu.dma_semaphore, #tpu.memory_space<semaphore_mem>>) src(%dma_wait3A_46 : memref<3200x8xf32, #tpu.memory_space<vmem_shared>>) dst(%dma_wait3A_44 : memref<3200x8xf32, #tpu.memory_space<hbm>>)
        tpu.yield
      }) : () -> ()
      %barrier3A_35 = arith.constant 0 : index
      tpu.barrier barrier_id(%barrier3A_35)
      %scan3A_36 = arith.constant 0 : i32
      %scan3A_37 = arith.constant 15 : i32
      %scan3A_38 = arith.addi %scan3A_36, %scan3A_37 : i32
      %scan3A_39 = arith.constant 1 : i32
      scf.for %scan3A_41 = %scan3A_36 to %scan3A_38 step %scan3A_39  : i32 {
        %mul3A_42 = arith.constant 1 : i32
        %mul3A_43 = arith.muli %scan3A_41, %mul3A_42 : i32
        %add3A_44 = arith.constant 0 : i32
        %add3A_45 = arith.addi %add3A_44, %mul3A_43 : i32
        %mul3A_46 = arith.constant 122880 : i32
        %mul3A_47 = arith.muli %add3A_20, %mul3A_46 : i32
        %mul3A_48 = arith.constant 7680 : i32
        %mul3A_49 = arith.muli %arg1, %mul3A_48 : i32
        %add3A_50 = arith.addi %mul3A_47, %mul3A_49 : i32
        %mul3A_51 = arith.constant 512 : i32
        %mul3A_52 = arith.muli %add3A_45, %mul3A_51 : i32
        %add3A_53 = arith.addi %add3A_50, %mul3A_52 : i32
        "tpu.region"() ({
          %run_scoped3A_115 = tpu.sem_alloc : memref<!tpu.dma_semaphore, #tpu.memory_space<semaphore_mem>>
          %dma_start3A = tpu.memref_slice %arg3[%add3A_53] : memref<614400xi32, #tpu.memory_space<hbm>> -> memref<512xi32, #tpu.memory_space<hbm>>
          %dma_start3A_116 = tpu.memref_slice %arg3[%add3A_53] : memref<614400xi32, #tpu.memory_space<hbm>> -> memref<512xi32, #tpu.memory_space<hbm>>
          tpu.enqueue_dma source(%dma_start3A_116 : memref<512xi32, #tpu.memory_space<hbm>>) target(%arg12 : memref<512xi32, #tpu.memory_space<vmem>>) target_semaphore(%run_scoped3A_115 : memref<!tpu.dma_semaphore, #tpu.memory_space<semaphore_mem>>)
          %dma_start3A_117 = arith.constant 0 : i32
          %dma_start3A_118 = tpu.memref_slice %arg7[%add3A_53, %dma_start3A_117] : memref<614400x4xf32, #tpu.memory_space<hbm>> -> memref<512x4xf32, #tpu.memory_space<hbm>>
          %dma_start3A_119 = arith.constant 0 : i32
          %dma_start3A_120 = tpu.memref_slice %arg7[%add3A_53, %dma_start3A_119] : memref<614400x4xf32, #tpu.memory_space<hbm>> -> memref<512x4xf32, #tpu.memory_space<hbm>>
          tpu.enqueue_dma source(%dma_start3A_120 : memref<512x4xf32, #tpu.memory_space<hbm>>) target(%arg15 : memref<512x4xf32, #tpu.memory_space<vmem>>) target_semaphore(%run_scoped3A_115 : memref<!tpu.dma_semaphore, #tpu.memory_space<semaphore_mem>>)
          %dma_wait3A = tpu.memref_slice %arg3[%add3A_53] : memref<614400xi32, #tpu.memory_space<hbm>> -> memref<512xi32, #tpu.memory_space<hbm>>
          %dma_wait3A_121 = tpu.memref_slice %arg3[%add3A_53] : memref<614400xi32, #tpu.memory_space<hbm>> -> memref<512xi32, #tpu.memory_space<hbm>>
          tpu.wait_dma2 semaphore(%run_scoped3A_115 : memref<!tpu.dma_semaphore, #tpu.memory_space<semaphore_mem>>) src(%dma_wait3A_121 : memref<512xi32, #tpu.memory_space<hbm>>) dst(%arg12 : memref<512xi32, #tpu.memory_space<vmem>>)
          %dma_wait3A_122 = arith.constant 0 : i32
          %dma_wait3A_123 = tpu.memref_slice %arg7[%add3A_53, %dma_wait3A_122] : memref<614400x4xf32, #tpu.memory_space<hbm>> -> memref<512x4xf32, #tpu.memory_space<hbm>>
          %dma_wait3A_124 = arith.constant 0 : i32
          %dma_wait3A_125 = tpu.memref_slice %arg7[%add3A_53, %dma_wait3A_124] : memref<614400x4xf32, #tpu.memory_space<hbm>> -> memref<512x4xf32, #tpu.memory_space<hbm>>
          tpu.wait_dma2 semaphore(%run_scoped3A_115 : memref<!tpu.dma_semaphore, #tpu.memory_space<semaphore_mem>>) src(%dma_wait3A_125 : memref<512x4xf32, #tpu.memory_space<hbm>>) dst(%arg15 : memref<512x4xf32, #tpu.memory_space<vmem>>)
          tpu.yield
        }) : () -> ()
        %scan3A_54 = arith.constant 0 : i32
        %scan3A_55 = arith.constant 32 : i32
        %scan3A_56 = arith.addi %scan3A_54, %scan3A_55 : i32
        %scan3A_57 = arith.constant 1 : i32
        scf.for %scan3A_115 = %scan3A_54 to %scan3A_56 step %scan3A_57  : i32 {
          %mul3A_116 = arith.constant 16 : i32
          %mul3A_117 = arith.muli %scan3A_115, %mul3A_116 : i32
          %add3A_118 = arith.constant 0 : i32
          %add3A_119 = arith.addi %add3A_118, %mul3A_117 : i32
          %get3A = arith.index_cast %add3A_119 : i32 to index
          %get3A_120 = tpu.vector_load %arg12[%get3A] {strides = array<i32>} : memref<512xi32, #tpu.memory_space<vmem>>, vector<16xi32>,
          %mul3A_121 = arith.constant 51200 : i32
          %mul3A_122 = arith.muli %add3A_20, %mul3A_121 : i32
          %add3A_123 = vector.broadcast %mul3A_122 : i32 to vector<16xi32>
          %add3A_124 = arith.addi %get3A_120, %add3A_123 : vector<16xi32>
          %swap3A = arith.index_cast %add3A_119 : i32 to index
          %swap3A_125 = tpu.vector_load %arg13[%swap3A] {strides = array<i32>} : memref<512xi32, #tpu.memory_space<vmem>>, vector<16xi32>,
          tpu.vector_store %arg13[%swap3A], %add3A_124 {strides = array<i32>} : memref<512xi32, #tpu.memory_space<vmem>>, vector<16xi32>,
        }
        %scan3A_58 = arith.constant 32 : i32
        "tpu.region"() ({
          %run_scoped3A_115 = tpu.sem_alloc : memref<!tpu.dma_semaphore, #tpu.memory_space<semaphore_mem>>
          %dma_start3A = arith.constant 0 : i32
          %dma_start3A_116 = arith.constant 0 : i32
          %dma_start3A_117 = tpu.memref_slice %arg8[%dma_start3A, %dma_start3A_116] : memref<256000x8xf32, #tpu.memory_space<hbm>> -> memref<256000x8xf32, #tpu.memory_space<hbm>>
          tpu.enqueue_indirect_dma source(%dma_start3A_117 : memref<256000x8xf32, #tpu.memory_space<hbm>>) target(%arg17 : memref<512x8xf32, #tpu.memory_space<vmem>>) offsets(%arg13 : memref<512xi32, #tpu.memory_space<vmem>>) semaphore(%run_scoped3A_115 : memref<!tpu.dma_semaphore, #tpu.memory_space<semaphore_mem>>)
          %dma_wait3A = arith.constant 0 : i32
          %dma_wait3A_118 = arith.constant 0 : i32
          %dma_wait3A_119 = tpu.memref_slice %arg8[%dma_wait3A, %dma_wait3A_118] : memref<256000x8xf32, #tpu.memory_space<hbm>> -> memref<256000x8xf32, #tpu.memory_space<hbm>>
          tpu.wait_indirect_dma semaphore(%run_scoped3A_115 : memref<!tpu.dma_semaphore, #tpu.memory_space<semaphore_mem>>) src(%dma_wait3A_119 : memref<256000x8xf32, #tpu.memory_space<hbm>>) dst(%arg17 : memref<512x8xf32, #tpu.memory_space<vmem>>)
          tpu.yield
        }) : () -> ()
        %scan3A_59 = arith.constant 0 : i32
        %scan3A_60 = arith.constant 32 : i32
        %scan3A_61 = arith.addi %scan3A_59, %scan3A_60 : i32
        %scan3A_62 = arith.constant 1 : i32
        scf.for %scan3A_115 = %scan3A_59 to %scan3A_61 step %scan3A_62  : i32 {
          %mul3A_116 = arith.constant 16 : i32
          %mul3A_117 = arith.muli %scan3A_115, %mul3A_116 : i32
          %add3A_118 = arith.constant 0 : i32
          %add3A_119 = arith.addi %add3A_118, %mul3A_117 : i32
          %add3A_120 = vector.broadcast %add3A_119 : i32 to vector<16xi32>
          %add3A_121 = arith.addi %iota3A, %add3A_120 : vector<16xi32>
          %broadcast_in_dim3A = arith.constant 0 : i32
          %broadcast_in_dim3A_122 = vector.broadcast %broadcast_in_dim3A : i32 to vector<16xi32>
          %gather3A = tpu.vector_load_idx %arg15[%add3A_121, %broadcast_in_dim3A_122] : memref<512x4xf32, #tpu.memory_space<vmem>>[vector<16xi32>, vector<16xi32>], vector<16xf32>,
          %gather3A_123 = tpu.vector_load_idx %arg17[%add3A_121, %broadcast_in_dim3A_122] : memref<512x8xf32, #tpu.memory_space<vmem>>[vector<16xi32>, vector<16xi32>], vector<16xf32>,
          %add3A_124 = arith.constant 1.000000e-16 : f32
          %add3A_125 = vector.broadcast %add3A_124 : f32 to vector<16xf32>
          %add3A_126 = arith.addf %gather3A_123, %add3A_125 : vector<16xf32>
          %div3A_127 = arith.divf %gather3A, %add3A_126 : vector<16xf32>
          %swap3A = arith.constant 0 : i32
          %swap3A_128 = arith.index_cast %swap3A : i32 to index
          %swap3A_129 = arith.index_cast %add3A_119 : i32 to index
          %swap3A_130 = tpu.vector_load %arg18[%swap3A_128, %swap3A_129] {strides = array<i32>} : memref<4x512xf32, #tpu.memory_space<vmem>>, vector<16xf32>,
          tpu.vector_store %arg18[%swap3A_128, %swap3A_129], %div3A_127 {strides = array<i32>} : memref<4x512xf32, #tpu.memory_space<vmem>>, vector<16xf32>,
          %broadcast_in_dim3A_131 = arith.constant 1 : i32
          %broadcast_in_dim3A_132 = vector.broadcast %broadcast_in_dim3A_131 : i32 to vector<16xi32>
          %gather3A_133 = tpu.vector_load_idx %arg15[%add3A_121, %broadcast_in_dim3A_132] : memref<512x4xf32, #tpu.memory_space<vmem>>[vector<16xi32>, vector<16xi32>], vector<16xf32>,
          %gather3A_134 = tpu.vector_load_idx %arg17[%add3A_121, %broadcast_in_dim3A_132] : memref<512x8xf32, #tpu.memory_space<vmem>>[vector<16xi32>, vector<16xi32>], vector<16xf32>,
          %add3A_135 = arith.constant 1.000000e-16 : f32
          %add3A_136 = vector.broadcast %add3A_135 : f32 to vector<16xf32>
          %add3A_137 = arith.addf %gather3A_134, %add3A_136 : vector<16xf32>
          %div3A_138 = arith.divf %gather3A_133, %add3A_137 : vector<16xf32>
          %swap3A_139 = arith.constant 1 : i32
          %swap3A_140 = arith.index_cast %swap3A_139 : i32 to index
          %swap3A_141 = arith.index_cast %add3A_119 : i32 to index
          %swap3A_142 = tpu.vector_load %arg18[%swap3A_140, %swap3A_141] {strides = array<i32>} : memref<4x512xf32, #tpu.memory_space<vmem>>, vector<16xf32>,
          tpu.vector_store %arg18[%swap3A_140, %swap3A_141], %div3A_138 {strides = array<i32>} : memref<4x512xf32, #tpu.memory_space<vmem>>, vector<16xf32>,
          %broadcast_in_dim3A_143 = arith.constant 2 : i32
          %broadcast_in_dim3A_144 = vector.broadcast %broadcast_in_dim3A_143 : i32 to vector<16xi32>
          %gather3A_145 = tpu.vector_load_idx %arg15[%add3A_121, %broadcast_in_dim3A_144] : memref<512x4xf32, #tpu.memory_space<vmem>>[vector<16xi32>, vector<16xi32>], vector<16xf32>,
          %gather3A_146 = tpu.vector_load_idx %arg17[%add3A_121, %broadcast_in_dim3A_144] : memref<512x8xf32, #tpu.memory_space<vmem>>[vector<16xi32>, vector<16xi32>], vector<16xf32>,
          %add3A_147 = arith.constant 1.000000e-16 : f32
          %add3A_148 = vector.broadcast %add3A_147 : f32 to vector<16xf32>
          %add3A_149 = arith.addf %gather3A_146, %add3A_148 : vector<16xf32>
          %div3A_150 = arith.divf %gather3A_145, %add3A_149 : vector<16xf32>
          %swap3A_151 = arith.constant 2 : i32
          %swap3A_152 = arith.index_cast %swap3A_151 : i32 to index
          %swap3A_153 = arith.index_cast %add3A_119 : i32 to index
          %swap3A_154 = tpu.vector_load %arg18[%swap3A_152, %swap3A_153] {strides = array<i32>} : memref<4x512xf32, #tpu.memory_space<vmem>>, vector<16xf32>,
          tpu.vector_store %arg18[%swap3A_152, %swap3A_153], %div3A_150 {strides = array<i32>} : memref<4x512xf32, #tpu.memory_space<vmem>>, vector<16xf32>,
          %broadcast_in_dim3A_155 = arith.constant 3 : i32
          %broadcast_in_dim3A_156 = vector.broadcast %broadcast_in_dim3A_155 : i32 to vector<16xi32>
          %gather3A_157 = tpu.vector_load_idx %arg15[%add3A_121, %broadcast_in_dim3A_156] : memref<512x4xf32, #tpu.memory_space<vmem>>[vector<16xi32>, vector<16xi32>], vector<16xf32>,
          %gather3A_158 = tpu.vector_load_idx %arg17[%add3A_121, %broadcast_in_dim3A_156] : memref<512x8xf32, #tpu.memory_space<vmem>>[vector<16xi32>, vector<16xi32>], vector<16xf32>,
          %add3A_159 = arith.constant 1.000000e-16 : f32
          %add3A_160 = vector.broadcast %add3A_159 : f32 to vector<16xf32>
          %add3A_161 = arith.addf %gather3A_158, %add3A_160 : vector<16xf32>
          %div3A_162 = arith.divf %gather3A_157, %add3A_161 : vector<16xf32>
          %swap3A_163 = arith.constant 3 : i32
          %swap3A_164 = arith.index_cast %swap3A_163 : i32 to index
          %swap3A_165 = arith.index_cast %add3A_119 : i32 to index
          %swap3A_166 = tpu.vector_load %arg18[%swap3A_164, %swap3A_165] {strides = array<i32>} : memref<4x512xf32, #tpu.memory_space<vmem>>, vector<16xf32>,
          tpu.vector_store %arg18[%swap3A_164, %swap3A_165], %div3A_162 {strides = array<i32>} : memref<4x512xf32, #tpu.memory_space<vmem>>, vector<16xf32>,
        }
        %scan3A_63 = arith.constant 32 : i32
        %mul3A_64 = arith.constant 4 : i32
        %mul3A_65 = arith.muli %add3A_20, %mul3A_64 : i32
        %add3A_66 = arith.constant 0 : i32
        %add3A_67 = arith.addi %mul3A_65, %add3A_66 : i32
        %mul3A_68 = arith.constant 122880 : i32
        %mul3A_69 = arith.muli %add3A_67, %mul3A_68 : i32
        %mul3A_70 = arith.constant 7680 : i32
        %mul3A_71 = arith.muli %arg1, %mul3A_70 : i32
        %add3A_72 = arith.addi %mul3A_69, %mul3A_71 : i32
        %mul3A_73 = arith.constant 512 : i32
        %mul3A_74 = arith.muli %add3A_45, %mul3A_73 : i32
        %add3A_75 = arith.addi %add3A_72, %mul3A_74 : i32
        %run_scoped3A = arith.constant 0 : i32
        "tpu.region"() ({
          %run_scoped3A_115 = tpu.sem_alloc : memref<!tpu.dma_semaphore, #tpu.memory_space<semaphore_mem>>
          %dma_start3A = arith.constant 0 : i32
          %dma_start3A_116 = tpu.memref_slice %arg18[%run_scoped3A, %dma_start3A] : memref<4x512xf32, #tpu.memory_space<vmem>> -> memref<1x512xf32, #tpu.memory_space<vmem>>
          %dma_start3A_117 = tpu.memref_squeeze %dma_start3A_116 : memref<1x512xf32, #tpu.memory_space<vmem>> -> memref<512xf32, #tpu.memory_space<vmem>>
          %dma_start3A_118 = tpu.memref_slice %arg9[%add3A_75] : memref<2457600xf32, #tpu.memory_space<hbm>> -> memref<512xf32, #tpu.memory_space<hbm>>
          %dma_start3A_119 = tpu.memref_slice %arg9[%add3A_75] : memref<2457600xf32, #tpu.memory_space<hbm>> -> memref<512xf32, #tpu.memory_space<hbm>>
          %dma_start3A_120 = arith.constant 0 : i32
          %dma_start3A_121 = tpu.memref_slice %arg18[%run_scoped3A, %dma_start3A_120] : memref<4x512xf32, #tpu.memory_space<vmem>> -> memref<1x512xf32, #tpu.memory_space<vmem>>
          %dma_start3A_122 = tpu.memref_squeeze %dma_start3A_121 : memref<1x512xf32, #tpu.memory_space<vmem>> -> memref<512xf32, #tpu.memory_space<vmem>>
          tpu.enqueue_dma source(%dma_start3A_122 : memref<512xf32, #tpu.memory_space<vmem>>) target(%dma_start3A_119 : memref<512xf32, #tpu.memory_space<hbm>>) target_semaphore(%run_scoped3A_115 : memref<!tpu.dma_semaphore, #tpu.memory_space<semaphore_mem>>)
          %dma_wait3A = arith.constant 0 : i32
          %dma_wait3A_123 = tpu.memref_slice %arg18[%run_scoped3A, %dma_wait3A] : memref<4x512xf32, #tpu.memory_space<vmem>> -> memref<1x512xf32, #tpu.memory_space<vmem>>
          %dma_wait3A_124 = tpu.memref_squeeze %dma_wait3A_123 : memref<1x512xf32, #tpu.memory_space<vmem>> -> memref<512xf32, #tpu.memory_space<vmem>>
          %dma_wait3A_125 = tpu.memref_slice %arg9[%add3A_75] : memref<2457600xf32, #tpu.memory_space<hbm>> -> memref<512xf32, #tpu.memory_space<hbm>>
          %dma_wait3A_126 = tpu.memref_slice %arg9[%add3A_75] : memref<2457600xf32, #tpu.memory_space<hbm>> -> memref<512xf32, #tpu.memory_space<hbm>>
          %dma_wait3A_127 = arith.constant 0 : i32
          %dma_wait3A_128 = tpu.memref_slice %arg18[%run_scoped3A, %dma_wait3A_127] : memref<4x512xf32, #tpu.memory_space<vmem>> -> memref<1x512xf32, #tpu.memory_space<vmem>>
          %dma_wait3A_129 = tpu.memref_squeeze %dma_wait3A_128 : memref<1x512xf32, #tpu.memory_space<vmem>> -> memref<512xf32, #tpu.memory_space<vmem>>
          tpu.wait_dma2 semaphore(%run_scoped3A_115 : memref<!tpu.dma_semaphore, #tpu.memory_space<semaphore_mem>>) src(%dma_wait3A_129 : memref<512xf32, #tpu.memory_space<vmem>>) dst(%dma_wait3A_126 : memref<512xf32, #tpu.memory_space<hbm>>)
          tpu.yield
        }) : () -> ()
        %mul3A_76 = arith.constant 4 : i32
        %mul3A_77 = arith.muli %add3A_20, %mul3A_76 : i32
        %add3A_78 = arith.constant 1 : i32
        %add3A_79 = arith.addi %mul3A_77, %add3A_78 : i32
        %mul3A_80 = arith.constant 122880 : i32
        %mul3A_81 = arith.muli %add3A_79, %mul3A_80 : i32
        %mul3A_82 = arith.constant 7680 : i32
        %mul3A_83 = arith.muli %arg1, %mul3A_82 : i32
        %add3A_84 = arith.addi %mul3A_81, %mul3A_83 : i32
        %mul3A_85 = arith.constant 512 : i32
        %mul3A_86 = arith.muli %add3A_45, %mul3A_85 : i32
        %add3A_87 = arith.addi %add3A_84, %mul3A_86 : i32
        %run_scoped3A_88 = arith.constant 1 : i32
        "tpu.region"() ({
          %run_scoped3A_115 = tpu.sem_alloc : memref<!tpu.dma_semaphore, #tpu.memory_space<semaphore_mem>>
          %dma_start3A = arith.constant 0 : i32
          %dma_start3A_116 = tpu.memref_slice %arg18[%run_scoped3A_88, %dma_start3A] : memref<4x512xf32, #tpu.memory_space<vmem>> -> memref<1x512xf32, #tpu.memory_space<vmem>>
          %dma_start3A_117 = tpu.memref_squeeze %dma_start3A_116 : memref<1x512xf32, #tpu.memory_space<vmem>> -> memref<512xf32, #tpu.memory_space<vmem>>
          %dma_start3A_118 = tpu.memref_slice %arg9[%add3A_87] : memref<2457600xf32, #tpu.memory_space<hbm>> -> memref<512xf32, #tpu.memory_space<hbm>>
          %dma_start3A_119 = tpu.memref_slice %arg9[%add3A_87] : memref<2457600xf32, #tpu.memory_space<hbm>> -> memref<512xf32, #tpu.memory_space<hbm>>
          %dma_start3A_120 = arith.constant 0 : i32
          %dma_start3A_121 = tpu.memref_slice %arg18[%run_scoped3A_88, %dma_start3A_120] : memref<4x512xf32, #tpu.memory_space<vmem>> -> memref<1x512xf32, #tpu.memory_space<vmem>>
          %dma_start3A_122 = tpu.memref_squeeze %dma_start3A_121 : memref<1x512xf32, #tpu.memory_space<vmem>> -> memref<512xf32, #tpu.memory_space<vmem>>
          tpu.enqueue_dma source(%dma_start3A_122 : memref<512xf32, #tpu.memory_space<vmem>>) target(%dma_start3A_119 : memref<512xf32, #tpu.memory_space<hbm>>) target_semaphore(%run_scoped3A_115 : memref<!tpu.dma_semaphore, #tpu.memory_space<semaphore_mem>>)
          %dma_wait3A = arith.constant 0 : i32
          %dma_wait3A_123 = tpu.memref_slice %arg18[%run_scoped3A_88, %dma_wait3A] : memref<4x512xf32, #tpu.memory_space<vmem>> -> memref<1x512xf32, #tpu.memory_space<vmem>>
          %dma_wait3A_124 = tpu.memref_squeeze %dma_wait3A_123 : memref<1x512xf32, #tpu.memory_space<vmem>> -> memref<512xf32, #tpu.memory_space<vmem>>
          %dma_wait3A_125 = tpu.memref_slice %arg9[%add3A_87] : memref<2457600xf32, #tpu.memory_space<hbm>> -> memref<512xf32, #tpu.memory_space<hbm>>
          %dma_wait3A_126 = tpu.memref_slice %arg9[%add3A_87] : memref<2457600xf32, #tpu.memory_space<hbm>> -> memref<512xf32, #tpu.memory_space<hbm>>
          %dma_wait3A_127 = arith.constant 0 : i32
          %dma_wait3A_128 = tpu.memref_slice %arg18[%run_scoped3A_88, %dma_wait3A_127] : memref<4x512xf32, #tpu.memory_space<vmem>> -> memref<1x512xf32, #tpu.memory_space<vmem>>
          %dma_wait3A_129 = tpu.memref_squeeze %dma_wait3A_128 : memref<1x512xf32, #tpu.memory_space<vmem>> -> memref<512xf32, #tpu.memory_space<vmem>>
          tpu.wait_dma2 semaphore(%run_scoped3A_115 : memref<!tpu.dma_semaphore, #tpu.memory_space<semaphore_mem>>) src(%dma_wait3A_129 : memref<512xf32, #tpu.memory_space<vmem>>) dst(%dma_wait3A_126 : memref<512xf32, #tpu.memory_space<hbm>>)
          tpu.yield
        }) : () -> ()
        %mul3A_89 = arith.constant 4 : i32
        %mul3A_90 = arith.muli %add3A_20, %mul3A_89 : i32
        %add3A_91 = arith.constant 2 : i32
        %add3A_92 = arith.addi %mul3A_90, %add3A_91 : i32
        %mul3A_93 = arith.constant 122880 : i32
        %mul3A_94 = arith.muli %add3A_92, %mul3A_93 : i32
        %mul3A_95 = arith.constant 7680 : i32
        %mul3A_96 = arith.muli %arg1, %mul3A_95 : i32
        %add3A_97 = arith.addi %mul3A_94, %mul3A_96 : i32
        %mul3A_98 = arith.constant 512 : i32
        %mul3A_99 = arith.muli %add3A_45, %mul3A_98 : i32
        %add3A_100 = arith.addi %add3A_97, %mul3A_99 : i32
        %run_scoped3A_101 = arith.constant 2 : i32
        "tpu.region"() ({
          %run_scoped3A_115 = tpu.sem_alloc : memref<!tpu.dma_semaphore, #tpu.memory_space<semaphore_mem>>
          %dma_start3A = arith.constant 0 : i32
          %dma_start3A_116 = tpu.memref_slice %arg18[%run_scoped3A_101, %dma_start3A] : memref<4x512xf32, #tpu.memory_space<vmem>> -> memref<1x512xf32, #tpu.memory_space<vmem>>
          %dma_start3A_117 = tpu.memref_squeeze %dma_start3A_116 : memref<1x512xf32, #tpu.memory_space<vmem>> -> memref<512xf32, #tpu.memory_space<vmem>>
          %dma_start3A_118 = tpu.memref_slice %arg9[%add3A_100] : memref<2457600xf32, #tpu.memory_space<hbm>> -> memref<512xf32, #tpu.memory_space<hbm>>
          %dma_start3A_119 = tpu.memref_slice %arg9[%add3A_100] : memref<2457600xf32, #tpu.memory_space<hbm>> -> memref<512xf32, #tpu.memory_space<hbm>>
          %dma_start3A_120 = arith.constant 0 : i32
          %dma_start3A_121 = tpu.memref_slice %arg18[%run_scoped3A_101, %dma_start3A_120] : memref<4x512xf32, #tpu.memory_space<vmem>> -> memref<1x512xf32, #tpu.memory_space<vmem>>
          %dma_start3A_122 = tpu.memref_squeeze %dma_start3A_121 : memref<1x512xf32, #tpu.memory_space<vmem>> -> memref<512xf32, #tpu.memory_space<vmem>>
          tpu.enqueue_dma source(%dma_start3A_122 : memref<512xf32, #tpu.memory_space<vmem>>) target(%dma_start3A_119 : memref<512xf32, #tpu.memory_space<hbm>>) target_semaphore(%run_scoped3A_115 : memref<!tpu.dma_semaphore, #tpu.memory_space<semaphore_mem>>)
          %dma_wait3A = arith.constant 0 : i32
          %dma_wait3A_123 = tpu.memref_slice %arg18[%run_scoped3A_101, %dma_wait3A] : memref<4x512xf32, #tpu.memory_space<vmem>> -> memref<1x512xf32, #tpu.memory_space<vmem>>
          %dma_wait3A_124 = tpu.memref_squeeze %dma_wait3A_123 : memref<1x512xf32, #tpu.memory_space<vmem>> -> memref<512xf32, #tpu.memory_space<vmem>>
          %dma_wait3A_125 = tpu.memref_slice %arg9[%add3A_100] : memref<2457600xf32, #tpu.memory_space<hbm>> -> memref<512xf32, #tpu.memory_space<hbm>>
          %dma_wait3A_126 = tpu.memref_slice %arg9[%add3A_100] : memref<2457600xf32, #tpu.memory_space<hbm>> -> memref<512xf32, #tpu.memory_space<hbm>>
          %dma_wait3A_127 = arith.constant 0 : i32
          %dma_wait3A_128 = tpu.memref_slice %arg18[%run_scoped3A_101, %dma_wait3A_127] : memref<4x512xf32, #tpu.memory_space<vmem>> -> memref<1x512xf32, #tpu.memory_space<vmem>>
          %dma_wait3A_129 = tpu.memref_squeeze %dma_wait3A_128 : memref<1x512xf32, #tpu.memory_space<vmem>> -> memref<512xf32, #tpu.memory_space<vmem>>
          tpu.wait_dma2 semaphore(%run_scoped3A_115 : memref<!tpu.dma_semaphore, #tpu.memory_space<semaphore_mem>>) src(%dma_wait3A_129 : memref<512xf32, #tpu.memory_space<vmem>>) dst(%dma_wait3A_126 : memref<512xf32, #tpu.memory_space<hbm>>)
          tpu.yield
        }) : () -> ()
        %mul3A_102 = arith.constant 4 : i32
        %mul3A_103 = arith.muli %add3A_20, %mul3A_102 : i32
        %add3A_104 = arith.constant 3 : i32
        %add3A_105 = arith.addi %mul3A_103, %add3A_104 : i32
        %mul3A_106 = arith.constant 122880 : i32
        %mul3A_107 = arith.muli %add3A_105, %mul3A_106 : i32
        %mul3A_108 = arith.constant 7680 : i32
        %mul3A_109 = arith.muli %arg1, %mul3A_108 : i32
        %add3A_110 = arith.addi %mul3A_107, %mul3A_109 : i32
        %mul3A_111 = arith.constant 512 : i32
        %mul3A_112 = arith.muli %add3A_45, %mul3A_111 : i32
        %add3A_113 = arith.addi %add3A_110, %mul3A_112 : i32
        %run_scoped3A_114 = arith.constant 3 : i32
        "tpu.region"() ({
          %run_scoped3A_115 = tpu.sem_alloc : memref<!tpu.dma_semaphore, #tpu.memory_space<semaphore_mem>>
          %dma_start3A = arith.constant 0 : i32
          %dma_start3A_116 = tpu.memref_slice %arg18[%run_scoped3A_114, %dma_start3A] : memref<4x512xf32, #tpu.memory_space<vmem>> -> memref<1x512xf32, #tpu.memory_space<vmem>>
          %dma_start3A_117 = tpu.memref_squeeze %dma_start3A_116 : memref<1x512xf32, #tpu.memory_space<vmem>> -> memref<512xf32, #tpu.memory_space<vmem>>
          %dma_start3A_118 = tpu.memref_slice %arg9[%add3A_113] : memref<2457600xf32, #tpu.memory_space<hbm>> -> memref<512xf32, #tpu.memory_space<hbm>>
          %dma_start3A_119 = tpu.memref_slice %arg9[%add3A_113] : memref<2457600xf32, #tpu.memory_space<hbm>> -> memref<512xf32, #tpu.memory_space<hbm>>
          %dma_start3A_120 = arith.constant 0 : i32
          %dma_start3A_121 = tpu.memref_slice %arg18[%run_scoped3A_114, %dma_start3A_120] : memref<4x512xf32, #tpu.memory_space<vmem>> -> memref<1x512xf32, #tpu.memory_space<vmem>>
          %dma_start3A_122 = tpu.memref_squeeze %dma_start3A_121 : memref<1x512xf32, #tpu.memory_space<vmem>> -> memref<512xf32, #tpu.memory_space<vmem>>
          tpu.enqueue_dma source(%dma_start3A_122 : memref<512xf32, #tpu.memory_space<vmem>>) target(%dma_start3A_119 : memref<512xf32, #tpu.memory_space<hbm>>) target_semaphore(%run_scoped3A_115 : memref<!tpu.dma_semaphore, #tpu.memory_space<semaphore_mem>>)
          %dma_wait3A = arith.constant 0 : i32
          %dma_wait3A_123 = tpu.memref_slice %arg18[%run_scoped3A_114, %dma_wait3A] : memref<4x512xf32, #tpu.memory_space<vmem>> -> memref<1x512xf32, #tpu.memory_space<vmem>>
          %dma_wait3A_124 = tpu.memref_squeeze %dma_wait3A_123 : memref<1x512xf32, #tpu.memory_space<vmem>> -> memref<512xf32, #tpu.memory_space<vmem>>
          %dma_wait3A_125 = tpu.memref_slice %arg9[%add3A_113] : memref<2457600xf32, #tpu.memory_space<hbm>> -> memref<512xf32, #tpu.memory_space<hbm>>
          %dma_wait3A_126 = tpu.memref_slice %arg9[%add3A_113] : memref<2457600xf32, #tpu.memory_space<hbm>> -> memref<512xf32, #tpu.memory_space<hbm>>
          %dma_wait3A_127 = arith.constant 0 : i32
          %dma_wait3A_128 = tpu.memref_slice %arg18[%run_scoped3A_114, %dma_wait3A_127] : memref<4x512xf32, #tpu.memory_space<vmem>> -> memref<1x512xf32, #tpu.memory_space<vmem>>
          %dma_wait3A_129 = tpu.memref_squeeze %dma_wait3A_128 : memref<1x512xf32, #tpu.memory_space<vmem>> -> memref<512xf32, #tpu.memory_space<vmem>>
          tpu.wait_dma2 semaphore(%run_scoped3A_115 : memref<!tpu.dma_semaphore, #tpu.memory_space<semaphore_mem>>) src(%dma_wait3A_129 : memref<512xf32, #tpu.memory_space<vmem>>) dst(%dma_wait3A_126 : memref<512xf32, #tpu.memory_space<hbm>>)
          tpu.yield
        }) : () -> ()
      }
      %scan3A_40 = arith.constant 15 : i32
    }
    return
  }
}

module attributes {stable_mosaic.version = 14 : i64} {
  func.func @body(%arg0: i32, %arg1: memref<2000x128xf32, #tpu.memory_space<vmem>>, %arg2: memref<5x128x128xf32, #tpu.memory_space<vmem>>, %arg3: memref<5x128x16xf32, #tpu.memory_space<vmem>>, %arg4: memref<2000x80xf32, #tpu.memory_space<vmem>>) attributes {dimension_semantics = [#tpu.dimension_semantics<arbitrary>], iteration_bounds = array<i64: 25>, scalar_prefetch = 0 : i64, scratch_operands = 0 : i64, tpu.core_type = #tpu.core_type<tc>, window_params = [{transform_indices = @transform_0, window_bounds = array<i64: 2000, 128>}, {pipeline_mode = #tpu.pipeline_mode<synchronous>, transform_indices = @transform_1, window_bounds = array<i64: 5, 128, 128>}, {pipeline_mode = #tpu.pipeline_mode<synchronous>, transform_indices = @transform_2, window_bounds = array<i64: 5, 128, 16>}, {transform_indices = @transform_3, window_bounds = array<i64: 2000, 80>}]} {
    %get3A = arith.constant 0 : index
    %get3A_0 = arith.constant 0 : index
    %get3A_1 = arith.constant 0 : index
    %get3A_2 = vector.load %arg2[%get3A, %get3A_0, %get3A_1] : memref<5x128x128xf32, #tpu.memory_space<vmem>>, vector<1x128x128xf32>
    %get3A_3 = vector.shape_cast %get3A_2 : vector<1x128x128xf32> to vector<128x128xf32>
    %get3A_4 = arith.constant 0 : index
    %get3A_5 = arith.constant 0 : index
    %get3A_6 = arith.constant 0 : index
    %get3A_7 = vector.load %arg3[%get3A_4, %get3A_5, %get3A_6] : memref<5x128x16xf32, #tpu.memory_space<vmem>>, vector<1x128x16xf32>
    %get3A_8 = vector.shape_cast %get3A_7 : vector<1x128x16xf32> to vector<128x16xf32>
    %dot_general3A = arith.constant dense<0.000000e+00> : vector<128x16xf32>
    %dot_general3A_9 = tpu.matmul %get3A_3, %get3A_8, %dot_general3A {dimension_numbers = #tpu.dot_dimension_numbers<[1], [0], [0], [1], [0, 0, 1, 1], [], []>, transpose_lhs_hint = false} : vector<128x128xf32>, vector<128x16xf32>, vector<128x16xf32> -> vector<128x16xf32>
    %get3A_10 = arith.constant 1 : index
    %get3A_11 = arith.constant 0 : index
    %get3A_12 = arith.constant 0 : index
    %get3A_13 = vector.load %arg2[%get3A_10, %get3A_11, %get3A_12] : memref<5x128x128xf32, #tpu.memory_space<vmem>>, vector<1x128x128xf32>
    %get3A_14 = vector.shape_cast %get3A_13 : vector<1x128x128xf32> to vector<128x128xf32>
    %get3A_15 = arith.constant 1 : index
    %get3A_16 = arith.constant 0 : index
    %get3A_17 = arith.constant 0 : index
    %get3A_18 = vector.load %arg3[%get3A_15, %get3A_16, %get3A_17] : memref<5x128x16xf32, #tpu.memory_space<vmem>>, vector<1x128x16xf32>
    %get3A_19 = vector.shape_cast %get3A_18 : vector<1x128x16xf32> to vector<128x16xf32>
    %dot_general3A_20 = arith.constant dense<0.000000e+00> : vector<128x16xf32>
    %dot_general3A_21 = tpu.matmul %get3A_14, %get3A_19, %dot_general3A_20 {dimension_numbers = #tpu.dot_dimension_numbers<[1], [0], [0], [1], [0, 0, 1, 1], [], []>, transpose_lhs_hint = false} : vector<128x128xf32>, vector<128x16xf32>, vector<128x16xf32> -> vector<128x16xf32>
    %get3A_22 = arith.constant 2 : index
    %get3A_23 = arith.constant 0 : index
    %get3A_24 = arith.constant 0 : index
    %get3A_25 = vector.load %arg2[%get3A_22, %get3A_23, %get3A_24] : memref<5x128x128xf32, #tpu.memory_space<vmem>>, vector<1x128x128xf32>
    %get3A_26 = vector.shape_cast %get3A_25 : vector<1x128x128xf32> to vector<128x128xf32>
    %get3A_27 = arith.constant 2 : index
    %get3A_28 = arith.constant 0 : index
    %get3A_29 = arith.constant 0 : index
    %get3A_30 = vector.load %arg3[%get3A_27, %get3A_28, %get3A_29] : memref<5x128x16xf32, #tpu.memory_space<vmem>>, vector<1x128x16xf32>
    %get3A_31 = vector.shape_cast %get3A_30 : vector<1x128x16xf32> to vector<128x16xf32>
    %dot_general3A_32 = arith.constant dense<0.000000e+00> : vector<128x16xf32>
    %dot_general3A_33 = tpu.matmul %get3A_26, %get3A_31, %dot_general3A_32 {dimension_numbers = #tpu.dot_dimension_numbers<[1], [0], [0], [1], [0, 0, 1, 1], [], []>, transpose_lhs_hint = false} : vector<128x128xf32>, vector<128x16xf32>, vector<128x16xf32> -> vector<128x16xf32>
    %get3A_34 = arith.constant 3 : index
    %get3A_35 = arith.constant 0 : index
    %get3A_36 = arith.constant 0 : index
    %get3A_37 = vector.load %arg2[%get3A_34, %get3A_35, %get3A_36] : memref<5x128x128xf32, #tpu.memory_space<vmem>>, vector<1x128x128xf32>
    %get3A_38 = vector.shape_cast %get3A_37 : vector<1x128x128xf32> to vector<128x128xf32>
    %get3A_39 = arith.constant 3 : index
    %get3A_40 = arith.constant 0 : index
    %get3A_41 = arith.constant 0 : index
    %get3A_42 = vector.load %arg3[%get3A_39, %get3A_40, %get3A_41] : memref<5x128x16xf32, #tpu.memory_space<vmem>>, vector<1x128x16xf32>
    %get3A_43 = vector.shape_cast %get3A_42 : vector<1x128x16xf32> to vector<128x16xf32>
    %dot_general3A_44 = arith.constant dense<0.000000e+00> : vector<128x16xf32>
    %dot_general3A_45 = tpu.matmul %get3A_38, %get3A_43, %dot_general3A_44 {dimension_numbers = #tpu.dot_dimension_numbers<[1], [0], [0], [1], [0, 0, 1, 1], [], []>, transpose_lhs_hint = false} : vector<128x128xf32>, vector<128x16xf32>, vector<128x16xf32> -> vector<128x16xf32>
    %get3A_46 = arith.constant 4 : index
    %get3A_47 = arith.constant 0 : index
    %get3A_48 = arith.constant 0 : index
    %get3A_49 = vector.load %arg2[%get3A_46, %get3A_47, %get3A_48] : memref<5x128x128xf32, #tpu.memory_space<vmem>>, vector<1x128x128xf32>
    %get3A_50 = vector.shape_cast %get3A_49 : vector<1x128x128xf32> to vector<128x128xf32>
    %get3A_51 = arith.constant 4 : index
    %get3A_52 = arith.constant 0 : index
    %get3A_53 = arith.constant 0 : index
    %get3A_54 = vector.load %arg3[%get3A_51, %get3A_52, %get3A_53] : memref<5x128x16xf32, #tpu.memory_space<vmem>>, vector<1x128x16xf32>
    %get3A_55 = vector.shape_cast %get3A_54 : vector<1x128x16xf32> to vector<128x16xf32>
    %dot_general3A_56 = arith.constant dense<0.000000e+00> : vector<128x16xf32>
    %dot_general3A_57 = tpu.matmul %get3A_50, %get3A_55, %dot_general3A_56 {dimension_numbers = #tpu.dot_dimension_numbers<[1], [0], [0], [1], [0, 0, 1, 1], [], []>, transpose_lhs_hint = false} : vector<128x128xf32>, vector<128x16xf32>, vector<128x16xf32> -> vector<128x16xf32>
    %concatenate3A = tpu.concatenate %dot_general3A_9, %dot_general3A_21, %dot_general3A_33, %dot_general3A_45, %dot_general3A_57 in 1 : vector<128x16xf32>, vector<128x16xf32>, vector<128x16xf32>, vector<128x16xf32>, vector<128x16xf32> -> vector<128x80xf32>
    %get3A_58 = arith.constant 0 : index
    %get3A_59 = arith.constant 0 : index
    %get3A_60 = vector.load %arg1[%get3A_58, %get3A_59] : memref<2000x128xf32, #tpu.memory_space<vmem>>, vector<2000x128xf32>
    %dot_general3A_61 = arith.constant dense<0.000000e+00> : vector<2000x80xf32>
    %dot_general3A_62 = tpu.matmul %get3A_60, %concatenate3A, %dot_general3A_61 {dimension_numbers = #tpu.dot_dimension_numbers<[1], [0], [0], [1], [0, 0, 1, 1], [], []>, transpose_lhs_hint = false} : vector<2000x128xf32>, vector<128x80xf32>, vector<2000x80xf32> -> vector<2000x80xf32>
    %swap3A = arith.constant 0 : index
    %swap3A_63 = arith.constant 0 : index
    %swap3A_64 = vector.load %arg4[%swap3A, %swap3A_63] : memref<2000x80xf32, #tpu.memory_space<vmem>>, vector<2000x80xf32>
    tpu.vector_store %arg4[%swap3A, %swap3A_63], %dot_general3A_62 {strides = array<i32>} : memref<2000x80xf32, #tpu.memory_space<vmem>>, vector<2000x80xf32>,
    return
  }
  func.func @transform_0(%arg0: i32) -> (i32, i32) {
    %c0_i32 = arith.constant 0 : i32
    %c0_i32_0 = arith.constant 0 : i32
    return %arg0, %c0_i32 : i32, i32
  }
  func.func @transform_1(%arg0: i32) -> (i32, i32, i32) {
    %c0_i32 = arith.constant 0 : i32
    %c0_i32_0 = arith.constant 0 : i32
    %c0_i32_1 = arith.constant 0 : i32
    %c0_i32_2 = arith.constant 0 : i32
    return %c0_i32, %c0_i32_0, %c0_i32_1 : i32, i32, i32
  }
  func.func @transform_2(%arg0: i32) -> (i32, i32, i32) {
    %c0_i32 = arith.constant 0 : i32
    %c0_i32_0 = arith.constant 0 : i32
    %c0_i32_1 = arith.constant 0 : i32
    %c0_i32_2 = arith.constant 0 : i32
    return %c0_i32, %c0_i32_0, %c0_i32_1 : i32, i32, i32
  }
  func.func @transform_3(%arg0: i32) -> (i32, i32) {
    %c0_i32 = arith.constant 0 : i32
    %c0_i32_0 = arith.constant 0 : i32
    return %arg0, %c0_i32 : i32, i32
  }
}

module attributes {stable_mosaic.version = 14 : i64} {
  func.func @body(%arg0: i32, %arg1: i32, %arg2: memref<1x2000x128xf32, #tpu.memory_space<vmem>>, %arg3: memref<1x128x128xf32, #tpu.memory_space<vmem>>, %arg4: memref<1x128x4xf32, #tpu.memory_space<vmem>>, %arg5: memref<1x2000x128xf32, #tpu.memory_space<vmem>>, %arg6: memref<1x2000x4xf32, #tpu.memory_space<vmem>>) attributes {dimension_semantics = [#tpu.dimension_semantics<arbitrary>, #tpu.dimension_semantics<arbitrary>], iteration_bounds = array<i64: 5, 5>, scalar_prefetch = 0 : i64, scratch_operands = 0 : i64, tpu.core_type = #tpu.core_type<tc>, window_params = [{transform_indices = @transform_0, window_bounds = array<i64: 1, 2000, 128>}, {transform_indices = @transform_1, window_bounds = array<i64: 1, 128, 128>}, {transform_indices = @transform_2, window_bounds = array<i64: 1, 128, 4>}, {transform_indices = @transform_3, window_bounds = array<i64: 1, 2000, 128>}, {transform_indices = @transform_4, window_bounds = array<i64: 1, 2000, 4>}]} {
    %get3A = arith.constant 0 : index
    %get3A_0 = arith.constant 0 : index
    %get3A_1 = arith.constant 0 : index
    %get3A_2 = vector.load %arg2[%get3A, %get3A_0, %get3A_1] : memref<1x2000x128xf32, #tpu.memory_space<vmem>>, vector<1x2000x128xf32>
    %get3A_3 = vector.shape_cast %get3A_2 : vector<1x2000x128xf32> to vector<2000x128xf32>
    %get3A_4 = arith.constant 0 : index
    %get3A_5 = arith.constant 0 : index
    %get3A_6 = arith.constant 0 : index
    %get3A_7 = vector.load %arg3[%get3A_4, %get3A_5, %get3A_6] : memref<1x128x128xf32, #tpu.memory_space<vmem>>, vector<1x128x128xf32>
    %get3A_8 = vector.shape_cast %get3A_7 : vector<1x128x128xf32> to vector<128x128xf32>
    %dot_general3A = arith.constant dense<0.000000e+00> : vector<2000x128xf32>
    %dot_general3A_9 = tpu.matmul %get3A_3, %get3A_8, %dot_general3A {dimension_numbers = #tpu.dot_dimension_numbers<[1], [0], [0], [1], [0, 0, 1, 1], [], []>, transpose_lhs_hint = false} : vector<2000x128xf32>, vector<128x128xf32>, vector<2000x128xf32> -> vector<2000x128xf32>
    %swap3A = arith.constant 0 : index
    %swap3A_10 = arith.constant 0 : index
    %swap3A_11 = arith.constant 0 : index
    %swap3A_12 = vector.load %arg5[%swap3A, %swap3A_10, %swap3A_11] : memref<1x2000x128xf32, #tpu.memory_space<vmem>>, vector<1x2000x128xf32>
    %swap3A_13 = vector.shape_cast %swap3A_12 : vector<1x2000x128xf32> to vector<2000x128xf32>
    %swap3A_14 = vector.shape_cast %dot_general3A_9 : vector<2000x128xf32> to vector<1x2000x128xf32>
    tpu.vector_store %arg5[%swap3A, %swap3A_10, %swap3A_11], %swap3A_14 {strides = array<i32>} : memref<1x2000x128xf32, #tpu.memory_space<vmem>>, vector<1x2000x128xf32>,
    %get3A_15 = arith.constant 0 : index
    %get3A_16 = arith.constant 0 : index
    %get3A_17 = arith.constant 0 : index
    %get3A_18 = vector.load %arg4[%get3A_15, %get3A_16, %get3A_17] : memref<1x128x4xf32, #tpu.memory_space<vmem>>, vector<1x128x4xf32>
    %get3A_19 = vector.shape_cast %get3A_18 : vector<1x128x4xf32> to vector<128x4xf32>
    %dot_general3A_20 = arith.constant dense<0.000000e+00> : vector<2000x4xf32>
    %dot_general3A_21 = tpu.matmul %dot_general3A_9, %get3A_19, %dot_general3A_20 {dimension_numbers = #tpu.dot_dimension_numbers<[1], [0], [0], [1], [0, 0, 1, 1], [], []>, transpose_lhs_hint = false} : vector<2000x128xf32>, vector<128x4xf32>, vector<2000x4xf32> -> vector<2000x4xf32>
    %swap3A_22 = arith.constant 0 : index
    %swap3A_23 = arith.constant 0 : index
    %swap3A_24 = arith.constant 0 : index
    %swap3A_25 = vector.load %arg6[%swap3A_22, %swap3A_23, %swap3A_24] : memref<1x2000x4xf32, #tpu.memory_space<vmem>>, vector<1x2000x4xf32>
    %swap3A_26 = vector.shape_cast %swap3A_25 : vector<1x2000x4xf32> to vector<2000x4xf32>
    %swap3A_27 = vector.shape_cast %dot_general3A_21 : vector<2000x4xf32> to vector<1x2000x4xf32>
    tpu.vector_store %arg6[%swap3A_22, %swap3A_23, %swap3A_24], %swap3A_27 {strides = array<i32>} : memref<1x2000x4xf32, #tpu.memory_space<vmem>>, vector<1x2000x4xf32>,
    return
  }
  func.func @transform_0(%arg0: i32, %arg1: i32) -> (i32, i32, i32) {
    %c0_i32 = arith.constant 0 : i32
    %c0_i32_0 = arith.constant 0 : i32
    return %arg0, %arg1, %c0_i32 : i32, i32, i32
  }
  func.func @transform_1(%arg0: i32, %arg1: i32) -> (i32, i32, i32) {
    %c0_i32 = arith.constant 0 : i32
    %c0_i32_0 = arith.constant 0 : i32
    %c0_i32_1 = arith.constant 0 : i32
    return %arg0, %c0_i32, %c0_i32_0 : i32, i32, i32
  }
  func.func @transform_2(%arg0: i32, %arg1: i32) -> (i32, i32, i32) {
    %c0_i32 = arith.constant 0 : i32
    %c0_i32_0 = arith.constant 0 : i32
    %c0_i32_1 = arith.constant 0 : i32
    return %arg0, %c0_i32, %c0_i32_0 : i32, i32, i32
  }
  func.func @transform_3(%arg0: i32, %arg1: i32) -> (i32, i32, i32) {
    %c0_i32 = arith.constant 0 : i32
    %c0_i32_0 = arith.constant 0 : i32
    return %arg0, %arg1, %c0_i32 : i32, i32, i32
  }
  func.func @transform_4(%arg0: i32, %arg1: i32) -> (i32, i32, i32) {
    %c0_i32 = arith.constant 0 : i32
    %c0_i32_0 = arith.constant 0 : i32
    return %arg0, %arg1, %c0_i32 : i32, i32, i32
  }
}

module attributes {stable_mosaic.version = 14 : i64} {
  func.func @body(%arg0: i32, %arg1: memref<1000x16xf32, #tpu.memory_space<vmem>>, %arg2: memref<1000x16xf32, #tpu.memory_space<vmem>>, %arg3: memref<1000x16xf32, #tpu.memory_space<vmem>>, %arg4: memref<1000x16xf32, #tpu.memory_space<vmem>>, %arg5: memref<1000x16xf32, #tpu.memory_space<vmem>>, %arg6: memref<1000x16xf32, #tpu.memory_space<vmem>>, %arg7: memref<1000x16xf32, #tpu.memory_space<vmem>>, %arg8: memref<1000x16xf32, #tpu.memory_space<vmem>>, %arg9: memref<1000x128xf32, #tpu.memory_space<vmem>>, %arg10: memref<5x128xf32, #tpu.memory_space<vmem>>, %arg11: memref<1x128xf32, #tpu.memory_space<vmem>>, %arg12: memref<1x128xf32, #tpu.memory_space<vmem>>, %arg13: memref<1000x128xf32, #tpu.memory_space<vmem>>) attributes {dimension_semantics = [#tpu.dimension_semantics<arbitrary>], iteration_bounds = array<i64: 50>, scalar_prefetch = 0 : i64, scratch_operands = 0 : i64, tpu.core_type = #tpu.core_type<tc>, window_params = [{transform_indices = @transform_0, window_bounds = array<i64: 1000, 16>}, {transform_indices = @transform_1, window_bounds = array<i64: 1000, 16>}, {transform_indices = @transform_2, window_bounds = array<i64: 1000, 16>}, {transform_indices = @transform_3, window_bounds = array<i64: 1000, 16>}, {transform_indices = @transform_4, window_bounds = array<i64: 1000, 16>}, {transform_indices = @transform_5, window_bounds = array<i64: 1000, 16>}, {transform_indices = @transform_6, window_bounds = array<i64: 1000, 16>}, {transform_indices = @transform_7, window_bounds = array<i64: 1000, 16>}, {transform_indices = @transform_8, window_bounds = array<i64: 1000, 128>}, {pipeline_mode = #tpu.pipeline_mode<synchronous>, transform_indices = @transform_9, window_bounds = array<i64: 5, 128>}, {pipeline_mode = #tpu.pipeline_mode<synchronous>, transform_indices = @transform_10, window_bounds = array<i64: 1, 128>}, {pipeline_mode = #tpu.pipeline_mode<synchronous>, transform_indices = @transform_11, window_bounds = array<i64: 1, 128>}, {transform_indices = @transform_12, window_bounds = array<i64: 1000, 128>}]} {
    %get3A = arith.constant 0 : index
    %get3A_0 = arith.constant 0 : index
    %get3A_1 = vector.load %arg10[%get3A, %get3A_0] : memref<5x128xf32, #tpu.memory_space<vmem>>, vector<5x128xf32>
    %reduce_sum3A = arith.constant dense<0.000000e+00> : vector<128xf32>
    %reduce_sum3A_2 = vector.multi_reduction <add>, %get3A_1, %reduce_sum3A [0] : vector<5x128xf32> to vector<128xf32>
    %broadcast_in_dim3A = vector.shape_cast %reduce_sum3A_2 : vector<128xf32> to vector<1x128xf32>
    %get3A_3 = arith.constant 0 : index
    %get3A_4 = arith.constant 0 : index
    %get3A_5 = vector.load %arg1[%get3A_3, %get3A_4] : memref<1000x16xf32, #tpu.memory_space<vmem>>, vector<1000x16xf32>
    %get3A_6 = arith.constant 0 : index
    %get3A_7 = arith.constant 0 : index
    %get3A_8 = vector.load %arg9[%get3A_6, %get3A_7] : memref<1000x128xf32, #tpu.memory_space<vmem>>, vector<1000x16xf32>
    %add3A = arith.addf %get3A_5, %get3A_8 : vector<1000x16xf32>
    %slice3A = vector.extract_strided_slice %broadcast_in_dim3A {offsets = [0, 0], sizes = [1, 16], strides = [1, 1]} : vector<1x128xf32> to vector<1x16xf32>
    %add3A_9 = vector.broadcast %slice3A : vector<1x16xf32> to vector<1000x16xf32>
    %add3A_10 = arith.addf %add3A, %add3A_9 : vector<1000x16xf32>
    %max3A = arith.constant 0.000000e+00 : f32
    %max3A_11 = vector.broadcast %max3A : f32 to vector<1000x16xf32>
    %max3A_12 = arith.maximumf %add3A_10, %max3A_11 : vector<1000x16xf32>
    %get3A_13 = arith.constant 0 : index
    %get3A_14 = arith.constant 0 : index
    %get3A_15 = vector.load %arg2[%get3A_13, %get3A_14] : memref<1000x16xf32, #tpu.memory_space<vmem>>, vector<1000x16xf32>
    %get3A_16 = arith.constant 0 : index
    %get3A_17 = arith.constant 16 : index
    %get3A_18 = vector.load %arg9[%get3A_16, %get3A_17] : memref<1000x128xf32, #tpu.memory_space<vmem>>, vector<1000x16xf32>
    %add3A_19 = arith.addf %get3A_15, %get3A_18 : vector<1000x16xf32>
    %slice3A_20 = vector.extract_strided_slice %broadcast_in_dim3A {offsets = [0, 16], sizes = [1, 16], strides = [1, 1]} : vector<1x128xf32> to vector<1x16xf32>
    %add3A_21 = vector.broadcast %slice3A_20 : vector<1x16xf32> to vector<1000x16xf32>
    %add3A_22 = arith.addf %add3A_19, %add3A_21 : vector<1000x16xf32>
    %max3A_23 = arith.constant 0.000000e+00 : f32
    %max3A_24 = vector.broadcast %max3A_23 : f32 to vector<1000x16xf32>
    %max3A_25 = arith.maximumf %add3A_22, %max3A_24 : vector<1000x16xf32>
    %get3A_26 = arith.constant 0 : index
    %get3A_27 = arith.constant 0 : index
    %get3A_28 = vector.load %arg3[%get3A_26, %get3A_27] : memref<1000x16xf32, #tpu.memory_space<vmem>>, vector<1000x16xf32>
    %get3A_29 = arith.constant 0 : index
    %get3A_30 = arith.constant 32 : index
    %get3A_31 = vector.load %arg9[%get3A_29, %get3A_30] : memref<1000x128xf32, #tpu.memory_space<vmem>>, vector<1000x16xf32>
    %add3A_32 = arith.addf %get3A_28, %get3A_31 : vector<1000x16xf32>
    %slice3A_33 = vector.extract_strided_slice %broadcast_in_dim3A {offsets = [0, 32], sizes = [1, 16], strides = [1, 1]} : vector<1x128xf32> to vector<1x16xf32>
    %add3A_34 = vector.broadcast %slice3A_33 : vector<1x16xf32> to vector<1000x16xf32>
    %add3A_35 = arith.addf %add3A_32, %add3A_34 : vector<1000x16xf32>
    %max3A_36 = arith.constant 0.000000e+00 : f32
    %max3A_37 = vector.broadcast %max3A_36 : f32 to vector<1000x16xf32>
    %max3A_38 = arith.maximumf %add3A_35, %max3A_37 : vector<1000x16xf32>
    %get3A_39 = arith.constant 0 : index
    %get3A_40 = arith.constant 0 : index
    %get3A_41 = vector.load %arg4[%get3A_39, %get3A_40] : memref<1000x16xf32, #tpu.memory_space<vmem>>, vector<1000x16xf32>
    %get3A_42 = arith.constant 0 : index
    %get3A_43 = arith.constant 48 : index
    %get3A_44 = vector.load %arg9[%get3A_42, %get3A_43] : memref<1000x128xf32, #tpu.memory_space<vmem>>, vector<1000x16xf32>
    %add3A_45 = arith.addf %get3A_41, %get3A_44 : vector<1000x16xf32>
    %slice3A_46 = vector.extract_strided_slice %broadcast_in_dim3A {offsets = [0, 48], sizes = [1, 16], strides = [1, 1]} : vector<1x128xf32> to vector<1x16xf32>
    %add3A_47 = vector.broadcast %slice3A_46 : vector<1x16xf32> to vector<1000x16xf32>
    %add3A_48 = arith.addf %add3A_45, %add3A_47 : vector<1000x16xf32>
    %max3A_49 = arith.constant 0.000000e+00 : f32
    %max3A_50 = vector.broadcast %max3A_49 : f32 to vector<1000x16xf32>
    %max3A_51 = arith.maximumf %add3A_48, %max3A_50 : vector<1000x16xf32>
    %get3A_52 = arith.constant 0 : index
    %get3A_53 = arith.constant 0 : index
    %get3A_54 = vector.load %arg5[%get3A_52, %get3A_53] : memref<1000x16xf32, #tpu.memory_space<vmem>>, vector<1000x16xf32>
    %get3A_55 = arith.constant 0 : index
    %get3A_56 = arith.constant 64 : index
    %get3A_57 = vector.load %arg9[%get3A_55, %get3A_56] : memref<1000x128xf32, #tpu.memory_space<vmem>>, vector<1000x16xf32>
    %add3A_58 = arith.addf %get3A_54, %get3A_57 : vector<1000x16xf32>
    %slice3A_59 = vector.extract_strided_slice %broadcast_in_dim3A {offsets = [0, 64], sizes = [1, 16], strides = [1, 1]} : vector<1x128xf32> to vector<1x16xf32>
    %add3A_60 = vector.broadcast %slice3A_59 : vector<1x16xf32> to vector<1000x16xf32>
    %add3A_61 = arith.addf %add3A_58, %add3A_60 : vector<1000x16xf32>
    %max3A_62 = arith.constant 0.000000e+00 : f32
    %max3A_63 = vector.broadcast %max3A_62 : f32 to vector<1000x16xf32>
    %max3A_64 = arith.maximumf %add3A_61, %max3A_63 : vector<1000x16xf32>
    %get3A_65 = arith.constant 0 : index
    %get3A_66 = arith.constant 0 : index
    %get3A_67 = vector.load %arg6[%get3A_65, %get3A_66] : memref<1000x16xf32, #tpu.memory_space<vmem>>, vector<1000x16xf32>
    %get3A_68 = arith.constant 0 : index
    %get3A_69 = arith.constant 80 : index
    %get3A_70 = vector.load %arg9[%get3A_68, %get3A_69] : memref<1000x128xf32, #tpu.memory_space<vmem>>, vector<1000x16xf32>
    %add3A_71 = arith.addf %get3A_67, %get3A_70 : vector<1000x16xf32>
    %slice3A_72 = vector.extract_strided_slice %broadcast_in_dim3A {offsets = [0, 80], sizes = [1, 16], strides = [1, 1]} : vector<1x128xf32> to vector<1x16xf32>
    %add3A_73 = vector.broadcast %slice3A_72 : vector<1x16xf32> to vector<1000x16xf32>
    %add3A_74 = arith.addf %add3A_71, %add3A_73 : vector<1000x16xf32>
    %max3A_75 = arith.constant 0.000000e+00 : f32
    %max3A_76 = vector.broadcast %max3A_75 : f32 to vector<1000x16xf32>
    %max3A_77 = arith.maximumf %add3A_74, %max3A_76 : vector<1000x16xf32>
    %get3A_78 = arith.constant 0 : index
    %get3A_79 = arith.constant 0 : index
    %get3A_80 = vector.load %arg7[%get3A_78, %get3A_79] : memref<1000x16xf32, #tpu.memory_space<vmem>>, vector<1000x16xf32>
    %get3A_81 = arith.constant 0 : index
    %get3A_82 = arith.constant 96 : index
    %get3A_83 = vector.load %arg9[%get3A_81, %get3A_82] : memref<1000x128xf32, #tpu.memory_space<vmem>>, vector<1000x16xf32>
    %add3A_84 = arith.addf %get3A_80, %get3A_83 : vector<1000x16xf32>
    %slice3A_85 = vector.extract_strided_slice %broadcast_in_dim3A {offsets = [0, 96], sizes = [1, 16], strides = [1, 1]} : vector<1x128xf32> to vector<1x16xf32>
    %add3A_86 = vector.broadcast %slice3A_85 : vector<1x16xf32> to vector<1000x16xf32>
    %add3A_87 = arith.addf %add3A_84, %add3A_86 : vector<1000x16xf32>
    %max3A_88 = arith.constant 0.000000e+00 : f32
    %max3A_89 = vector.broadcast %max3A_88 : f32 to vector<1000x16xf32>
    %max3A_90 = arith.maximumf %add3A_87, %max3A_89 : vector<1000x16xf32>
    %get3A_91 = arith.constant 0 : index
    %get3A_92 = arith.constant 0 : index
    %get3A_93 = vector.load %arg8[%get3A_91, %get3A_92] : memref<1000x16xf32, #tpu.memory_space<vmem>>, vector<1000x16xf32>
    %get3A_94 = arith.constant 0 : index
    %get3A_95 = arith.constant 112 : index
    %get3A_96 = vector.load %arg9[%get3A_94, %get3A_95] : memref<1000x128xf32, #tpu.memory_space<vmem>>, vector<1000x16xf32>
    %add3A_97 = arith.addf %get3A_93, %get3A_96 : vector<1000x16xf32>
    %slice3A_98 = vector.extract_strided_slice %broadcast_in_dim3A {offsets = [0, 112], sizes = [1, 16], strides = [1, 1]} : vector<1x128xf32> to vector<1x16xf32>
    %add3A_99 = vector.broadcast %slice3A_98 : vector<1x16xf32> to vector<1000x16xf32>
    %add3A_100 = arith.addf %add3A_97, %add3A_99 : vector<1000x16xf32>
    %max3A_101 = arith.constant 0.000000e+00 : f32
    %max3A_102 = vector.broadcast %max3A_101 : f32 to vector<1000x16xf32>
    %max3A_103 = arith.maximumf %add3A_100, %max3A_102 : vector<1000x16xf32>
    %reduce_sum3A_104 = arith.constant dense<0.000000e+00> : vector<1000xf32>
    %reduce_sum3A_105 = vector.multi_reduction <add>, %max3A_12, %reduce_sum3A_104 [1] : vector<1000x16xf32> to vector<1000xf32>
    %broadcast_in_dim3A_106 = vector.shape_cast %reduce_sum3A_105 : vector<1000xf32> to vector<1000x1xf32>
    %reduce_sum3A_107 = arith.constant dense<0.000000e+00> : vector<1000xf32>
    %reduce_sum3A_108 = vector.multi_reduction <add>, %max3A_25, %reduce_sum3A_107 [1] : vector<1000x16xf32> to vector<1000xf32>
    %broadcast_in_dim3A_109 = vector.shape_cast %reduce_sum3A_108 : vector<1000xf32> to vector<1000x1xf32>
    %add3A_110 = arith.addf %broadcast_in_dim3A_106, %broadcast_in_dim3A_109 : vector<1000x1xf32>
    %reduce_sum3A_111 = arith.constant dense<0.000000e+00> : vector<1000xf32>
    %reduce_sum3A_112 = vector.multi_reduction <add>, %max3A_38, %reduce_sum3A_111 [1] : vector<1000x16xf32> to vector<1000xf32>
    %broadcast_in_dim3A_113 = vector.shape_cast %reduce_sum3A_112 : vector<1000xf32> to vector<1000x1xf32>
    %add3A_114 = arith.addf %add3A_110, %broadcast_in_dim3A_113 : vector<1000x1xf32>
    %reduce_sum3A_115 = arith.constant dense<0.000000e+00> : vector<1000xf32>
    %reduce_sum3A_116 = vector.multi_reduction <add>, %max3A_51, %reduce_sum3A_115 [1] : vector<1000x16xf32> to vector<1000xf32>
    %broadcast_in_dim3A_117 = vector.shape_cast %reduce_sum3A_116 : vector<1000xf32> to vector<1000x1xf32>
    %add3A_118 = arith.addf %add3A_114, %broadcast_in_dim3A_117 : vector<1000x1xf32>
    %reduce_sum3A_119 = arith.constant dense<0.000000e+00> : vector<1000xf32>
    %reduce_sum3A_120 = vector.multi_reduction <add>, %max3A_64, %reduce_sum3A_119 [1] : vector<1000x16xf32> to vector<1000xf32>
    %broadcast_in_dim3A_121 = vector.shape_cast %reduce_sum3A_120 : vector<1000xf32> to vector<1000x1xf32>
    %add3A_122 = arith.addf %add3A_118, %broadcast_in_dim3A_121 : vector<1000x1xf32>
    %reduce_sum3A_123 = arith.constant dense<0.000000e+00> : vector<1000xf32>
    %reduce_sum3A_124 = vector.multi_reduction <add>, %max3A_77, %reduce_sum3A_123 [1] : vector<1000x16xf32> to vector<1000xf32>
    %broadcast_in_dim3A_125 = vector.shape_cast %reduce_sum3A_124 : vector<1000xf32> to vector<1000x1xf32>
    %add3A_126 = arith.addf %add3A_122, %broadcast_in_dim3A_125 : vector<1000x1xf32>
    %reduce_sum3A_127 = arith.constant dense<0.000000e+00> : vector<1000xf32>
    %reduce_sum3A_128 = vector.multi_reduction <add>, %max3A_90, %reduce_sum3A_127 [1] : vector<1000x16xf32> to vector<1000xf32>
    %broadcast_in_dim3A_129 = vector.shape_cast %reduce_sum3A_128 : vector<1000xf32> to vector<1000x1xf32>
    %add3A_130 = arith.addf %add3A_126, %broadcast_in_dim3A_129 : vector<1000x1xf32>
    %reduce_sum3A_131 = arith.constant dense<0.000000e+00> : vector<1000xf32>
    %reduce_sum3A_132 = vector.multi_reduction <add>, %max3A_103, %reduce_sum3A_131 [1] : vector<1000x16xf32> to vector<1000xf32>
    %broadcast_in_dim3A_133 = vector.shape_cast %reduce_sum3A_132 : vector<1000xf32> to vector<1000x1xf32>
    %add3A_134 = arith.addf %add3A_130, %broadcast_in_dim3A_133 : vector<1000x1xf32>
    %mul3A = arith.constant 7.812500e-03 : f32
    %mul3A_135 = vector.broadcast %mul3A : f32 to vector<1000x1xf32>
    %mul3A_136 = arith.mulf %add3A_134, %mul3A_135 : vector<1000x1xf32>
    %sub3A = vector.broadcast %mul3A_136 : vector<1000x1xf32> to vector<1000x16xf32>
    %sub3A_137 = arith.subf %max3A_12, %sub3A : vector<1000x16xf32>
    %integer_pow3A = arith.mulf %sub3A_137, %sub3A_137 : vector<1000x16xf32>
    %reduce_sum3A_138 = arith.constant dense<0.000000e+00> : vector<1000xf32>
    %reduce_sum3A_139 = vector.multi_reduction <add>, %integer_pow3A, %reduce_sum3A_138 [1] : vector<1000x16xf32> to vector<1000xf32>
    %broadcast_in_dim3A_140 = vector.shape_cast %reduce_sum3A_139 : vector<1000xf32> to vector<1000x1xf32>
    %sub3A_141 = vector.broadcast %mul3A_136 : vector<1000x1xf32> to vector<1000x16xf32>
    %sub3A_142 = arith.subf %max3A_25, %sub3A_141 : vector<1000x16xf32>
    %integer_pow3A_143 = arith.mulf %sub3A_142, %sub3A_142 : vector<1000x16xf32>
    %reduce_sum3A_144 = arith.constant dense<0.000000e+00> : vector<1000xf32>
    %reduce_sum3A_145 = vector.multi_reduction <add>, %integer_pow3A_143, %reduce_sum3A_144 [1] : vector<1000x16xf32> to vector<1000xf32>
    %broadcast_in_dim3A_146 = vector.shape_cast %reduce_sum3A_145 : vector<1000xf32> to vector<1000x1xf32>
    %add3A_147 = arith.addf %broadcast_in_dim3A_140, %broadcast_in_dim3A_146 : vector<1000x1xf32>
    %sub3A_148 = vector.broadcast %mul3A_136 : vector<1000x1xf32> to vector<1000x16xf32>
    %sub3A_149 = arith.subf %max3A_38, %sub3A_148 : vector<1000x16xf32>
    %integer_pow3A_150 = arith.mulf %sub3A_149, %sub3A_149 : vector<1000x16xf32>
    %reduce_sum3A_151 = arith.constant dense<0.000000e+00> : vector<1000xf32>
    %reduce_sum3A_152 = vector.multi_reduction <add>, %integer_pow3A_150, %reduce_sum3A_151 [1] : vector<1000x16xf32> to vector<1000xf32>
    %broadcast_in_dim3A_153 = vector.shape_cast %reduce_sum3A_152 : vector<1000xf32> to vector<1000x1xf32>
    %add3A_154 = arith.addf %add3A_147, %broadcast_in_dim3A_153 : vector<1000x1xf32>
    %sub3A_155 = vector.broadcast %mul3A_136 : vector<1000x1xf32> to vector<1000x16xf32>
    %sub3A_156 = arith.subf %max3A_51, %sub3A_155 : vector<1000x16xf32>
    %integer_pow3A_157 = arith.mulf %sub3A_156, %sub3A_156 : vector<1000x16xf32>
    %reduce_sum3A_158 = arith.constant dense<0.000000e+00> : vector<1000xf32>
    %reduce_sum3A_159 = vector.multi_reduction <add>, %integer_pow3A_157, %reduce_sum3A_158 [1] : vector<1000x16xf32> to vector<1000xf32>
    %broadcast_in_dim3A_160 = vector.shape_cast %reduce_sum3A_159 : vector<1000xf32> to vector<1000x1xf32>
    %add3A_161 = arith.addf %add3A_154, %broadcast_in_dim3A_160 : vector<1000x1xf32>
    %sub3A_162 = vector.broadcast %mul3A_136 : vector<1000x1xf32> to vector<1000x16xf32>
    %sub3A_163 = arith.subf %max3A_64, %sub3A_162 : vector<1000x16xf32>
    %integer_pow3A_164 = arith.mulf %sub3A_163, %sub3A_163 : vector<1000x16xf32>
    %reduce_sum3A_165 = arith.constant dense<0.000000e+00> : vector<1000xf32>
    %reduce_sum3A_166 = vector.multi_reduction <add>, %integer_pow3A_164, %reduce_sum3A_165 [1] : vector<1000x16xf32> to vector<1000xf32>
    %broadcast_in_dim3A_167 = vector.shape_cast %reduce_sum3A_166 : vector<1000xf32> to vector<1000x1xf32>
    %add3A_168 = arith.addf %add3A_161, %broadcast_in_dim3A_167 : vector<1000x1xf32>
    %sub3A_169 = vector.broadcast %mul3A_136 : vector<1000x1xf32> to vector<1000x16xf32>
    %sub3A_170 = arith.subf %max3A_77, %sub3A_169 : vector<1000x16xf32>
    %integer_pow3A_171 = arith.mulf %sub3A_170, %sub3A_170 : vector<1000x16xf32>
    %reduce_sum3A_172 = arith.constant dense<0.000000e+00> : vector<1000xf32>
    %reduce_sum3A_173 = vector.multi_reduction <add>, %integer_pow3A_171, %reduce_sum3A_172 [1] : vector<1000x16xf32> to vector<1000xf32>
    %broadcast_in_dim3A_174 = vector.shape_cast %reduce_sum3A_173 : vector<1000xf32> to vector<1000x1xf32>
    %add3A_175 = arith.addf %add3A_168, %broadcast_in_dim3A_174 : vector<1000x1xf32>
    %sub3A_176 = vector.broadcast %mul3A_136 : vector<1000x1xf32> to vector<1000x16xf32>
    %sub3A_177 = arith.subf %max3A_90, %sub3A_176 : vector<1000x16xf32>
    %integer_pow3A_178 = arith.mulf %sub3A_177, %sub3A_177 : vector<1000x16xf32>
    %reduce_sum3A_179 = arith.constant dense<0.000000e+00> : vector<1000xf32>
    %reduce_sum3A_180 = vector.multi_reduction <add>, %integer_pow3A_178, %reduce_sum3A_179 [1] : vector<1000x16xf32> to vector<1000xf32>
    %broadcast_in_dim3A_181 = vector.shape_cast %reduce_sum3A_180 : vector<1000xf32> to vector<1000x1xf32>
    %add3A_182 = arith.addf %add3A_175, %broadcast_in_dim3A_181 : vector<1000x1xf32>
    %sub3A_183 = vector.broadcast %mul3A_136 : vector<1000x1xf32> to vector<1000x16xf32>
    %sub3A_184 = arith.subf %max3A_103, %sub3A_183 : vector<1000x16xf32>
    %integer_pow3A_185 = arith.mulf %sub3A_184, %sub3A_184 : vector<1000x16xf32>
    %reduce_sum3A_186 = arith.constant dense<0.000000e+00> : vector<1000xf32>
    %reduce_sum3A_187 = vector.multi_reduction <add>, %integer_pow3A_185, %reduce_sum3A_186 [1] : vector<1000x16xf32> to vector<1000xf32>
    %broadcast_in_dim3A_188 = vector.shape_cast %reduce_sum3A_187 : vector<1000xf32> to vector<1000x1xf32>
    %add3A_189 = arith.addf %add3A_182, %broadcast_in_dim3A_188 : vector<1000x1xf32>
    %mul3A_190 = arith.constant 7.812500e-03 : f32
    %mul3A_191 = vector.broadcast %mul3A_190 : f32 to vector<1000x1xf32>
    %mul3A_192 = arith.mulf %add3A_189, %mul3A_191 : vector<1000x1xf32>
    %add3A_193 = arith.constant 9.99999974E-6 : f32
    %add3A_194 = vector.broadcast %add3A_193 : f32 to vector<1000x1xf32>
    %add3A_195 = arith.addf %mul3A_192, %add3A_194 : vector<1000x1xf32>
    %rsqrt3A = math.rsqrt %add3A_195 : vector<1000x1xf32>
    %sub3A_196 = vector.broadcast %mul3A_136 : vector<1000x1xf32> to vector<1000x16xf32>
    %sub3A_197 = arith.subf %max3A_12, %sub3A_196 : vector<1000x16xf32>
    %mul3A_198 = vector.broadcast %rsqrt3A : vector<1000x1xf32> to vector<1000x16xf32>
    %mul3A_199 = arith.mulf %sub3A_197, %mul3A_198 : vector<1000x16xf32>
    %get3A_200 = arith.constant 0 : index
    %get3A_201 = arith.constant 0 : index
    %get3A_202 = vector.load %arg11[%get3A_200, %get3A_201] : memref<1x128xf32, #tpu.memory_space<vmem>>, vector<1x16xf32>
    %mul3A_203 = vector.broadcast %get3A_202 : vector<1x16xf32> to vector<1000x16xf32>
    %mul3A_204 = arith.mulf %mul3A_199, %mul3A_203 : vector<1000x16xf32>
    %get3A_205 = arith.constant 0 : index
    %get3A_206 = arith.constant 0 : index
    %get3A_207 = vector.load %arg12[%get3A_205, %get3A_206] : memref<1x128xf32, #tpu.memory_space<vmem>>, vector<1x16xf32>
    %add3A_208 = vector.broadcast %get3A_207 : vector<1x16xf32> to vector<1000x16xf32>
    %add3A_209 = arith.addf %mul3A_204, %add3A_208 : vector<1000x16xf32>
    %swap3A = arith.constant 0 : index
    %swap3A_210 = arith.constant 0 : index
    %swap3A_211 = vector.load %arg13[%swap3A, %swap3A_210] : memref<1000x128xf32, #tpu.memory_space<vmem>>, vector<1000x16xf32>
    tpu.vector_store %arg13[%swap3A, %swap3A_210], %add3A_209 {strides = array<i32>} : memref<1000x128xf32, #tpu.memory_space<vmem>>, vector<1000x16xf32>,
    %sub3A_212 = vector.broadcast %mul3A_136 : vector<1000x1xf32> to vector<1000x16xf32>
    %sub3A_213 = arith.subf %max3A_25, %sub3A_212 : vector<1000x16xf32>
    %mul3A_214 = vector.broadcast %rsqrt3A : vector<1000x1xf32> to vector<1000x16xf32>
    %mul3A_215 = arith.mulf %sub3A_213, %mul3A_214 : vector<1000x16xf32>
    %get3A_216 = arith.constant 0 : index
    %get3A_217 = arith.constant 16 : index
    %get3A_218 = vector.load %arg11[%get3A_216, %get3A_217] : memref<1x128xf32, #tpu.memory_space<vmem>>, vector<1x16xf32>
    %mul3A_219 = vector.broadcast %get3A_218 : vector<1x16xf32> to vector<1000x16xf32>
    %mul3A_220 = arith.mulf %mul3A_215, %mul3A_219 : vector<1000x16xf32>
    %get3A_221 = arith.constant 0 : index
    %get3A_222 = arith.constant 16 : index
    %get3A_223 = vector.load %arg12[%get3A_221, %get3A_222] : memref<1x128xf32, #tpu.memory_space<vmem>>, vector<1x16xf32>
    %add3A_224 = vector.broadcast %get3A_223 : vector<1x16xf32> to vector<1000x16xf32>
    %add3A_225 = arith.addf %mul3A_220, %add3A_224 : vector<1000x16xf32>
    %swap3A_226 = arith.constant 0 : index
    %swap3A_227 = arith.constant 16 : index
    %swap3A_228 = vector.load %arg13[%swap3A_226, %swap3A_227] : memref<1000x128xf32, #tpu.memory_space<vmem>>, vector<1000x16xf32>
    tpu.vector_store %arg13[%swap3A_226, %swap3A_227], %add3A_225 {strides = array<i32>} : memref<1000x128xf32, #tpu.memory_space<vmem>>, vector<1000x16xf32>,
    %sub3A_229 = vector.broadcast %mul3A_136 : vector<1000x1xf32> to vector<1000x16xf32>
    %sub3A_230 = arith.subf %max3A_38, %sub3A_229 : vector<1000x16xf32>
    %mul3A_231 = vector.broadcast %rsqrt3A : vector<1000x1xf32> to vector<1000x16xf32>
    %mul3A_232 = arith.mulf %sub3A_230, %mul3A_231 : vector<1000x16xf32>
    %get3A_233 = arith.constant 0 : index
    %get3A_234 = arith.constant 32 : index
    %get3A_235 = vector.load %arg11[%get3A_233, %get3A_234] : memref<1x128xf32, #tpu.memory_space<vmem>>, vector<1x16xf32>
    %mul3A_236 = vector.broadcast %get3A_235 : vector<1x16xf32> to vector<1000x16xf32>
    %mul3A_237 = arith.mulf %mul3A_232, %mul3A_236 : vector<1000x16xf32>
    %get3A_238 = arith.constant 0 : index
    %get3A_239 = arith.constant 32 : index
    %get3A_240 = vector.load %arg12[%get3A_238, %get3A_239] : memref<1x128xf32, #tpu.memory_space<vmem>>, vector<1x16xf32>
    %add3A_241 = vector.broadcast %get3A_240 : vector<1x16xf32> to vector<1000x16xf32>
    %add3A_242 = arith.addf %mul3A_237, %add3A_241 : vector<1000x16xf32>
    %swap3A_243 = arith.constant 0 : index
    %swap3A_244 = arith.constant 32 : index
    %swap3A_245 = vector.load %arg13[%swap3A_243, %swap3A_244] : memref<1000x128xf32, #tpu.memory_space<vmem>>, vector<1000x16xf32>
    tpu.vector_store %arg13[%swap3A_243, %swap3A_244], %add3A_242 {strides = array<i32>} : memref<1000x128xf32, #tpu.memory_space<vmem>>, vector<1000x16xf32>,
    %sub3A_246 = vector.broadcast %mul3A_136 : vector<1000x1xf32> to vector<1000x16xf32>
    %sub3A_247 = arith.subf %max3A_51, %sub3A_246 : vector<1000x16xf32>
    %mul3A_248 = vector.broadcast %rsqrt3A : vector<1000x1xf32> to vector<1000x16xf32>
    %mul3A_249 = arith.mulf %sub3A_247, %mul3A_248 : vector<1000x16xf32>
    %get3A_250 = arith.constant 0 : index
    %get3A_251 = arith.constant 48 : index
    %get3A_252 = vector.load %arg11[%get3A_250, %get3A_251] : memref<1x128xf32, #tpu.memory_space<vmem>>, vector<1x16xf32>
    %mul3A_253 = vector.broadcast %get3A_252 : vector<1x16xf32> to vector<1000x16xf32>
    %mul3A_254 = arith.mulf %mul3A_249, %mul3A_253 : vector<1000x16xf32>
    %get3A_255 = arith.constant 0 : index
    %get3A_256 = arith.constant 48 : index
    %get3A_257 = vector.load %arg12[%get3A_255, %get3A_256] : memref<1x128xf32, #tpu.memory_space<vmem>>, vector<1x16xf32>
    %add3A_258 = vector.broadcast %get3A_257 : vector<1x16xf32> to vector<1000x16xf32>
    %add3A_259 = arith.addf %mul3A_254, %add3A_258 : vector<1000x16xf32>
    %swap3A_260 = arith.constant 0 : index
    %swap3A_261 = arith.constant 48 : index
    %swap3A_262 = vector.load %arg13[%swap3A_260, %swap3A_261] : memref<1000x128xf32, #tpu.memory_space<vmem>>, vector<1000x16xf32>
    tpu.vector_store %arg13[%swap3A_260, %swap3A_261], %add3A_259 {strides = array<i32>} : memref<1000x128xf32, #tpu.memory_space<vmem>>, vector<1000x16xf32>,
    %sub3A_263 = vector.broadcast %mul3A_136 : vector<1000x1xf32> to vector<1000x16xf32>
    %sub3A_264 = arith.subf %max3A_64, %sub3A_263 : vector<1000x16xf32>
    %mul3A_265 = vector.broadcast %rsqrt3A : vector<1000x1xf32> to vector<1000x16xf32>
    %mul3A_266 = arith.mulf %sub3A_264, %mul3A_265 : vector<1000x16xf32>
    %get3A_267 = arith.constant 0 : index
    %get3A_268 = arith.constant 64 : index
    %get3A_269 = vector.load %arg11[%get3A_267, %get3A_268] : memref<1x128xf32, #tpu.memory_space<vmem>>, vector<1x16xf32>
    %mul3A_270 = vector.broadcast %get3A_269 : vector<1x16xf32> to vector<1000x16xf32>
    %mul3A_271 = arith.mulf %mul3A_266, %mul3A_270 : vector<1000x16xf32>
    %get3A_272 = arith.constant 0 : index
    %get3A_273 = arith.constant 64 : index
    %get3A_274 = vector.load %arg12[%get3A_272, %get3A_273] : memref<1x128xf32, #tpu.memory_space<vmem>>, vector<1x16xf32>
    %add3A_275 = vector.broadcast %get3A_274 : vector<1x16xf32> to vector<1000x16xf32>
    %add3A_276 = arith.addf %mul3A_271, %add3A_275 : vector<1000x16xf32>
    %swap3A_277 = arith.constant 0 : index
    %swap3A_278 = arith.constant 64 : index
    %swap3A_279 = vector.load %arg13[%swap3A_277, %swap3A_278] : memref<1000x128xf32, #tpu.memory_space<vmem>>, vector<1000x16xf32>
    tpu.vector_store %arg13[%swap3A_277, %swap3A_278], %add3A_276 {strides = array<i32>} : memref<1000x128xf32, #tpu.memory_space<vmem>>, vector<1000x16xf32>,
    %sub3A_280 = vector.broadcast %mul3A_136 : vector<1000x1xf32> to vector<1000x16xf32>
    %sub3A_281 = arith.subf %max3A_77, %sub3A_280 : vector<1000x16xf32>
    %mul3A_282 = vector.broadcast %rsqrt3A : vector<1000x1xf32> to vector<1000x16xf32>
    %mul3A_283 = arith.mulf %sub3A_281, %mul3A_282 : vector<1000x16xf32>
    %get3A_284 = arith.constant 0 : index
    %get3A_285 = arith.constant 80 : index
    %get3A_286 = vector.load %arg11[%get3A_284, %get3A_285] : memref<1x128xf32, #tpu.memory_space<vmem>>, vector<1x16xf32>
    %mul3A_287 = vector.broadcast %get3A_286 : vector<1x16xf32> to vector<1000x16xf32>
    %mul3A_288 = arith.mulf %mul3A_283, %mul3A_287 : vector<1000x16xf32>
    %get3A_289 = arith.constant 0 : index
    %get3A_290 = arith.constant 80 : index
    %get3A_291 = vector.load %arg12[%get3A_289, %get3A_290] : memref<1x128xf32, #tpu.memory_space<vmem>>, vector<1x16xf32>
    %add3A_292 = vector.broadcast %get3A_291 : vector<1x16xf32> to vector<1000x16xf32>
    %add3A_293 = arith.addf %mul3A_288, %add3A_292 : vector<1000x16xf32>
    %swap3A_294 = arith.constant 0 : index
    %swap3A_295 = arith.constant 80 : index
    %swap3A_296 = vector.load %arg13[%swap3A_294, %swap3A_295] : memref<1000x128xf32, #tpu.memory_space<vmem>>, vector<1000x16xf32>
    tpu.vector_store %arg13[%swap3A_294, %swap3A_295], %add3A_293 {strides = array<i32>} : memref<1000x128xf32, #tpu.memory_space<vmem>>, vector<1000x16xf32>,
    %sub3A_297 = vector.broadcast %mul3A_136 : vector<1000x1xf32> to vector<1000x16xf32>
    %sub3A_298 = arith.subf %max3A_90, %sub3A_297 : vector<1000x16xf32>
    %mul3A_299 = vector.broadcast %rsqrt3A : vector<1000x1xf32> to vector<1000x16xf32>
    %mul3A_300 = arith.mulf %sub3A_298, %mul3A_299 : vector<1000x16xf32>
    %get3A_301 = arith.constant 0 : index
    %get3A_302 = arith.constant 96 : index
    %get3A_303 = vector.load %arg11[%get3A_301, %get3A_302] : memref<1x128xf32, #tpu.memory_space<vmem>>, vector<1x16xf32>
    %mul3A_304 = vector.broadcast %get3A_303 : vector<1x16xf32> to vector<1000x16xf32>
    %mul3A_305 = arith.mulf %mul3A_300, %mul3A_304 : vector<1000x16xf32>
    %get3A_306 = arith.constant 0 : index
    %get3A_307 = arith.constant 96 : index
    %get3A_308 = vector.load %arg12[%get3A_306, %get3A_307] : memref<1x128xf32, #tpu.memory_space<vmem>>, vector<1x16xf32>
    %add3A_309 = vector.broadcast %get3A_308 : vector<1x16xf32> to vector<1000x16xf32>
    %add3A_310 = arith.addf %mul3A_305, %add3A_309 : vector<1000x16xf32>
    %swap3A_311 = arith.constant 0 : index
    %swap3A_312 = arith.constant 96 : index
    %swap3A_313 = vector.load %arg13[%swap3A_311, %swap3A_312] : memref<1000x128xf32, #tpu.memory_space<vmem>>, vector<1000x16xf32>
    tpu.vector_store %arg13[%swap3A_311, %swap3A_312], %add3A_310 {strides = array<i32>} : memref<1000x128xf32, #tpu.memory_space<vmem>>, vector<1000x16xf32>,
    %sub3A_314 = vector.broadcast %mul3A_136 : vector<1000x1xf32> to vector<1000x16xf32>
    %sub3A_315 = arith.subf %max3A_103, %sub3A_314 : vector<1000x16xf32>
    %mul3A_316 = vector.broadcast %rsqrt3A : vector<1000x1xf32> to vector<1000x16xf32>
    %mul3A_317 = arith.mulf %sub3A_315, %mul3A_316 : vector<1000x16xf32>
    %get3A_318 = arith.constant 0 : index
    %get3A_319 = arith.constant 112 : index
    %get3A_320 = vector.load %arg11[%get3A_318, %get3A_319] : memref<1x128xf32, #tpu.memory_space<vmem>>, vector<1x16xf32>
    %mul3A_321 = vector.broadcast %get3A_320 : vector<1x16xf32> to vector<1000x16xf32>
    %mul3A_322 = arith.mulf %mul3A_317, %mul3A_321 : vector<1000x16xf32>
    %get3A_323 = arith.constant 0 : index
    %get3A_324 = arith.constant 112 : index
    %get3A_325 = vector.load %arg12[%get3A_323, %get3A_324] : memref<1x128xf32, #tpu.memory_space<vmem>>, vector<1x16xf32>
    %add3A_326 = vector.broadcast %get3A_325 : vector<1x16xf32> to vector<1000x16xf32>
    %add3A_327 = arith.addf %mul3A_322, %add3A_326 : vector<1000x16xf32>
    %swap3A_328 = arith.constant 0 : index
    %swap3A_329 = arith.constant 112 : index
    %swap3A_330 = vector.load %arg13[%swap3A_328, %swap3A_329] : memref<1000x128xf32, #tpu.memory_space<vmem>>, vector<1000x16xf32>
    tpu.vector_store %arg13[%swap3A_328, %swap3A_329], %add3A_327 {strides = array<i32>} : memref<1000x128xf32, #tpu.memory_space<vmem>>, vector<1000x16xf32>,
    return
  }
  func.func @transform_0(%arg0: i32) -> (i32, i32) {
    %c0_i32 = arith.constant 0 : i32
    %c0_i32_0 = arith.constant 0 : i32
    return %arg0, %c0_i32 : i32, i32
  }
  func.func @transform_1(%arg0: i32) -> (i32, i32) {
    %c0_i32 = arith.constant 0 : i32
    %c0_i32_0 = arith.constant 0 : i32
    return %arg0, %c0_i32 : i32, i32
  }
  func.func @transform_2(%arg0: i32) -> (i32, i32) {
    %c0_i32 = arith.constant 0 : i32
    %c0_i32_0 = arith.constant 0 : i32
    return %arg0, %c0_i32 : i32, i32
  }
  func.func @transform_3(%arg0: i32) -> (i32, i32) {
    %c0_i32 = arith.constant 0 : i32
    %c0_i32_0 = arith.constant 0 : i32
    return %arg0, %c0_i32 : i32, i32
  }
  func.func @transform_4(%arg0: i32) -> (i32, i32) {
    %c0_i32 = arith.constant 0 : i32
    %c0_i32_0 = arith.constant 0 : i32
    return %arg0, %c0_i32 : i32, i32
  }
  func.func @transform_5(%arg0: i32) -> (i32, i32) {
    %c0_i32 = arith.constant 0 : i32
    %c0_i32_0 = arith.constant 0 : i32
    return %arg0, %c0_i32 : i32, i32
  }
  func.func @transform_6(%arg0: i32) -> (i32, i32) {
    %c0_i32 = arith.constant 0 : i32
    %c0_i32_0 = arith.constant 0 : i32
    return %arg0, %c0_i32 : i32, i32
  }
  func.func @transform_7(%arg0: i32) -> (i32, i32) {
    %c0_i32 = arith.constant 0 : i32
    %c0_i32_0 = arith.constant 0 : i32
    return %arg0, %c0_i32 : i32, i32
  }
  func.func @transform_8(%arg0: i32) -> (i32, i32) {
    %c0_i32 = arith.constant 0 : i32
    %c0_i32_0 = arith.constant 0 : i32
    return %arg0, %c0_i32 : i32, i32
  }
  func.func @transform_9(%arg0: i32) -> (i32, i32) {
    %c0_i32 = arith.constant 0 : i32
    %c0_i32_0 = arith.constant 0 : i32
    %c0_i32_1 = arith.constant 0 : i32
    return %c0_i32, %c0_i32_0 : i32, i32
  }
  func.func @transform_10(%arg0: i32) -> (i32, i32) {
    %c0_i32 = arith.constant 0 : i32
    %c0_i32_0 = arith.constant 0 : i32
    %c0_i32_1 = arith.constant 0 : i32
    return %c0_i32, %c0_i32_0 : i32, i32
  }
  func.func @transform_11(%arg0: i32) -> (i32, i32) {
    %c0_i32 = arith.constant 0 : i32
    %c0_i32_0 = arith.constant 0 : i32
    %c0_i32_1 = arith.constant 0 : i32
    return %c0_i32, %c0_i32_0 : i32, i32
  }
  func.func @transform_12(%arg0: i32) -> (i32, i32) {
    %c0_i32 = arith.constant 0 : i32
    %c0_i32_0 = arith.constant 0 : i32
    return %arg0, %c0_i32 : i32, i32
  }
}

</mosaic_0001>

<sc_bundles>
// kernel: kernel.10.cloned.1.call-start
scs
__scs_entry_jumppad:
0x0: {  	(pc) =	sbr.rel $0x88, $3  }
0x1: {  	(tag) =	ssettag $0x0;
	lr =	simm.s32 $0x1  }
0x2: {  	[smem:$0x3F92] =	sst lr;
	_ =	strace $0xD0000000  }
0x3: {  	_ = 	snop  }
0x4: {  	_ = 	snop  }
0x5: {  	_ = 	snop  }
0x6: {  	_ = 	snop  }
0x7: {  	_ = 	snop  }
__scs_overlays_trampoline_lowered:
0x8: {  	[smem:$0x3FA1] =	sst s0  }
0x9: {  	[smem:$0x3FA2] =	sst s1  }
0xa: {  	[smem:$0x3FA3] =	sst s2  }
0xb: {  	[smem:$0x3FA4] =	sst s3  }
0xc: {  	[smem:$0x3FA5] =	sst s4  }
0xd: {  	[smem:$0x3FA6] =	sst s5  }
0xe: {  	[smem:$0x3FA7] =	sst s6  }
0xf: {  	[smem:$0x3FA8] =	sst s7  }
0x10: {  	[smem:$0x3FA9] =	sst s8  }
0x11: {  	[smem:$0x3FAA] =	sst s9;
	s0 =	simm.s32 @!p0 $0x0  }
0x12: {  	s1 =	sld [smem:$0x3F90];
	s0 =	simm.s32 @p0 $0x1  }
0x13: {  	[smem:$0x3FAB] =	sst s0;
	s0 =	simm.s32 @!p1 $0x0  }
0x14: {  	s2 =	sld [smem:$0x3F8F];
	s0 =	simm.s32 @p1 $0x1  }
0x15: {  	[smem:$0x3FAC] =	sst s0;
	s0 =	simm.s32 @!p2 $0x0  }
0x16: {  	s3 =	sld [smem:$0x3FDB];
	s0 =	simm.s32 @p2 $0x1  }
0x17: {  	s4 =	simm.s32 $0x1BF5;
	[smem:$0x3FAE] =	sst s0  }
0x18: {  	s0 =	sld [smem:$0x3F91];
	_ =	swait.ge [sflag:s4], $0x0  }
0x19: {  	s7 =	sld [smem:$0x3F92]  }
0x1a: {  	s8 =	sadd.s32 $0xFFFFE003, lr  }
0x1b: {  	s9 =	sadd.s32 $0xFFFFFEF7, lr;
	s5 =	simm.s32 $0xFFFFFFFF;
	p2 =	slt.u32 s8, $0xFFFFF086  }
0x1c: {  	p1 =	slt.u32 s9, $0xF7A;
	s5 =	simm.s32 @!p2 $0x0  }
0x1d: {  	s5 =	simm.s32 @p1 $0x1;
	p0 =	seq.s32 s7, s2  }
0x1e: {  	s7 =	smul.u32 @!p0 $0xF7A, s2;
	p2 =	seq.s32 @!p0 s5, $0x0  }
0x1f: {  	s9 =	smul.u32 $0xF7A, s1;
	s8 =	simm.s32 @!p0 $0x1BF5;
	p2 =	por !p2, p0  }
0x20: {  	[sflag:s8] =	ssyncset.s32 @!p0 $0xFFFFF086;
	s6 =	sadd.s32 @!p0 s3, s7;
	s7 =	simm.s32 @!p0 $0x108  }
0x21: {  	s3 =	sadd.s32 s3, s9;
	s6 =	sadd.s32 @!p0 $0x88, s6;
	s7 =	simm.s32 @p2 $0x1082  }
0x22: {  	[simem:s7], [sflag:s8] =	dma.local @!p0 [hbm:s6], $0xF7A  }
0x23: {  	s9 =	sor.u32 $0xD0000000, s2;
	s6 =	simm.s32 $0x108;
	_ =	swait.ge @!p0 [sflag:s8], $0x0  }
0x24: {  	s3 =	sadd.s32 $0x88, s3;
	s6 =	simm.s32 @!p1 $0x1082;
	[sflag:s4] =	ssyncset.s32 $0xFFFFF086  }
0x25: {  	[simem:s6], [sflag:s4] =	dma.local [hbm:s3], $0xF7A  }
0x26: {  	[smem:$0x3F92] =	sst s1;
	(tag) =	ssettag s2;
	_ =	strace s9  }
0x27: {  	s1 =	sld [smem:$0x3FA2]  }
0x28: {  	s2 =	sld [smem:$0x3FA3]  }
0x29: {  	s4 =	sld [smem:$0x3FA5]  }
0x2a: {  	p0 =	seq.s32 s5, $0x0;
	s5 =	sld [smem:$0x3FA6]  }
0x2b: {  	s6 =	sld [smem:$0x3FA7]  }
0x2c: {  	s7 =	sld [smem:$0x3FA8]  }
0x2d: {  	s3 =	simm.s32 $0x108;
	s8 =	sld [smem:$0x3FA9]  }
0x2e: {  	s3 =	simm.s32 @!p0 $0x1082;
	s9 =	sld [smem:$0x3FAA]  }
0x2f: {  	lr =	sadd.s32 s0, s3;
	s0 =	sld [smem:$0x3FA1]  }
0x30: {  	s3 =	sld [smem:$0x3FA4]  }
0x31: {  	[smem:$0x3FAD] =	sst s10  }
0x32: {  	s10 =	sld [smem:$0x3FAB];
	_ =	sdelay $0x3  }
0x33: {  	p0 =	seq.s32 s10, $0x1;
	s10 =	sld [smem:$0x3FAD];
	_ =	sdelay $0x3  }
0x34: {  	[smem:$0x3FAD] =	sst s10  }
0x35: {  	s10 =	sld [smem:$0x3FAC];
	_ =	sdelay $0x3  }
0x36: {  	p1 =	seq.s32 s10, $0x1;
	s10 =	sld [smem:$0x3FAD];
	_ =	sdelay $0x3  }
0x37: {  	[smem:$0x3FAD] =	sst s10  }
0x38: {  	s10 =	sld [smem:$0x3FAE]  }
0x39: {  	_ = 	snop;
	(pc) =	sbr.ind lr, $3  }
0x3a: {  	_ = 	snop  }
0x3b: {  	_ = 	snop  }
0x3c: {  	p2 =	seq.s32 s10, $0x1;
	s10 =	sld [smem:$0x3FAD]  }
0x3d: {  	_ =	shalt  }
0x3e: {  	_ =	shalt  }
0x3f: {  	_ =	shalt  }
0x40: {  	_ =	shalt  }
0x41: {  	_ =	shalt  }
0x42: {  	_ =	shalt  }
0x43: {  	_ =	shalt  }
0x44: {  	_ =	shalt  }
0x45: {  	_ =	shalt  }
0x46: {  	_ =	shalt  }
0x47: {  	_ =	shalt  }
0x48: {  	_ =	shalt  }
0x49: {  	_ =	shalt  }
0x4a: {  	_ =	shalt  }
0x4b: {  	_ =	shalt  }
0x4c: {  	_ =	shalt  }
0x4d: {  	_ =	shalt  }
0x4e: {  	_ =	shalt  }
0x4f: {  	_ =	shalt  }
0x50: {  	_ =	shalt  }
0x51: {  	_ =	shalt  }
0x52: {  	_ =	shalt  }
0x53: {  	_ =	shalt  }
0x54: {  	_ =	shalt  }
0x55: {  	_ =	shalt  }
0x56: {  	_ =	shalt  }
0x57: {  	_ =	shalt  }
0x58: {  	_ =	shalt  }
0x59: {  	_ =	shalt  }
0x5a: {  	_ =	shalt  }
0x5b: {  	_ =	shalt  }
0x5c: {  	_ =	shalt  }
0x5d: {  	_ =	shalt  }
0x5e: {  	_ =	shalt  }
0x5f: {  	_ =	shalt  }
0x60: {  	_ =	shalt  }
0x61: {  	_ =	shalt  }
0x62: {  	_ =	shalt  }
0x63: {  	_ =	shalt  }
0x64: {  	_ =	shalt  }
0x65: {  	_ =	shalt  }
0x66: {  	_ =	shalt  }
0x67: {  	_ =	shalt  }
0x68: {  	_ =	shalt  }
0x69: {  	_ =	shalt  }
0x6a: {  	_ =	shalt  }
0x6b: {  	_ =	shalt  }
0x6c: {  	_ =	shalt  }
0x6d: {  	_ =	shalt  }
0x6e: {  	_ =	shalt  }
0x6f: {  	_ =	shalt  }
0x70: {  	_ =	shalt  }
0x71: {  	_ =	shalt  }
0x72: {  	_ =	shalt  }
0x73: {  	_ =	shalt  }
0x74: {  	_ =	shalt  }
0x75: {  	_ =	shalt  }
0x76: {  	_ =	shalt  }
0x77: {  	_ =	shalt  }
0x78: {  	_ =	shalt  }
0x79: {  	_ =	shalt  }
0x7a: {  	_ =	shalt  }
0x7b: {  	_ =	shalt  }
0x7c: {  	_ =	shalt  }
0x7d: {  	_ =	shalt  }
0x7e: {  	_ =	shalt  }
0x7f: {  	_ =	shalt  }
0x80: {  	_ =	shalt  }
0x81: {  	_ =	shalt  }
0x82: {  	_ =	shalt  }
0x83: {  	_ =	shalt  }
0x84: {  	_ =	shalt  }
0x85: {  	_ =	shalt  }
0x86: {  	_ =	shalt  }
0x87: {  	_ =	shalt  }
.Lfunc_end0:
.L_simem_size_0:
called_computation.1_lowered:
.L_overlay_start_0:
0x88: {  	s2 =	sld [smem:$0x3FD9]  }
0x89: {  	s3 =	sld [smem:$0x3FFE];
	_ =	sdelay $0x1  }
0x8a: {  	s1 =	srdreg.scid  }
0x8b: {  	s0 =	sand.u32 $0x1, s1  }
0x8c: {  	s17 =	sshll.u32 s0, $0xA;
	s2 =	sadd.s32 s3, s2  }
0x8d: {  	s2 =	sadd.s32 s2, s17  }
0x8e: {  	[smem:$0x3FB9] =	sst s2  }
0x8f: {  	_ = 	snop  }
0x90: {  	s2 =	sld [smem:$0x3FD0];
	(tm) =	ssettm $0x1  }
0x91: {  	s18 =	sld [smem:$0x3FFB];
	_ =	sdelay $0x3  }
0x92: {  	_ =	strace s18  }
0x93: {  	s3 =	sld [smem:$0x3FFC];
	_ =	sdelay $0x3  }
0x94: {  	_ =	strace s3  }
0x95: {  	s3 =	sld [smem:$0x3FFD];
	_ =	sdelay $0x3  }
0x96: {  	_ =	strace s3  }
0x97: {  	_ =	strace $0x8FFFFFFF  }
0x98: {  	s19 =	sld [smem:$0x3FDB];
	_ =	sdelay $0x1  }
0x99: {  	s4 =	simm.s32 $_scs_section_size  }
0x9a: {  	s5 =	simm.s32 $_size__tile_overlayer_lowered;
	s6 =	simm.s32 $_tile_overlayer_lowered  }
0x9b: {  	s22 =	simm.s32 $0x1BFF;
	s21 =	sshll.u32 s6, $0x1;
	s3 =	sadd.s32 s4, s19  }
0x9c: {  	s7 =	simm.s32 $0x0;
	s20 =	sshll.u32 s5, $0x1;
	s5 =	sadd.s32 s21, s3  }
0x9d: {  	[timem:s7], [sflag:s22] =	dma.local [hbm:s5], s20  }
0x9e: {  	_ =	swait.ge [sflag:s22], s20  }
0x9f: {  	s4 =	ssub.s32 $0x0, s20;
	[sflag:s22] =	ssyncset.done $0x0  }
0xa0: {  	[sflag:s22] =	ssyncadd.s32 s4;
	_ =	sdelay $0x1  }
0xa1: {  	s23 =	simm.s32 $0x1B8B  }
0xa2: {  	_ =	swait.ge [sflag:s23], $0x1  }
0xa3: {  	[sflag:s23] =	ssyncset.done $0x0  }
0xa4: {  	s25 =	simm.s32 $0x1B8E;
	s24 =	sld [smem:$0x3FFE];
	[sflag:s23] =	ssyncadd.s32 $0xFFFFFFFF  }
0xa5: {  	s26 =	simm.s32 $execute0_lowered;
	[smem:$0x3FD2] =	sst s25  }
0xa6: {  	s5 =	sshll.u32 s26, $0x1;
	_ =	strace $0x80000049;
	[dreg:$0x1] =	wrdreg $0xFFFFFFFF  }
0xa7: {  	s28 =	simm.s32 $_size_execute0_lowered;
	s3 =	sadd.s32 s3, s5;
	[dreg:$0x0] =	wrdreg $0x0  }
0xa8: {  	s5 =	sshll.u32 s28, $0x1;
	[dreg:$0x2] =	wrdreg s3  }
0xa9: {  	[dreg:$0x3] =	wrdreg s5  }
0xaa: {  	[dreg:$0x4] =	wrdreg $0xC0  }
0xab: {  	_ =	task [dreg:s7], $0x5FFFF  }
0xac: {  	[dreg:$0x1] =	wrdreg $0xFFFFFFFF  }
0xad: {  	[dreg:$0x0] =	wrdreg $0x60  }
0xae: {  	[dreg:$0x2] =	wrdreg s24  }
0xaf: {  	[dreg:$0x3] =	wrdreg s2  }
0xb0: {  	[dreg:$0x4] =	wrdreg $0x12C000  }
0xb1: {  	[dreg:$0x5] =	wrdreg $0x9  }
0xb2: {  	_ =	task.clear_ibuf [dreg:s7], $0x6FFFF;
	_ =	strace $0x90000049  }
0xb3: {  	s29 =	simm.s32 $0x9;
	_ =	strace $0x8000004B  }
0xb4: {  	_ =	swait.ge [sflag:s29], $0x1  }
0xb5: {  	[sflag:s29] =	ssyncadd.s32 $0xFFFFFFFF  }
0xb6: {  	_ =	strace $0x9000004B  }
0xb7: {  	_ =	sfence  }
0xb8: {  	s30 =	sld [smem:$0x0];
	_ =	sdelay $0x2  }
0xb9: {  	s31 =	sshll.u32 s1, $0xD;
	s1 =	sshrl.u32 s1, $0x2  }
0xba: {  	s3 =	sand.u32 $0x4000, s31;
	s1 =	sadd.s32 s1, s30  }
0xbb: {  	s0 =	sor.u32 s3, s0;
	s1 =	sshll.u32 s1, $0x11  }
0xbc: {  	s0 =	sor.u32 s1, s0  }
0xbd: {  	s0 =	sadd.s32 $0x8F2B, s0  }
0xbe: {  	[sflag:s0] =	ssyncadd.remote.s32 $0x1  }
0xbf: {  	_ =	sfence.sel $0xFFFF  }
0xc0: {  	[dreg:$0x0] =	wrdreg $0xFFFFFFFF;
	(pc) =	sbr.abs _section_cstart, $3  }
0xc1: {  	[dreg:$0x1] =	wrdreg $0xFFFFFFFF  }
0xc2: {  	_ =	task.clear_ibuf [dreg:s7], $0x2FFFF;
	_ =	strace $0x9FFFFFFF  }
0xc3: {  	(tm) =	ssettm $0x7FFFFFFF  }
tec
execute0_lowered:
.L_overlay_start_1:
0x0: {  	(tag) =	ssettag $0x1  }
0x1: {  	s0 =	rddreg [dreg:$0x0]  }
0x2: {  	s1 =	rddreg [dreg:$0x1]  }
0x3: {  	s2 =	rddreg [dreg:$0x2]  }
0x4: {  	s3 =	simm.s32 $0x0;
	s4 =	srdreg.scid;
	s17 =	simm.s32 $0x1  }
0x5: {  	s18 =	simm.s32 $0xF00;
	s19 =	simm.s32 $0x2D00;
	s20 =	simm.s32 $0x1E00  }
0x6: {  	s21 =	simm.s32 $0x3C00;
	[smem:$0x7FF] =	sst s3;
	s5 =	sadd.s32 $0x9E400, s0  }
0x7: {  	s11 =	sand.u32 $0x1, s4;
	s6 =	sadd.s32 $0x1600, s0;
	s7 =	sadd.s32 $0xEF800, s0  }
0x8: {  	s4 =	stileid.u32;
	s8 =	sadd.s32 $0x155600, s0;
	s9 =	sadd.s32 $0x218C00, s0  }
0x9: {  	_ =	strace $0x8000004A;
	s10 =	ssub.s32 $0x2, s11;
	s13 =	smul.u32 $0x30E00, s4  }
0xa: {  	s31 =	sshll.u32 s4, $0x6;
	s14 =	smul.u32 $0x1E00, s4;
	s12 =	sshrl.u32 s10, $0x1  }
0xb: {  	s30 =	ssub.s32 s10, s12;
	s10 =	sshll.u32 s11, $0x1;
	s13 =	sshrl.u32 s13, $0x2  }
0xc: {  	s11 =	sshll.u32 s11, $0x2;
	s12 =	smul.u32 $0xC38, s4;
	s16 =	sadd.s32 s13, s2  }
0xd: {  	s13 =	sor.u32 $0x1C01, s31;
	s15 =	smax.u32 s30, $0x1;
	s16 =	sshrl.u32 s16, $0x3  }
.LBB2_1:
0xe: {  	s22 =	simm.s32 $0x0  }
.LBB2_2:
0xf: {  	[spmem:s16], [sflag:s13] =	dma.local [hbm:s1], $0x1870  }
0x10: {  	s0 =	sshrl.u32 s22, $0x1;
	_ =	swait.ge [sflag:s17], $0x1870  }
0x11: {  	s23 =	sadd.s32 s10, s0;
	[sflag:s17] =	ssyncset.done $0x0  }
0x12: {  	s31 =	sand.u32 $0x1, s22;
	s24 =	sshll.u32 s23, $0x1;
	[sflag:s17] =	ssyncadd.s32 $0xFFFFE790  }
0x13: {  	s25 =	simm.s32 $0x0;
	s24 =	sor.u32 s31, s24;
	[bflag:$0x0] =	sbarrier.arrive $0xFFFF  }
.LBB2_3:
0x14: {  	s0 =	sshll.u32 s25, $0x2;
	s28 =	smul.u32 $0x13880, s25  }
0x15: {  	s29 =	smul.u32 $0x1E000, s25;
	s0 =	sadd.s32 s23, s0  }
0x16: {  	s0 =	smul.u32 $0x1E000, s0  }
0x17: {  	p1 =	por $0x1, $0x1;
	s31 =	sadd.s32 s24, s28  }
0x18: {  	s28 =	sadd.s32 s29, s14;
	v0 =	vmov s31;
	s26 =	sadd.s32 s0, s14;
	s0 =	simm.s32 $0x0  }
.LBB2_4:
0x19: {  	s29 =	sadd.s32 s28, s0  }
0x1a: {  	s29 =	sshrl.u32 s29, $0x3  }
0x1b: {  	s31 =	simm.s32 $0x0;
	s0 =	sadd.s32 s26, s0;
	s30 =	sadd.s32 s5, s29  }
0x1c: {  	[tilespmem:s31], [sflag:$0x1] =	stream.linear.gather [hbm4b:s30+s31], $0xF00, $0x38;
	[tilespmem:$0x1EF80] =	vst v63  }
0x1d: {  	s0 =	sshrl.u32 s0, $0x3;
	s29 =	sadd.s32 s6, s29  }
0x1e: {  	[tilespmem:s18], [sflag:$0x1] =	stream.linear.gather [hbm4b:s29+s31], $0xF00, $0x38;
	[tilespmem:$0x1EF80] =	vst v63  }
0x1f: {  	s0 =	sadd.s32 s7, s0  }
0x20: {  	[tilespmem:s19], [sflag:$0x1] =	stream.linear.gather [hbm4b:s0+s31], $0xF00, $0x38;
	[tilespmem:$0x1EF80] =	vst v63  }
0x21: {  	_ =	swait.ge [sflag:s17], $0xF00  }
0x22: {  	[sflag:s17] =	ssyncset.done $0x0  }
0x23: {  	[sflag:s17] =	ssyncadd.s32 $0xFFFFF100  }
0x24: {  	_ =	swait.ge [sflag:s17], $0xF00  }
0x25: {  	[sflag:s17] =	ssyncset.done $0x0  }
0x26: {  	[sflag:s17] =	ssyncadd.s32 $0xFFFFF100  }
0x27: {  	_ =	swait.ge [sflag:s17], $0xF00  }
0x28: {  	[sflag:s17] =	ssyncset.done $0x0  }
0x29: {  	s29 =	simm.s32 $0x0;
	[sflag:s17] =	ssyncadd.s32 $0xFFFFF100  }
0x2a: {  	v1 =	vld [tilespmem:s29+$0x0]  }
0x2b: {  	p0 =	por p1, p1;
	s30 =	simm.s32 $0x40  }
.LBB2_5:
0x2c: {  	p1 =	sne.s32 s30, $0x3BC0  }
.Ltmp0:
0x2d: {  	_ = 	snop;
	(pc) =	sbr.rel @p1 .LBB2_5-.Ltmp0, $4  }
0x2e: {  	_ = 	snop  }
0x2f: {  	s0 =	sshra.s32 s30, $0x2;
	s30 =	sadd.s32 $0x40, s30;
	v2 =	vshll.u32 v1, $0x3  }
0x30: {  	v1 =	vld [tilespmem:s0+$0x0];
	v2 =	vadd.s32 v0, v2  }
0x31: {  	[tilespmem:s29+$0x1E00] =	vst v2;
	s29 =	smov.u32 s0  }
0x32: {  	_ =	sdelay $0x2  }
0x33: {  	v1 =	vshll.u32 v1, $0x3  }
0x34: {  	v1 =	vadd.s32 v0, v1  }
0x35: {  	[tilespmem:s29+$0x1E00] =	vst v1  }
0x36: {  	[tilespmem:s21], [sflag:$0x1] =	stream.indirect.gather [hbm4b:s8+s18], $0x10, s20, s18, $0xb8;
	[tilespmem:$0x1EF80] =	vst v63  }
0x37: {  	_ =	swait.ge [sflag:s17], $0xF000  }
0x38: {  	[sflag:s17] =	ssyncset.done $0x0  }
0x39: {  	s29 =	simm.s32 $0x3C80;
	[sflag:s17] =	ssyncadd.s32 $0xFFFF1000  }
0x3a: {  	s0 =	simm.s32 $0x0;
	s31 =	simm.s32 $0x40;
	s30 =	simm.s32 $0x3C80;
	v1 =	vld [tilespmem:s29+$0xFFFFFFB0]  }
.LBB2_7:
0x3b: {  	p1 =	sne.s32 s31, $0x3BC0;
	v2 =	vld [tilespmem:s0+$0x2D00]  }
0x3c: {  	v3 =	vld [tilespmem:s29+$0xFFFFFF90]  }
0x3d: {  	v4 =	vld [tilespmem:s29+$0xFFFFFF80]  }
0x3e: {  	v5 =	vld [tilespmem:s29+$0xFFFFFFA0]  }
0x3f: {  	v6 =	vld [tilespmem:s29+$0xFFFFFFF0]  }
0x40: {  	v7 =	vbroadcast v2, $0x0;
	v8 =	vbroadcast v2, $0x1;
	v9 =	vld [tilespmem:s29+$0xFFFFFFD0]  }
0x41: {  	v10 =	vbroadcast v2, $0x2;
	v11 =	vbroadcast v2, $0x3;
	v12 =	vld [tilespmem:s29+$0xFFFFFFC0]  }
0x42: {  	v4 =	vmul.f32 v7, v4;
	v3 =	vmul.f32 v3, v8;
	v7 =	vld [tilespmem:s29+$0xFFFFFFE0]  }
0x43: {  	v1 =	vmul.f32 v1, v11;
	v5 =	vmul.f32 v5, v10;
	v8 =	vld [tilespmem:s29+$0x30]  }
0x44: {  	v10 =	vbroadcast v2, $0x5;
	[tilespmem:s29+$0xFFFFFF80] =	vst v4;
	v4 =	vbroadcast v2, $0x4;
	v11 =	vld [tilespmem:s29+$0x10]  }
0x45: {  	v13 =	vbroadcast v2, $0x7;
	[tilespmem:s29+$0xFFFFFF90] =	vst v3;
	v3 =	vbroadcast v2, $0x6;
	v14 =	vld [tilespmem:s29+$0x0]  }
0x46: {  	[tilespmem:s29+$0xFFFFFFA0] =	vst v5;
	v4 =	vmul.f32 v12, v4;
	v5 =	vmul.f32 v9, v10;
	v9 =	vld [tilespmem:s29+$0x20]  }
0x47: {  	[tilespmem:s29+$0xFFFFFFB0] =	vst v1;
	v1 =	vmul.f32 v7, v3;
	v3 =	vmul.f32 v6, v13;
	v6 =	vld [tilespmem:s29+$0x70]  }
0x48: {  	v7 =	vbroadcast v2, $0x9;
	[tilespmem:s29+$0xFFFFFFC0] =	vst v4;
	v4 =	vbroadcast v2, $0x8;
	v10 =	vld [tilespmem:s29+$0x50]  }
0x49: {  	v12 =	vbroadcast v2, $0xB;
	[tilespmem:s29+$0xFFFFFFD0] =	vst v5;
	v5 =	vbroadcast v2, $0xA;
	v13 =	vld [tilespmem:s29+$0x40]  }
0x4a: {  	[tilespmem:s29+$0xFFFFFFE0] =	vst v1;
	v1 =	vmul.f32 v14, v4;
	v4 =	vmul.f32 v11, v7;
	v7 =	vld [tilespmem:s29+$0x60]  }
0x4b: {  	[tilespmem:s29+$0xFFFFFFF0] =	vst v3;
	v3 =	vmul.f32 v9, v5;
	v5 =	vmul.f32 v8, v12  }
0x4c: {  	v8 =	vbroadcast v2, $0xD;
	[tilespmem:s29+$0x0] =	vst v1;
	v1 =	vbroadcast v2, $0xC  }
0x4d: {  	[tilespmem:s29+$0x10] =	vst v4;
	v4 =	vbroadcast v2, $0xE;
	v2 =	vbroadcast v2, $0xF  }
0x4e: {  	[tilespmem:s29+$0x20] =	vst v3;
	v1 =	vmul.f32 v13, v1;
	v3 =	vmul.f32 v10, v8  }
.Ltmp1:
0x4f: {  	[tilespmem:s29+$0x30] =	vst v5;
	v4 =	vmul.f32 v7, v4;
	v2 =	vmul.f32 v6, v2;
	(pc) =	sbr.rel @p1 .LBB2_7-.Ltmp1, $4  }
0x50: {  	[tilespmem:s29+$0x40] =	vst v1  }
0x51: {  	[tilespmem:s29+$0x50] =	vst v3  }
0x52: {  	s29 =	sadd.s32 $0x100, s29;
	[tilespmem:s30+$0x60] =	vst v4  }
0x53: {  	s0 =	sshra.s32 s31, $0x2;
	s31 =	sadd.s32 $0x40, s31;
	v1 =	vld [tilespmem:s29+$0xFFFFFFB0];
	[tilespmem:s30+$0x70] =	vst v2;
	s30 =	smov.u32 s29  }
0x54: {  	v2 =	vld [tilespmem:s0+$0x2D00];
	_ =	sdelay $0x1  }
0x55: {  	v3 =	vld [tilespmem:s29+$0xFFFFFF80]  }
0x56: {  	v4 =	vld [tilespmem:s29+$0xFFFFFF90]  }
0x57: {  	v5 =	vld [tilespmem:s29+$0xFFFFFFA0]  }
0x58: {  	v6 =	vbroadcast v2, $0x0  }
0x59: {  	v9 =	vld [tilespmem:s29+$0xFFFFFFD0];
	v7 =	vbroadcast v2, $0x1  }
0x5a: {  	v8 =	vld [tilespmem:s29+$0xFFFFFFC0];
	v10 =	vbroadcast v2, $0x2;
	v3 =	vmul.f32 v6, v3  }
0x5b: {  	v48 =	vld [tilespmem:s29+$0xFFFFFFE0];
	v47 =	vbroadcast v2, $0x3;
	v4 =	vmul.f32 v4, v7  }
0x5c: {  	v51 =	vld [tilespmem:s29+$0x10];
	v49 =	vbroadcast v2, $0x5;
	v5 =	vmul.f32 v5, v10;
	[tilespmem:s29+$0xFFFFFF80] =	vst v3  }
0x5d: {  	v11 =	vld [tilespmem:s29+$0xFFFFFFF0];
	v1 =	vmul.f32 v1, v47;
	v3 =	vbroadcast v2, $0x4;
	[tilespmem:s29+$0xFFFFFF90] =	vst v4  }
0x5e: {  	v50 =	vld [tilespmem:s29+$0x0];
	v12 =	vbroadcast v2, $0x6;
	v6 =	vmul.f32 v9, v49;
	[tilespmem:s29+$0xFFFFFFA0] =	vst v5  }
0x5f: {  	v56 =	vld [tilespmem:s29+$0x50];
	v54 =	vbroadcast v2, $0x9;
	[tilespmem:s29+$0xFFFFFFB0] =	vst v1;
	v3 =	vmul.f32 v8, v3  }
0x60: {  	v53 =	vld [tilespmem:s29+$0x20];
	v52 =	vbroadcast v2, $0x7;
	v7 =	vmul.f32 v48, v12;
	[tilespmem:s29+$0xFFFFFFD0] =	vst v6  }
0x61: {  	v59 =	vmul.f32 v51, v54;
	v1 =	vld [tilespmem:s29+$0x30];
	[tilespmem:s29+$0xFFFFFFC0] =	vst v3;
	v3 =	vbroadcast v2, $0x8  }
0x62: {  	v55 =	vld [tilespmem:s29+$0x40];
	v62 =	vbroadcast v2, $0xD;
	v5 =	vmul.f32 v11, v52;
	[tilespmem:s29+$0xFFFFFFE0] =	vst v7  }
0x63: {  	v60 =	vld [tilespmem:s29+$0x60];
	v57 =	vbroadcast v2, $0xA;
	[tilespmem:s29+$0x10] =	vst v59;
	v3 =	vmul.f32 v50, v3  }
0x64: {  	v61 =	vld [tilespmem:s29+$0x70];
	v58 =	vbroadcast v2, $0xB;
	v4 =	vmul.f32 v56, v62;
	[tilespmem:s29+$0xFFFFFFF0] =	vst v5  }
0x65: {  	v8 =	vmul.f32 v53, v57;
	[tilespmem:s29+$0x0] =	vst v3;
	v3 =	vbroadcast v2, $0xC  }
0x66: {  	v63 =	vbroadcast v2, $0xE;
	[tilespmem:s29+$0x50] =	vst v4;
	v1 =	vmul.f32 v1, v58  }
0x67: {  	[tilespmem:s29+$0x20] =	vst v8;
	v2 =	vbroadcast v2, $0xF;
	v3 =	vmul.f32 v55, v3  }
0x68: {  	[tilespmem:s29+$0x30] =	vst v1;
	v1 =	vmul.f32 v60, v63  }
0x69: {  	v2 =	vmul.f32 v61, v2;
	[tilespmem:s29+$0x40] =	vst v3  }
0x6a: {  	[tilespmem:s30+$0x60] =	vst v1  }
.Ltmp2:
0x6b: {  	s0 =	simm.s32 $0xF00;
	[tilespmem:s30+$0x70] =	vst v2;
	(pc) =	sbr.rel @p0 .LBB2_4-.Ltmp2, $4  }
0x6c: {  	[spmem:s2] =	stream.indirect.scatter.add.f32 [tilespmem:s21], [sflag:$0x1], $0x10, s0, s0, $0xb8;
	[tilespmem:$0x1EF80] =	vst v63  }
0x6d: {  	_ =	swait.ge [sflag:s17], $0xF000  }
0x6e: {  	[sflag:s17] =	ssyncset.done $0x0  }
0x6f: {  	p1 =	por $0x0, $0x0;
	[sflag:s17] =	ssyncadd.s32 $0xFFFF1000  }
0x70: {  	s25 =	sadd.s32 $0x1, s25  }
0x71: {  	p0 =	sne.s32 s25, $0x5  }
.Ltmp3:
0x72: {  	_ = 	snop;
	(pc) =	sbr.rel @p0 .LBB2_3-.Ltmp3, $1  }
0x73: {  	_ =	sdelay $0x3  }
0x74: {  	s0 =	sadd.s32 s11, s22  }
0x75: {  	s0 =	smul.u32 $0xC380, s0;
	_ =	sdelay $0x1  }
0x76: {  	s0 =	sadd.s32 s12, s0  }
0x77: {  	s22 =	sadd.s32 $0x1, s22;
	s0 =	sshll.u32 s0, $0x1  }
0x78: {  	[bflag:$0x0] =	sbarrier.arrive $0xFFFF;
	p0 =	sne.s32 s22, $0x4;
	s0 =	sadd.s32 s9, s0  }
0x79: {  	[hbm:s0], [sflag:s13] =	dma.local [spmem:s16], $0x1870  }
.Ltmp4:
0x7a: {  	_ =	swait.ge [sflag:s17], $0x1870;
	(pc) =	sbr.rel @p0 .LBB2_2-.Ltmp4, $3  }
0x7b: {  	[sflag:s17] =	ssyncset.done $0x0  }
0x7c: {  	[sflag:s17] =	ssyncadd.s32 $0xFFFFE790  }
0x7d: {  	[bflag:$0x0] =	sbarrier.arrive $0xFFFF;
	_ =	sdelay $0x1  }
0x7e: {  	s3 =	sadd.s32 $0x1, s3  }
0x7f: {  	p0 =	sne.s32 s3, s15  }
.Ltmp5:
0x80: {  	_ = 	snop;
	(pc) =	sbr.rel @p0 .LBB2_1-.Ltmp5, $1  }
0x81: {  	_ =	sdelay $0x3  }
0x82: {  	_ =	sfence.sel $0x180000  }
0x83: {  	[bflag:$0x0] =	sbarrier.arrive $0xFFFF  }
0x84: {  	_ =	strace $0x9000004A  }
0x85: {  	[bflag:$0x2] =	sbarrier.arrive $0xFFFF  }
0x86: {  	p0 =	sne.s32 s4, $0x0;
	s0 =	rddreg [dreg:$0x3]  }
0x87: {  	s0 =	sadd.s32 @!p0 $0x100000, s0  }
0x88: {  	[sflag:s0] =	ssyncadd.tile.s32 @!p0 $0x1;
	_ =	shalt  }
.Lfunc_end2:
_tile_overlayer_lowered:
.L_overlay_start_2:
0x89: {  	(tag) =	ssettag $0x2  }
0x8a: {  	s0 =	rddreg [dreg:$0x0];
	s2 =	stileid.u32  }
0x8b: {  	s1 =	rddreg [dreg:$0x1];
	p0 =	sne.s32 s2, $0x0  }
0x8c: {  	s3 =	rddreg [dreg:$0x2];
	[bflag:$0x3] =	sbarrier.arrive $0xFFFF;
	s2 =	simm.s32 @!p0 $0x1C01  }
0x8d: {  	[timem:s3], [sflag:s2] =	dma.local @!p0 [hbm:s0], s1  }
0x8e: {  	s0 =	simm.s32 @!p0 $0x1  }
0x8f: {  	_ =	swait.ge @!p0 [sflag:s0], s1  }
0x90: {  	s1 =	ssub.s32 @!p0 $0x0, s1;
	[sflag:s0] =	ssyncset.done @!p0 $0x0  }
0x91: {  	[sflag:s0] =	ssyncadd.s32 @!p0 s1  }
0x92: {  	[bflag:$0x3] =	sbarrier.arrive $0xFFFF  }
0x93: {  	_ =	shalt  }

// kernel: kernel.7.cloned.1.call-start
scs
__scs_entry_jumppad:
0x0: {  	(pc) =	sbr.rel $0x88, $3  }
0x1: {  	(tag) =	ssettag $0x0;
	lr =	simm.s32 $0x1  }
0x2: {  	[smem:$0x3F92] =	sst lr;
	_ =	strace $0xD0000000  }
0x3: {  	_ = 	snop  }
0x4: {  	_ = 	snop  }
0x5: {  	_ = 	snop  }
0x6: {  	_ = 	snop  }
0x7: {  	_ = 	snop  }
__scs_overlays_trampoline_lowered:
0x8: {  	[smem:$0x3FA1] =	sst s0  }
0x9: {  	[smem:$0x3FA2] =	sst s1  }
0xa: {  	[smem:$0x3FA3] =	sst s2  }
0xb: {  	[smem:$0x3FA4] =	sst s3  }
0xc: {  	[smem:$0x3FA5] =	sst s4  }
0xd: {  	[smem:$0x3FA6] =	sst s5  }
0xe: {  	[smem:$0x3FA7] =	sst s6  }
0xf: {  	[smem:$0x3FA8] =	sst s7  }
0x10: {  	[smem:$0x3FA9] =	sst s8  }
0x11: {  	[smem:$0x3FAA] =	sst s9;
	s0 =	simm.s32 @!p0 $0x0  }
0x12: {  	s1 =	sld [smem:$0x3F90];
	s0 =	simm.s32 @p0 $0x1  }
0x13: {  	[smem:$0x3FAB] =	sst s0;
	s0 =	simm.s32 @!p1 $0x0  }
0x14: {  	s2 =	sld [smem:$0x3F8F];
	s0 =	simm.s32 @p1 $0x1  }
0x15: {  	[smem:$0x3FAC] =	sst s0;
	s0 =	simm.s32 @!p2 $0x0  }
0x16: {  	s3 =	sld [smem:$0x3FDB];
	s0 =	simm.s32 @p2 $0x1  }
0x17: {  	s4 =	simm.s32 $0x1BF5;
	[smem:$0x3FAE] =	sst s0  }
0x18: {  	s0 =	sld [smem:$0x3F91];
	_ =	swait.ge [sflag:s4], $0x0  }
0x19: {  	s7 =	sld [smem:$0x3F92]  }
0x1a: {  	s8 =	sadd.s32 $0xFFFFE003, lr  }
0x1b: {  	s9 =	sadd.s32 $0xFFFFFEF7, lr;
	s5 =	simm.s32 $0xFFFFFFFF;
	p2 =	slt.u32 s8, $0xFFFFF086  }
0x1c: {  	p1 =	slt.u32 s9, $0xF7A;
	s5 =	simm.s32 @!p2 $0x0  }
0x1d: {  	s5 =	simm.s32 @p1 $0x1;
	p0 =	seq.s32 s7, s2  }
0x1e: {  	s7 =	smul.u32 @!p0 $0xF7A, s2;
	p2 =	seq.s32 @!p0 s5, $0x0  }
0x1f: {  	s9 =	smul.u32 $0xF7A, s1;
	s8 =	simm.s32 @!p0 $0x1BF5;
	p2 =	por !p2, p0  }
0x20: {  	[sflag:s8] =	ssyncset.s32 @!p0 $0xFFFFF086;
	s6 =	sadd.s32 @!p0 s3, s7;
	s7 =	simm.s32 @!p0 $0x108  }
0x21: {  	s3 =	sadd.s32 s3, s9;
	s6 =	sadd.s32 @!p0 $0x88, s6;
	s7 =	simm.s32 @p2 $0x1082  }
0x22: {  	[simem:s7], [sflag:s8] =	dma.local @!p0 [hbm:s6], $0xF7A  }
0x23: {  	s9 =	sor.u32 $0xD0000000, s2;
	s6 =	simm.s32 $0x108;
	_ =	swait.ge @!p0 [sflag:s8], $0x0  }
0x24: {  	s3 =	sadd.s32 $0x88, s3;
	s6 =	simm.s32 @!p1 $0x1082;
	[sflag:s4] =	ssyncset.s32 $0xFFFFF086  }
0x25: {  	[simem:s6], [sflag:s4] =	dma.local [hbm:s3], $0xF7A  }
0x26: {  	[smem:$0x3F92] =	sst s1;
	(tag) =	ssettag s2;
	_ =	strace s9  }
0x27: {  	s1 =	sld [smem:$0x3FA2]  }
0x28: {  	s2 =	sld [smem:$0x3FA3]  }
0x29: {  	s4 =	sld [smem:$0x3FA5]  }
0x2a: {  	p0 =	seq.s32 s5, $0x0;
	s5 =	sld [smem:$0x3FA6]  }
0x2b: {  	s6 =	sld [smem:$0x3FA7]  }
0x2c: {  	s7 =	sld [smem:$0x3FA8]  }
0x2d: {  	s3 =	simm.s32 $0x108;
	s8 =	sld [smem:$0x3FA9]  }
0x2e: {  	s3 =	simm.s32 @!p0 $0x1082;
	s9 =	sld [smem:$0x3FAA]  }
0x2f: {  	lr =	sadd.s32 s0, s3;
	s0 =	sld [smem:$0x3FA1]  }
0x30: {  	s3 =	sld [smem:$0x3FA4]  }
0x31: {  	[smem:$0x3FAD] =	sst s10  }
0x32: {  	s10 =	sld [smem:$0x3FAB];
	_ =	sdelay $0x3  }
0x33: {  	p0 =	seq.s32 s10, $0x1;
	s10 =	sld [smem:$0x3FAD];
	_ =	sdelay $0x3  }
0x34: {  	[smem:$0x3FAD] =	sst s10  }
0x35: {  	s10 =	sld [smem:$0x3FAC];
	_ =	sdelay $0x3  }
0x36: {  	p1 =	seq.s32 s10, $0x1;
	s10 =	sld [smem:$0x3FAD];
	_ =	sdelay $0x3  }
0x37: {  	[smem:$0x3FAD] =	sst s10  }
0x38: {  	s10 =	sld [smem:$0x3FAE]  }
0x39: {  	_ = 	snop;
	(pc) =	sbr.ind lr, $3  }
0x3a: {  	_ = 	snop  }
0x3b: {  	_ = 	snop  }
0x3c: {  	p2 =	seq.s32 s10, $0x1;
	s10 =	sld [smem:$0x3FAD]  }
0x3d: {  	_ =	shalt  }
0x3e: {  	_ =	shalt  }
0x3f: {  	_ =	shalt  }
0x40: {  	_ =	shalt  }
0x41: {  	_ =	shalt  }
0x42: {  	_ =	shalt  }
0x43: {  	_ =	shalt  }
0x44: {  	_ =	shalt  }
0x45: {  	_ =	shalt  }
0x46: {  	_ =	shalt  }
0x47: {  	_ =	shalt  }
0x48: {  	_ =	shalt  }
0x49: {  	_ =	shalt  }
0x4a: {  	_ =	shalt  }
0x4b: {  	_ =	shalt  }
0x4c: {  	_ =	shalt  }
0x4d: {  	_ =	shalt  }
0x4e: {  	_ =	shalt  }
0x4f: {  	_ =	shalt  }
0x50: {  	_ =	shalt  }
0x51: {  	_ =	shalt  }
0x52: {  	_ =	shalt  }
0x53: {  	_ =	shalt  }
0x54: {  	_ =	shalt  }
0x55: {  	_ =	shalt  }
0x56: {  	_ =	shalt  }
0x57: {  	_ =	shalt  }
0x58: {  	_ =	shalt  }
0x59: {  	_ =	shalt  }
0x5a: {  	_ =	shalt  }
0x5b: {  	_ =	shalt  }
0x5c: {  	_ =	shalt  }
0x5d: {  	_ =	shalt  }
0x5e: {  	_ =	shalt  }
0x5f: {  	_ =	shalt  }
0x60: {  	_ =	shalt  }
0x61: {  	_ =	shalt  }
0x62: {  	_ =	shalt  }
0x63: {  	_ =	shalt  }
0x64: {  	_ =	shalt  }
0x65: {  	_ =	shalt  }
0x66: {  	_ =	shalt  }
0x67: {  	_ =	shalt  }
0x68: {  	_ =	shalt  }
0x69: {  	_ =	shalt  }
0x6a: {  	_ =	shalt  }
0x6b: {  	_ =	shalt  }
0x6c: {  	_ =	shalt  }
0x6d: {  	_ =	shalt  }
0x6e: {  	_ =	shalt  }
0x6f: {  	_ =	shalt  }
0x70: {  	_ =	shalt  }
0x71: {  	_ =	shalt  }
0x72: {  	_ =	shalt  }
0x73: {  	_ =	shalt  }
0x74: {  	_ =	shalt  }
0x75: {  	_ =	shalt  }
0x76: {  	_ =	shalt  }
0x77: {  	_ =	shalt  }
0x78: {  	_ =	shalt  }
0x79: {  	_ =	shalt  }
0x7a: {  	_ =	shalt  }
0x7b: {  	_ =	shalt  }
0x7c: {  	_ =	shalt  }
0x7d: {  	_ =	shalt  }
0x7e: {  	_ =	shalt  }
0x7f: {  	_ =	shalt  }
0x80: {  	_ =	shalt  }
0x81: {  	_ =	shalt  }
0x82: {  	_ =	shalt  }
0x83: {  	_ =	shalt  }
0x84: {  	_ =	shalt  }
0x85: {  	_ =	shalt  }
0x86: {  	_ =	shalt  }
0x87: {  	_ =	shalt  }
.Lfunc_end0:
.L_simem_size_0:
called_computation_lowered:
.L_overlay_start_0:
0x88: {  	s2 =	sld [smem:$0x3FD9]  }
0x89: {  	s3 =	sld [smem:$0x3FFE];
	_ =	sdelay $0x1  }
0x8a: {  	s1 =	srdreg.scid  }
0x8b: {  	s0 =	sand.u32 $0x1, s1  }
0x8c: {  	s17 =	sshll.u32 s0, $0xA;
	s2 =	sadd.s32 s3, s2  }
0x8d: {  	s2 =	sadd.s32 s2, s17  }
0x8e: {  	[smem:$0x3FB9] =	sst s2  }
0x8f: {  	_ = 	snop  }
0x90: {  	s2 =	sld [smem:$0x3FD0];
	(tm) =	ssettm $0x1  }
0x91: {  	s18 =	sld [smem:$0x3FFB];
	_ =	sdelay $0x3  }
0x92: {  	_ =	strace s18  }
0x93: {  	s3 =	sld [smem:$0x3FFC];
	_ =	sdelay $0x3  }
0x94: {  	_ =	strace s3  }
0x95: {  	s3 =	sld [smem:$0x3FFD];
	_ =	sdelay $0x3  }
0x96: {  	_ =	strace s3  }
0x97: {  	_ =	strace $0x8FFFFFFF  }
0x98: {  	s19 =	sld [smem:$0x3FDB];
	_ =	sdelay $0x1  }
0x99: {  	s4 =	simm.s32 $_scs_section_size  }
0x9a: {  	s5 =	simm.s32 $_size__tile_overlayer_lowered;
	s6 =	simm.s32 $_tile_overlayer_lowered  }
0x9b: {  	s22 =	simm.s32 $0x1BFF;
	s21 =	sshll.u32 s6, $0x1;
	s3 =	sadd.s32 s4, s19  }
0x9c: {  	s7 =	simm.s32 $0x0;
	s20 =	sshll.u32 s5, $0x1;
	s5 =	sadd.s32 s21, s3  }
0x9d: {  	[timem:s7], [sflag:s22] =	dma.local [hbm:s5], s20  }
0x9e: {  	_ =	swait.ge [sflag:s22], s20  }
0x9f: {  	s4 =	ssub.s32 $0x0, s20;
	[sflag:s22] =	ssyncset.done $0x0  }
0xa0: {  	[sflag:s22] =	ssyncadd.s32 s4;
	_ =	sdelay $0x1  }
0xa1: {  	s23 =	simm.s32 $0x1B8B  }
0xa2: {  	_ =	swait.ge [sflag:s23], $0x1  }
0xa3: {  	[sflag:s23] =	ssyncset.done $0x0  }
0xa4: {  	s25 =	simm.s32 $0x1B8E;
	s24 =	sld [smem:$0x3FFE];
	[sflag:s23] =	ssyncadd.s32 $0xFFFFFFFF  }
0xa5: {  	s26 =	simm.s32 $execute0_lowered;
	[smem:$0x3FD2] =	sst s25  }
0xa6: {  	s5 =	sshll.u32 s26, $0x1;
	_ =	strace $0x80000046;
	[dreg:$0x1] =	wrdreg $0xFFFFFFFF  }
0xa7: {  	s28 =	simm.s32 $_size_execute0_lowered;
	s3 =	sadd.s32 s3, s5;
	[dreg:$0x0] =	wrdreg $0x0  }
0xa8: {  	s5 =	sshll.u32 s28, $0x1;
	[dreg:$0x2] =	wrdreg s3  }
0xa9: {  	[dreg:$0x3] =	wrdreg s5  }
0xaa: {  	[dreg:$0x4] =	wrdreg $0xC0  }
0xab: {  	_ =	task [dreg:s7], $0x5FFFF  }
0xac: {  	[dreg:$0x1] =	wrdreg $0xFFFFFFFF  }
0xad: {  	[dreg:$0x0] =	wrdreg $0x60  }
0xae: {  	[dreg:$0x2] =	wrdreg s24  }
0xaf: {  	[dreg:$0x3] =	wrdreg s2  }
0xb0: {  	[dreg:$0x4] =	wrdreg $0x196800  }
0xb1: {  	[dreg:$0x5] =	wrdreg $0x9  }
0xb2: {  	_ =	task.clear_ibuf [dreg:s7], $0x6FFFF;
	_ =	strace $0x90000046  }
0xb3: {  	s29 =	simm.s32 $0x9;
	_ =	strace $0x80000048  }
0xb4: {  	_ =	swait.ge [sflag:s29], $0x1  }
0xb5: {  	[sflag:s29] =	ssyncadd.s32 $0xFFFFFFFF  }
0xb6: {  	_ =	strace $0x90000048  }
0xb7: {  	_ =	sfence  }
0xb8: {  	s30 =	sld [smem:$0x0];
	_ =	sdelay $0x2  }
0xb9: {  	s31 =	sshll.u32 s1, $0xD;
	s1 =	sshrl.u32 s1, $0x2  }
0xba: {  	s3 =	sand.u32 $0x4000, s31;
	s1 =	sadd.s32 s1, s30  }
0xbb: {  	s0 =	sor.u32 s3, s0;
	s1 =	sshll.u32 s1, $0x11  }
0xbc: {  	s0 =	sor.u32 s1, s0  }
0xbd: {  	s0 =	sadd.s32 $0x8F2B, s0  }
0xbe: {  	[sflag:s0] =	ssyncadd.remote.s32 $0x1  }
0xbf: {  	_ =	sfence.sel $0xFFFF  }
0xc0: {  	[dreg:$0x0] =	wrdreg $0xFFFFFFFF;
	(pc) =	sbr.abs _section_cstart, $3  }
0xc1: {  	[dreg:$0x1] =	wrdreg $0xFFFFFFFF  }
0xc2: {  	_ =	task.clear_ibuf [dreg:s7], $0x2FFFF;
	_ =	strace $0x9FFFFFFF  }
0xc3: {  	(tm) =	ssettm $0x7FFFFFFF  }
tec
execute0_lowered:
.L_overlay_start_1:
0x0: {  	(tag) =	ssettag $0x1  }
0x1: {  	s0 =	rddreg [dreg:$0x0]  }
0x2: {  	s1 =	rddreg [dreg:$0x1]  }
0x3: {  	s2 =	rddreg [dreg:$0x2];
	s3 =	simm.s32 $0x0  }
0x4: {  	s6 =	srdreg.scid;
	s13 =	stileid.u32;
	s28 =	simm.s32 $0x13C80  }
0x5: {  	s29 =	simm.s32 $0x13E80;
	s30 =	simm.s32 $0x15E80;
	s31 =	simm.s32 $0x17E80  }
0x6: {  	[smem:$0x7FF] =	sst s3;
	s4 =	sadd.s32 $0x9E400, s0;
	s5 =	sadd.s32 $0x1600, s0  }
0x7: {  	s7 =	sadd.s32 $0x92000, s0;
	s6 =	sand.u32 $0x1, s6;
	s18 =	smul.u32 $0x19000, s13  }
0x8: {  	s8 =	sadd.s32 $0x14200, s0;
	s10 =	sadd.s32 $0xB1000, s0;
	s20 =	smul.u32 $0x1E00, s13  }
0x9: {  	s11 =	sadd.s32 $0xEF800, s0;
	s22 =	smul.u32 $0xC80, s13;
	s25 =	sshll.u32 s13, $0x6  }
0xa: {  	_ =	strace $0x80000047;
	[dreg:$0x4] =	wrdreg s7;
	s7 =	sadd.s32 $0x17E00, s0  }
0xb: {  	[dreg:$0x5] =	wrdreg s8;
	s16 =	ssub.s32 $0x2, s6;
	s12 =	smul.u32 $0x3, s6  }
0xc: {  	s14 =	sshll.u32 s6, $0x1;
	s6 =	simm.s32 $0x19480;
	s9 =	sshrl.u32 s16, $0x1  }
0xd: {  	s8 =	sshrl.u32 s18, $0x2;
	s15 =	sadd.s32 $0x1E000, s20;
	[dreg:$0x7] =	wrdreg s20  }
0xe: {  	s23 =	sadd.s32 $0x3C000, s20;
	s24 =	sadd.s32 s10, s22;
	[dreg:$0x6] =	wrdreg s14  }
0xf: {  	s18 =	simm.s32 $0x19280;
	s17 =	ssub.s32 s16, s9;
	[dreg:$0x9] =	wrdreg s15  }
0x10: {  	s19 =	sadd.s32 $0x2, s12;
	s8 =	sadd.s32 s8, s2;
	[dreg:$0xa] =	wrdreg s23  }
0x11: {  	s12 =	sadd.s32 $0x5A000, s20;
	[dreg:$0xd] =	wrdreg s24;
	s20 =	simm.s32 $0x16E80  }
0x12: {  	s24 =	simm.s32 $0x13880;
	s21 =	ssub.s32 s19, s14;
	[dreg:$0xb] =	wrdreg s12  }
.Ltmp0:
0x13: {  	s0 =	smax.u32 s17, $0x1;
	p0 =	seq.s32 s19, s14;
	(pc) =	sbr.rel .LBB2_1-.Ltmp0, $4  }
0x14: {  	s26 =	sshrl.u32 s8, $0x3;
	s8 =	simm.s32 $0x19080;
	[dreg:$0x8] =	wrdreg s21  }
0x15: {  	s12 =	simm.s32 $0x0;
	[dreg:$0xc] =	wrdreg s0;
	s21 =	simm.s32 $0x1  }
0x16: {  	v0 =	vlaneseq.u32;
	s0 =	sor.u32 $0x1C01, s25;
	[dreg:$0xf] =	wrdreg s26;
	s25 =	simm.s32 $0x13A80  }
0x17: {  	v1 =	vmul.u32 $0x8, v0;
	s26 =	simm.s32 $0x200;
	[dreg:$0xe] =	wrdreg s0;
	s0 =	simm.s32 $0x18E80  }
.LBB2_15:
0x18: {  	s12 =	rddreg [dreg:$0x10]  }
0x19: {  	s9 =	rddreg [dreg:$0xc];
	s12 =	sadd.s32 $0x1, s12  }
0x1a: {  	p1 =	sne.s32 s12, s9  }
.Ltmp1:
0x1b: {  	_ = 	snop;
	(pc) =	sbr.rel @!p1 .LBB2_16-.Ltmp1, $1  }
0x1c: {  	_ =	sdelay $0x3  }
.LBB2_1:
0x1d: {  	[dreg:$0x10] =	wrdreg s12  }
.Ltmp2:
0x1e: {  	s9 =	rddreg [dreg:$0x5];
	(pc) =	sbr.rel @p0 .LBB2_15-.Ltmp2, $4  }
0x1f: {  	[tilespmem:s20], [sflag:$0x1] =	stream.linear.gather [hbm4b:s9+s3], $0x1000, $0x38;
	[tilespmem:$0x1FA80] =	vst v63  }
0x20: {  	_ =	swait.ge [sflag:s21], $0x1000  }
0x21: {  	[sflag:s21] =	ssyncset.done $0x0  }
0x22: {  	s12 =	simm.s32 $0x0;
	[sflag:s21] =	ssyncadd.s32 $0xFFFFF000  }
.LBB2_2:
0x23: {  	s9 =	rddreg [dreg:$0x6]  }
0x24: {  	s15 =	sadd.s32 s9, s12  }
0x25: {  	s9 =	smul.u32 $0x2710, s15  }
0x26: {  	s17 =	rddreg [dreg:$0x4]  }
0x27: {  	[dreg:$0x11] =	wrdreg s12;
	s16 =	simm.s32 $0x0;
	s9 =	sadd.s32 s17, s9  }
0x28: {  	[tilespmem:s16], [sflag:$0x1] =	stream.linear.gather [hbm4b:s9+s16], $0x13880, $0x38;
	[tilespmem:$0x1FA80] =	vst v63  }
0x29: {  	_ =	swait.ge [sflag:s21], $0x13880  }
0x2a: {  	s19 =	rddreg [dreg:$0x5]  }
0x2b: {  	[sflag:s21] =	ssyncset.done $0x0;
	s22 =	rddreg [dreg:$0xe]  }
0x2c: {  	s13 =	rddreg [dreg:$0xf];
	[sflag:s21] =	ssyncadd.s32 $0xFFFEC780  }
0x2d: {  	[spmem:s13], [sflag:s22] =	dma.local [hbm:s19], $0xC80  }
0x2e: {  	_ =	swait.ge [sflag:s21], $0xC80  }
0x2f: {  	[sflag:s21] =	ssyncset.done $0x0  }
0x30: {  	[sflag:s21] =	ssyncadd.s32 $0xFFFFF380  }
0x31: {  	s23 =	smul.u32 $0x1E000, s15;
	[bflag:$0x0] =	sbarrier.arrive $0xFFFF  }
0x32: {  	s13 =	rddreg [dreg:$0x7]  }
0x33: {  	v2 =	vmov s15;
	s19 =	simm.s32 $0x0;
	s14 =	sadd.s32 s23, s13  }
.LBB2_3:
0x34: {  	s9 =	sshll.u32 s19, $0x9  }
0x35: {  	s9 =	sadd.s32 s14, s9  }
0x36: {  	s12 =	sshrl.u32 s9, $0x3  }
0x37: {  	s17 =	sadd.s32 s4, s12  }
0x38: {  	[tilespmem:s24], [sflag:$0x1] =	stream.linear.gather [hbm4b:s17+s16], $0x200, $0x38;
	[tilespmem:$0x1FA80] =	vst v63  }
0x39: {  	s12 =	sadd.s32 s5, s12  }
0x3a: {  	[tilespmem:s25], [sflag:$0x1] =	stream.linear.gather [hbm4b:s12+s16], $0x200, $0x38;
	[tilespmem:$0x1FA80] =	vst v63  }
0x3b: {  	_ =	swait.ge [sflag:s21], $0x200  }
0x3c: {  	[sflag:s21] =	ssyncset.done $0x0  }
0x3d: {  	[sflag:s21] =	ssyncadd.s32 $0xFFFFFE00  }
0x3e: {  	_ =	swait.ge [sflag:s21], $0x200  }
0x3f: {  	[sflag:s21] =	ssyncset.done $0x0  }
0x40: {  	s12 =	simm.s32 $0x0;
	[sflag:s21] =	ssyncadd.s32 $0xFFFFFE00  }
0x41: {  	s17 =	simm.s32 $0x40;
	v3 =	vld [tilespmem:s12+$0x13A80]  }
.LBB2_4:
0x42: {  	_ =	sdelay $0x1  }
0x43: {  	p1 =	sne.s32 s17, $0x7C0  }
.Ltmp3:
0x44: {  	_ = 	snop;
	(pc) =	sbr.rel @p1 .LBB2_4-.Ltmp3, $3  }
0x45: {  	v4 =	vmul.u32 $0x5, v3;
	_ =	sdelay $0x1  }
0x46: {  	s22 =	sshra.s32 s17, $0x2;
	v4 =	vadd.s32 v2, v4  }
0x47: {  	s17 =	sadd.s32 $0x40, s17;
	v3 =	vld [tilespmem:s22+$0x13A80];
	[tilespmem:s12+$0x13C80] =	vst v4;
	s12 =	smov.u32 s22  }
0x48: {  	_ =	sdelay $0x3  }
0x49: {  	v3 =	vmul.u32 $0x5, v3;
	_ =	sdelay $0x1  }
0x4a: {  	v3 =	vadd.s32 v2, v3  }
0x4b: {  	[tilespmem:s12+$0x13C80] =	vst v3  }
0x4c: {  	[tilespmem:s29], [sflag:$0x1] =	stream.indirect.gather [hbm4b:s7+s26], $0x10, s28, s26, $0xb8;
	[tilespmem:$0x1FA80] =	vst v63  }
0x4d: {  	_ =	swait.ge [sflag:s21], $0x2000  }
0x4e: {  	[sflag:s21] =	ssyncset.done $0x0  }
0x4f: {  	s22 =	simm.s32 $0x13880;
	[sflag:s21] =	ssyncadd.s32 $0xFFFFE000  }
0x50: {  	v3 =	vld [tilespmem:s22+$0x0];
	_ =	sdelay $0x1  }
0x51: {  	s17 =	simm.s32 $0x0  }
0x52: {  	v4 =	vor.u32 s17, v0  }
0x53: {  	v5 =	vshll.u32 v4, $0x4  }
0x54: {  	v3 =	vshll.u32 v3, $0x3;
	_ =	sdelay $0x3  }
0x55: {  	v6 =	vld.idx.msk [tilespmem:v5+s29+$0x0], $0xffff  }
0x56: {  	v7 =	vld.idx.msk [tilespmem:v3+s3+$0x0], $0xffff;
	_ =	sdelay $0x4  }
0x57: {  	v6 =	vadd.f32 v6, v7;
	_ =	sdelay $0x1  }
0x58: {  	v7 =	vmul.f32 $2.000000030e-01, v6;
	_ =	sdelay $0x1  }
0x59: {  	v6 =	vmax.f32 v6, v7  }
0x5a: {  	v6 =	vmul.f32 $1.442695020e+00, v6;
	_ =	sdelay $0x1  }
0x5b: {  	(erf) = vpow2.f32 v6;
	_ =	sdelay $0x5  }
0x5c: {  	v4 =	vshll.u32 v4, $0x3;
	_ =	sdelay $0x1  }
0x5d: {  	s23 =	sadd.s32 $0x0, s13;
	v56 =	vor.u32 $0x1, v3  }
0x5e: {  	p2 =	slt.u32 s23, $0x1D4C0;
	v57 =	vor.u32 $0x1, v5;
	v8 =	vpop (erf)  }
0x5f: {  	v8 =	vpsel !p2, $0x0, v8  }
0x60: {  	[tilespmem:v4+s30+$0x0] =	vst.idx.msk $0xffff, v8  }
0x61: {  	[tilespmem:v4+s20+$0x0] =	vst.idx.msk $0xffff, v8  }
0x62: {  	v6 =	vld.idx.msk [tilespmem:v56+s3+$0x0], $0xffff  }
0x63: {  	v7 =	vld.idx.msk [tilespmem:v57+s29+$0x0], $0xffff;
	_ =	sdelay $0x4  }
0x64: {  	v6 =	vadd.f32 v7, v6;
	_ =	sdelay $0x1  }
0x65: {  	v7 =	vmul.f32 $2.000000030e-01, v6;
	_ =	sdelay $0x1  }
0x66: {  	v6 =	vmax.f32 v6, v7  }
0x67: {  	v6 =	vmul.f32 $1.442695020e+00, v6;
	_ =	sdelay $0x1  }
0x68: {  	(erf) = vpow2.f32 v6;
	_ =	sdelay $0x5  }
0x69: {  	v58 =	vor.u32 $0x1, v4;
	_ =	sdelay $0x1  }
0x6a: {  	v59 =	vor.u32 $0x2, v3  }
0x6b: {  	v60 =	vor.u32 $0x2, v5;
	v9 =	vpop (erf)  }
0x6c: {  	v9 =	vpsel !p2, $0x0, v9  }
0x6d: {  	[tilespmem:v58+s30+$0x0] =	vst.idx.msk $0xffff, v9  }
0x6e: {  	[tilespmem:v58+s20+$0x0] =	vst.idx.msk $0xffff, v9  }
0x6f: {  	v6 =	vld.idx.msk [tilespmem:v59+s3+$0x0], $0xffff  }
0x70: {  	v61 =	vld.idx.msk [tilespmem:v60+s29+$0x0], $0xffff;
	_ =	sdelay $0x4  }
0x71: {  	v6 =	vadd.f32 v61, v6;
	_ =	sdelay $0x1  }
0x72: {  	v7 =	vmul.f32 $2.000000030e-01, v6;
	_ =	sdelay $0x1  }
0x73: {  	v6 =	vmax.f32 v6, v7  }
0x74: {  	v6 =	vmul.f32 $1.442695020e+00, v6;
	_ =	sdelay $0x1  }
0x75: {  	(erf) = vpow2.f32 v6;
	_ =	sdelay $0x5  }
0x76: {  	v62 =	vor.u32 $0x2, v4;
	_ =	sdelay $0x1  }
0x77: {  	v3 =	vor.u32 $0x3, v3  }
0x78: {  	v5 =	vor.u32 $0x3, v5;
	v63 =	vpop (erf)  }
0x79: {  	v7 =	vpsel !p2, $0x0, v63  }
0x7a: {  	[tilespmem:v62+s30+$0x0] =	vst.idx.msk $0xffff, v7  }
0x7b: {  	[tilespmem:v62+s20+$0x0] =	vst.idx.msk $0xffff, v7  }
0x7c: {  	v3 =	vld.idx.msk [tilespmem:v3+s3+$0x0], $0xffff  }
0x7d: {  	v5 =	vld.idx.msk [tilespmem:v5+s29+$0x0], $0xffff;
	_ =	sdelay $0x4  }
0x7e: {  	v3 =	vadd.f32 v5, v3;
	_ =	sdelay $0x1  }
0x7f: {  	v5 =	vmul.f32 $2.000000030e-01, v3;
	_ =	sdelay $0x1  }
0x80: {  	v3 =	vmax.f32 v3, v5  }
0x81: {  	v3 =	vmul.f32 $1.442695020e+00, v3;
	_ =	sdelay $0x1  }
0x82: {  	(erf) = vpow2.f32 v3;
	_ =	sdelay $0x4  }
0x83: {  	s23 =	simm.s32 $0x10;
	v3 =	vor.u32 $0x3, v4  }
.LBB2_6:
0x84: {  	_ = 	snop  }
0x85: {  	p1 =	sne.s32 s23, $0x1F0  }
0x86: {  	s22 =	sadd.s32 $0x10, s22;
	s12 =	smov.u32 s23;
	s23 =	sadd.s32 $0x10, s23  }
0x87: {  	v4 =	vpop (erf)  }
0x88: {  	v4 =	vpsel !p2, $0x0, v4  }
0x89: {  	[tilespmem:v3+s30+$0x0] =	vst.idx.msk $0xffff, v4  }
0x8a: {  	[tilespmem:v3+s20+$0x0] =	vst.idx.msk $0xffff, v4  }
0x8b: {  	v3 =	vld [tilespmem:s22+$0x0];
	_ =	sdelay $0x2  }
0x8c: {  	v4 =	vor.u32 s12, v0  }
0x8d: {  	v5 =	vshll.u32 v4, $0x4  }
0x8e: {  	v3 =	vshll.u32 v3, $0x3;
	_ =	sdelay $0x3  }
0x8f: {  	v6 =	vld.idx.msk [tilespmem:v5+s29+$0x0], $0xffff  }
0x90: {  	v7 =	vld.idx.msk [tilespmem:v3+s3+$0x0], $0xffff;
	_ =	sdelay $0x5  }
0x91: {  	v6 =	vadd.f32 v6, v7;
	_ =	sdelay $0x1  }
0x92: {  	v7 =	vmul.f32 $2.000000030e-01, v6;
	_ =	sdelay $0x1  }
0x93: {  	v6 =	vmax.f32 v6, v7  }
0x94: {  	v6 =	vmul.f32 $1.442695020e+00, v6;
	_ =	sdelay $0x1  }
0x95: {  	(erf) = vpow2.f32 v6;
	_ =	sdelay $0x5  }
0x96: {  	v4 =	vshll.u32 v4, $0x3;
	_ =	sdelay $0x1  }
0x97: {  	s12 =	sadd.s32 s12, s13;
	v6 =	vor.u32 $0x1, v3  }
0x98: {  	p2 =	slt.u32 s12, $0x1D4C0;
	v7 =	vor.u32 $0x1, v5;
	v8 =	vpop (erf)  }
0x99: {  	v8 =	vpsel !p2, $0x0, v8  }
0x9a: {  	[tilespmem:v4+s30+$0x0] =	vst.idx.msk $0xffff, v8  }
0x9b: {  	[tilespmem:v4+s20+$0x0] =	vst.idx.msk $0xffff, v8  }
0x9c: {  	v6 =	vld.idx.msk [tilespmem:v6+s3+$0x0], $0xffff  }
0x9d: {  	v7 =	vld.idx.msk [tilespmem:v7+s29+$0x0], $0xffff;
	_ =	sdelay $0x5  }
0x9e: {  	v6 =	vadd.f32 v7, v6;
	_ =	sdelay $0x1  }
0x9f: {  	v7 =	vmul.f32 $2.000000030e-01, v6;
	_ =	sdelay $0x1  }
0xa0: {  	v6 =	vmax.f32 v6, v7  }
0xa1: {  	v6 =	vmul.f32 $1.442695020e+00, v6;
	_ =	sdelay $0x1  }
0xa2: {  	(erf) = vpow2.f32 v6;
	_ =	sdelay $0x5  }
0xa3: {  	v6 =	vor.u32 $0x1, v4;
	_ =	sdelay $0x1  }
0xa4: {  	v7 =	vor.u32 $0x2, v3  }
0xa5: {  	v8 =	vor.u32 $0x2, v5;
	v9 =	vpop (erf)  }
0xa6: {  	v9 =	vpsel !p2, $0x0, v9  }
0xa7: {  	[tilespmem:v6+s30+$0x0] =	vst.idx.msk $0xffff, v9  }
0xa8: {  	[tilespmem:v6+s20+$0x0] =	vst.idx.msk $0xffff, v9  }
0xa9: {  	v6 =	vld.idx.msk [tilespmem:v7+s3+$0x0], $0xffff  }
0xaa: {  	v7 =	vld.idx.msk [tilespmem:v8+s29+$0x0], $0xffff;
	_ =	sdelay $0x5  }
0xab: {  	v6 =	vadd.f32 v7, v6;
	_ =	sdelay $0x1  }
0xac: {  	v7 =	vmul.f32 $2.000000030e-01, v6;
	_ =	sdelay $0x1  }
0xad: {  	v6 =	vmax.f32 v6, v7  }
0xae: {  	v6 =	vmul.f32 $1.442695020e+00, v6;
	_ =	sdelay $0x1  }
0xaf: {  	(erf) = vpow2.f32 v6;
	_ =	sdelay $0x5  }
0xb0: {  	v6 =	vor.u32 $0x2, v4;
	_ =	sdelay $0x1  }
0xb1: {  	v5 =	vor.u32 $0x3, v5;
	v3 =	vor.u32 $0x3, v3  }
0xb2: {  	v7 =	vpop (erf)  }
0xb3: {  	v7 =	vpsel !p2, $0x0, v7  }
0xb4: {  	[tilespmem:v6+s30+$0x0] =	vst.idx.msk $0xffff, v7  }
0xb5: {  	[tilespmem:v6+s20+$0x0] =	vst.idx.msk $0xffff, v7  }
0xb6: {  	v3 =	vld.idx.msk [tilespmem:v3+s3+$0x0], $0xffff  }
0xb7: {  	v5 =	vld.idx.msk [tilespmem:v5+s29+$0x0], $0xffff;
	_ =	sdelay $0x5  }
0xb8: {  	v3 =	vadd.f32 v5, v3;
	_ =	sdelay $0x1  }
0xb9: {  	v5 =	vmul.f32 $2.000000030e-01, v3;
	_ =	sdelay $0x1  }
0xba: {  	v3 =	vmax.f32 v3, v5  }
0xbb: {  	v3 =	vmul.f32 $1.442695020e+00, v3;
	_ =	sdelay $0x1  }
0xbc: {  	(erf) = vpow2.f32 v3  }
.Ltmp4:
0xbd: {  	(pc) =	sbr.rel @p1 .LBB2_6-.Ltmp4, $2  }
0xbe: {  	_ =	sdelay $0x2  }
0xbf: {  	v3 =	vor.u32 $0x3, v4  }
0xc0: {  	_ =	sdelay $0x2  }
0xc1: {  	v4 =	vpop (erf)  }
0xc2: {  	v4 =	vpsel !p2, $0x0, v4  }
0xc3: {  	[tilespmem:v3+s30+$0x0] =	vst.idx.msk $0xffff, v4  }
0xc4: {  	s9 =	sadd.s32 s1, s9;
	[tilespmem:v3+s20+$0x0] =	vst.idx.msk $0xffff, v4  }
0xc5: {  	[hbm4b:s9+s3] =	stream.linear.scatter [tilespmem:s30], [sflag:$0x1], $0x1000, $0x38;
	[tilespmem:$0x1FA80] =	vst v63  }
0xc6: {  	s19 =	sadd.s32 $0x1, s19;
	_ =	swait.ge [sflag:s21], $0x1000  }
0xc7: {  	p1 =	sne.s32 s19, $0xF;
	[sflag:s21] =	ssyncset.done $0x0  }
.Ltmp5:
0xc8: {  	[sflag:s21] =	ssyncadd.s32 $0xFFFFF000;
	(pc) =	sbr.rel @p1 .LBB2_3-.Ltmp5, $4  }
0xc9: {  	[spmem:s2] =	stream.indirect.scatter.add.f32 [tilespmem:s20], [sflag:$0x1], $0x8, s25, s26, $0xb8;
	[tilespmem:$0x1FA80] =	vst v63  }
0xca: {  	_ =	swait.ge [sflag:s21], $0x1000  }
0xcb: {  	[sflag:s21] =	ssyncset.done $0x0  }
0xcc: {  	s13 =	sadd.s32 $0x200, s13;
	[sflag:s21] =	ssyncadd.s32 $0xFFFFF000  }
0xcd: {  	[bflag:$0x0] =	sbarrier.arrive $0xFFFF  }
0xce: {  	s12 =	smul.u32 $0xC800, s15;
	s2 =	rddreg [dreg:$0xd]  }
0xcf: {  	s16 =	rddreg [dreg:$0xe]  }
0xd0: {  	s13 =	rddreg [dreg:$0xf];
	s9 =	sadd.s32 s2, s12  }
0xd1: {  	[hbm:s9], [sflag:s16] =	dma.local [spmem:s13], $0xC80  }
0xd2: {  	_ =	swait.ge [sflag:s21], $0xC80  }
0xd3: {  	[sflag:s21] =	ssyncset.done $0x0  }
0xd4: {  	[sflag:s21] =	ssyncadd.s32 $0xFFFFF380  }
0xd5: {  	[bflag:$0x0] =	sbarrier.arrive $0xFFFF  }
0xd6: {  	s17 =	rddreg [dreg:$0x7]  }
0xd7: {  	s19 =	rddreg [dreg:$0x9]  }
0xd8: {  	s16 =	smul.u32 $0x78000, s15;
	s22 =	rddreg [dreg:$0xa]  }
0xd9: {  	s23 =	rddreg [dreg:$0xb]  }
0xda: {  	s9 =	sadd.s32 s17, s16;
	s13 =	sadd.s32 s16, s19;
	s15 =	sadd.s32 s16, s22  }
0xdb: {  	v2 =	vmov s12;
	s16 =	sadd.s32 s16, s23;
	s19 =	simm.s32 $0x0;
	s22 =	simm.s32 $0x0  }
.LBB2_9:
0xdc: {  	s23 =	sshll.u32 s22, $0x9  }
0xdd: {  	s12 =	sadd.s32 s14, s23  }
0xde: {  	s17 =	sshrl.u32 s12, $0x3  }
0xdf: {  	s17 =	sadd.s32 s5, s17  }
0xe0: {  	[tilespmem:s25], [sflag:$0x1] =	stream.linear.gather [hbm4b:s17+s19], $0x200, $0x38;
	[tilespmem:$0x1FA80] =	vst v63  }
0xe1: {  	s12 =	sadd.s32 s1, s12  }
0xe2: {  	[tilespmem:s30], [sflag:$0x1] =	stream.linear.gather [hbm4b:s12+s19], $0x1000, $0x38;
	[tilespmem:$0x1FA80] =	vst v63  }
0xe3: {  	_ =	swait.ge [sflag:s21], $0x200  }
0xe4: {  	[sflag:s21] =	ssyncset.done $0x0  }
0xe5: {  	[sflag:s21] =	ssyncadd.s32 $0xFFFFFE00  }
0xe6: {  	_ =	swait.ge [sflag:s21], $0x1000  }
0xe7: {  	[sflag:s21] =	ssyncset.done $0x0  }
0xe8: {  	s12 =	simm.s32 $0x0;
	[sflag:s21] =	ssyncadd.s32 $0xFFFFF000  }
0xe9: {  	s17 =	simm.s32 $0x40;
	v3 =	vld [tilespmem:s12+$0x13A80]  }
.LBB2_10:
0xea: {  	p1 =	sne.s32 s17, $0x7C0  }
.Ltmp6:
0xeb: {  	_ = 	snop;
	(pc) =	sbr.rel @p1 .LBB2_10-.Ltmp6, $3  }
0xec: {  	_ =	sdelay $0x1  }
0xed: {  	s2 =	sshra.s32 s17, $0x2;
	s17 =	sadd.s32 $0x40, s17;
	v4 =	vadd.s32 v2, v3  }
0xee: {  	v3 =	vld [tilespmem:s2+$0x13A80];
	[tilespmem:s12+$0x13C80] =	vst v4;
	s12 =	smov.u32 s2  }
0xef: {  	_ =	sdelay $0x1  }
0xf0: {  	s2 =	simm.s32 $0x0  }
0xf1: {  	v4 =	vmov s2  }
0xf2: {  	v4 =	vshll.u32 v4, $0x3;
	v3 =	vadd.s32 v2, v3  }
0xf3: {  	[tilespmem:s12+$0x13C80] =	vst v3;
	v3 =	vor.u32 v1, v4  }
0xf4: {  	[tilespmem:s31], [sflag:$0x1] =	stream.indirect.gather [hbm4b:s10+s26], $0x8, s28, s26, $0xb8;
	[tilespmem:$0x1FA80] =	vst v63  }
0xf5: {  	_ =	swait.ge [sflag:s21], $0x1000  }
0xf6: {  	[sflag:s21] =	ssyncset.done $0x0  }
0xf7: {  	[sflag:s21] =	ssyncadd.s32 $0xFFFFF000  }
0xf8: {  	v4 =	vld.idx.msk [tilespmem:v3+s31+$0x0], $0xffff;
	_ =	sdelay $0x4  }
0xf9: {  	v4 =	vadd.f32 $1.000000020e-16, v4;
	_ =	sdelay $0x1  }
0xfa: {  	(erf) = vrcp.f32 v4;
	_ =	sdelay $0x4  }
0xfb: {  	v4 =	vld.idx.msk [tilespmem:v3+s30+$0x0], $0xffff;
	_ =	sdelay $0x2  }
0xfc: {  	v5 =	vor.u32 $0x1, v3  }
0xfd: {  	v6 =	vpop (erf)  }
0xfe: {  	v4 =	vmul.f32 v6, v4  }
0xff: {  	s17 =	simm.s32 $0x19280  }
0x100: {  	[tilespmem:s17+$0xFFFFFC00] =	vst v4  }
0x101: {  	v4 =	vld.idx.msk [tilespmem:v5+s31+$0x0], $0xffff;
	_ =	sdelay $0x4  }
0x102: {  	v4 =	vadd.f32 $1.000000020e-16, v4;
	_ =	sdelay $0x1  }
0x103: {  	(erf) = vrcp.f32 v4;
	_ =	sdelay $0x4  }
0x104: {  	v4 =	vld.idx.msk [tilespmem:v5+s30+$0x0], $0xffff;
	_ =	sdelay $0x2  }
0x105: {  	v5 =	vor.u32 $0x2, v3  }
0x106: {  	v6 =	vpop (erf)  }
0x107: {  	v4 =	vmul.f32 v6, v4;
	_ =	sdelay $0x1  }
0x108: {  	[tilespmem:s17+$0xFFFFFE00] =	vst v4  }
0x109: {  	v4 =	vld.idx.msk [tilespmem:v5+s31+$0x0], $0xffff;
	_ =	sdelay $0x4  }
0x10a: {  	v4 =	vadd.f32 $1.000000020e-16, v4;
	_ =	sdelay $0x1  }
0x10b: {  	(erf) = vrcp.f32 v4;
	_ =	sdelay $0x4  }
0x10c: {  	v4 =	vld.idx.msk [tilespmem:v5+s30+$0x0], $0xffff;
	_ =	sdelay $0x2  }
0x10d: {  	v3 =	vor.u32 $0x3, v3  }
0x10e: {  	v5 =	vpop (erf)  }
0x10f: {  	v4 =	vmul.f32 v5, v4;
	_ =	sdelay $0x1  }
0x110: {  	[tilespmem:s17+$0x0] =	vst v4  }
0x111: {  	v4 =	vld.idx.msk [tilespmem:v3+s31+$0x0], $0xffff;
	_ =	sdelay $0x4  }
0x112: {  	v4 =	vadd.f32 $1.000000020e-16, v4;
	_ =	sdelay $0x1  }
0x113: {  	(erf) = vrcp.f32 v4;
	_ =	sdelay $0x4  }
0x114: {  	s12 =	simm.s32 $0x10;
	v3 =	vld.idx.msk [tilespmem:v3+s30+$0x0], $0xffff  }
0x115: {  	v4 =	vmov s12;
	s12 =	simm.s32 $0x20  }
.LBB2_12:
0x116: {  	p1 =	sne.s32 s12, $0x1F0;
	v4 =	vshll.u32 v4, $0x3  }
0x117: {  	v4 =	vor.u32 v1, v4  }
0x118: {  	v5 =	vpop (erf)  }
0x119: {  	v3 =	vmul.f32 v5, v3;
	_ =	sdelay $0x1  }
0x11a: {  	[tilespmem:s17+$0x200] =	vst v3  }
0x11b: {  	v3 =	vld.idx.msk [tilespmem:v4+s31+$0x0], $0xffff  }
0x11c: {  	v5 =	vld.idx.msk [tilespmem:v4+s30+$0x0], $0xffff;
	_ =	sdelay $0x4  }
0x11d: {  	v3 =	vadd.f32 $1.000000020e-16, v3;
	_ =	sdelay $0x1  }
0x11e: {  	(erf) = vrcp.f32 v3;
	_ =	sdelay $0x7  }
0x11f: {  	v3 =	vor.u32 $0x1, v4  }
0x120: {  	v6 =	vpop (erf)  }
0x121: {  	v5 =	vmul.f32 v6, v5  }
0x122: {  	s17 =	sadd.s32 $0x10, s17  }
0x123: {  	[tilespmem:s17+$0xFFFFFC00] =	vst v5  }
0x124: {  	v5 =	vld.idx.msk [tilespmem:v3+s31+$0x0], $0xffff;
	_ =	sdelay $0x5  }
0x125: {  	v5 =	vadd.f32 $1.000000020e-16, v5;
	_ =	sdelay $0x1  }
0x126: {  	(erf) = vrcp.f32 v5;
	_ =	sdelay $0x3  }
0x127: {  	v3 =	vld.idx.msk [tilespmem:v3+s30+$0x0], $0xffff;
	_ =	sdelay $0x3  }
0x128: {  	v5 =	vor.u32 $0x2, v4  }
0x129: {  	v6 =	vpop (erf)  }
0x12a: {  	v3 =	vmul.f32 v6, v3;
	_ =	sdelay $0x1  }
0x12b: {  	[tilespmem:s17+$0xFFFFFE00] =	vst v3  }
0x12c: {  	v3 =	vld.idx.msk [tilespmem:v5+s31+$0x0], $0xffff;
	_ =	sdelay $0x5  }
0x12d: {  	v3 =	vadd.f32 $1.000000020e-16, v3;
	_ =	sdelay $0x1  }
0x12e: {  	(erf) = vrcp.f32 v3;
	_ =	sdelay $0x3  }
0x12f: {  	v3 =	vld.idx.msk [tilespmem:v5+s30+$0x0], $0xffff;
	_ =	sdelay $0x3  }
0x130: {  	v4 =	vor.u32 $0x3, v4  }
0x131: {  	v5 =	vpop (erf)  }
0x132: {  	v3 =	vmul.f32 v5, v3;
	_ =	sdelay $0x1  }
0x133: {  	[tilespmem:s17+$0x0] =	vst v3  }
0x134: {  	v5 =	vld.idx.msk [tilespmem:v4+s31+$0x0], $0xffff  }
0x135: {  	v3 =	vld.idx.msk [tilespmem:v4+s30+$0x0], $0xffff;
	_ =	sdelay $0x4  }
0x136: {  	v4 =	vadd.f32 $1.000000020e-16, v5;
	_ =	sdelay $0x1  }
0x137: {  	(erf) = vrcp.f32 v4;
	_ =	sdelay $0x1  }
.Ltmp7:
0x138: {  	(pc) =	sbr.rel @p1 .LBB2_12-.Ltmp7, $2  }
0x139: {  	_ =	sdelay $0x2  }
0x13a: {  	v4 =	vmov s12;
	s12 =	sadd.s32 $0x10, s12  }
0x13b: {  	v4 =	vshll.u32 v4, $0x3  }
0x13c: {  	v4 =	vor.u32 v1, v4  }
0x13d: {  	v5 =	vpop (erf)  }
0x13e: {  	v3 =	vmul.f32 v5, v3;
	_ =	sdelay $0x1  }
0x13f: {  	[tilespmem:s17+$0x200] =	vst v3  }
0x140: {  	v3 =	vld.idx.msk [tilespmem:v4+s31+$0x0], $0xffff;
	_ =	sdelay $0x4  }
0x141: {  	v3 =	vadd.f32 $1.000000020e-16, v3;
	_ =	sdelay $0x1  }
0x142: {  	(erf) = vrcp.f32 v3;
	_ =	sdelay $0x4  }
0x143: {  	v3 =	vld.idx.msk [tilespmem:v4+s30+$0x0], $0xffff;
	_ =	sdelay $0x2  }
0x144: {  	v59 =	vor.u32 $0x1, v4  }
0x145: {  	v6 =	vpop (erf)  }
0x146: {  	v3 =	vmul.f32 v6, v3  }
0x147: {  	s2 =	sadd.s32 $0x10, s17  }
0x148: {  	[tilespmem:s2+$0xFFFFFC00] =	vst v3  }
0x149: {  	v3 =	vld.idx.msk [tilespmem:v59+s31+$0x0], $0xffff;
	_ =	sdelay $0x4  }
0x14a: {  	v3 =	vadd.f32 $1.000000020e-16, v3;
	_ =	sdelay $0x1  }
0x14b: {  	(erf) = vrcp.f32 v3;
	_ =	sdelay $0x4  }
0x14c: {  	v3 =	vld.idx.msk [tilespmem:v59+s30+$0x0], $0xffff;
	_ =	sdelay $0x2  }
0x14d: {  	v60 =	vor.u32 $0x2, v4  }
0x14e: {  	v61 =	vpop (erf)  }
0x14f: {  	v3 =	vmul.f32 v61, v3;
	_ =	sdelay $0x1  }
0x150: {  	[tilespmem:s2+$0xFFFFFE00] =	vst v3  }
0x151: {  	v3 =	vld.idx.msk [tilespmem:v60+s31+$0x0], $0xffff;
	_ =	sdelay $0x4  }
0x152: {  	v3 =	vadd.f32 $1.000000020e-16, v3;
	_ =	sdelay $0x1  }
0x153: {  	(erf) = vrcp.f32 v3;
	_ =	sdelay $0x4  }
0x154: {  	v3 =	vld.idx.msk [tilespmem:v60+s30+$0x0], $0xffff;
	_ =	sdelay $0x2  }
0x155: {  	v4 =	vor.u32 $0x3, v4  }
0x156: {  	v62 =	vpop (erf)  }
0x157: {  	v3 =	vmul.f32 v62, v3;
	_ =	sdelay $0x1  }
0x158: {  	[tilespmem:s2+$0x0] =	vst v3  }
0x159: {  	v3 =	vld.idx.msk [tilespmem:v4+s31+$0x0], $0xffff;
	_ =	sdelay $0x4  }
0x15a: {  	v3 =	vadd.f32 $1.000000020e-16, v3;
	_ =	sdelay $0x1  }
0x15b: {  	(erf) = vrcp.f32 v3;
	_ =	sdelay $0x4  }
0x15c: {  	v3 =	vld.idx.msk [tilespmem:v4+s30+$0x0], $0xffff;
	_ =	sdelay $0x3  }
0x15d: {  	v63 =	vpop (erf)  }
0x15e: {  	s12 =	sadd.s32 s23, s9;
	v3 =	vmul.f32 v63, v3  }
0x15f: {  	s12 =	sshrl.u32 s12, $0x3  }
0x160: {  	s17 =	sadd.s32 s11, s12;
	[tilespmem:s2+$0x200] =	vst v3  }
0x161: {  	[hbm4b:s17+s3] =	stream.linear.scatter [tilespmem:s0], [sflag:$0x1], $0x200, $0x38;
	[tilespmem:$0x1FA80] =	vst v63  }
0x162: {  	s12 =	sadd.s32 s23, s13;
	_ =	swait.ge [sflag:s21], $0x200  }
0x163: {  	s2 =	sshrl.u32 s12, $0x3;
	[sflag:s21] =	ssyncset.done $0x0  }
0x164: {  	s2 =	sadd.s32 s11, s2;
	[sflag:s21] =	ssyncadd.s32 $0xFFFFFE00  }
0x165: {  	[hbm4b:s2+s3] =	stream.linear.scatter [tilespmem:s8], [sflag:$0x1], $0x200, $0x38;
	[tilespmem:$0x1FA80] =	vst v63  }
0x166: {  	s17 =	sadd.s32 s23, s15;
	_ =	swait.ge [sflag:s21], $0x200  }
0x167: {  	s2 =	sshrl.u32 s17, $0x3;
	[sflag:s21] =	ssyncset.done $0x0  }
0x168: {  	s2 =	sadd.s32 s11, s2;
	[sflag:s21] =	ssyncadd.s32 $0xFFFFFE00  }
0x169: {  	[hbm4b:s2+s3] =	stream.linear.scatter [tilespmem:s18], [sflag:$0x1], $0x200, $0x38;
	[tilespmem:$0x1FA80] =	vst v63  }
0x16a: {  	s22 =	sadd.s32 $0x1, s22;
	s23 =	sadd.s32 s23, s16;
	_ =	swait.ge [sflag:s21], $0x200  }
0x16b: {  	p1 =	sne.s32 s22, $0xF;
	s2 =	sshrl.u32 s23, $0x3;
	[sflag:s21] =	ssyncset.done $0x0  }
.Ltmp8:
0x16c: {  	s2 =	sadd.s32 s11, s2;
	[sflag:s21] =	ssyncadd.s32 $0xFFFFFE00;
	(pc) =	sbr.rel @p1 .LBB2_9-.Ltmp8, $4  }
0x16d: {  	[hbm4b:s2+s3] =	stream.linear.scatter [tilespmem:s6], [sflag:$0x1], $0x200, $0x38;
	[tilespmem:$0x1FA80] =	vst v63  }
0x16e: {  	_ =	swait.ge [sflag:s21], $0x200  }
0x16f: {  	[sflag:s21] =	ssyncset.done $0x0  }
0x170: {  	[sflag:s21] =	ssyncadd.s32 $0xFFFFFE00  }
0x171: {  	s12 =	rddreg [dreg:$0x11]  }
0x172: {  	s2 =	rddreg [dreg:$0x8];
	s12 =	sadd.s32 $0x1, s12  }
0x173: {  	p1 =	sne.s32 s12, s2  }
.Ltmp9:
0x174: {  	_ = 	snop;
	(pc) =	sbr.rel @p1 .LBB2_2-.Ltmp9, $4  }
.Ltmp10:
0x175: {  	_ = 	snop;
	(pc) =	sbr.rel @!p1 .LBB2_15-.Ltmp10, $4  }
0x176: {  	_ = 	snop  }
0x177: {  	_ = 	snop  }
0x178: {  	s2 =	rddreg [dreg:$0x2]  }
0x179: {  	_ = 	snop  }
.LBB2_16:
0x17a: {  	_ =	sfence.sel $0x180000  }
0x17b: {  	[bflag:$0x0] =	sbarrier.arrive $0xFFFF  }
0x17c: {  	_ =	strace $0x90000047  }
0x17d: {  	s0 =	stileid.u32;
	[bflag:$0x2] =	sbarrier.arrive $0xFFFF  }
0x17e: {  	p0 =	sne.s32 s0, $0x0;
	s0 =	rddreg [dreg:$0x3]  }
0x17f: {  	s0 =	sadd.s32 @!p0 $0x100000, s0  }
0x180: {  	[sflag:s0] =	ssyncadd.tile.s32 @!p0 $0x1;
	_ =	shalt  }
.Lfunc_end2:
_tile_overlayer_lowered:
.L_overlay_start_2:
0x181: {  	(tag) =	ssettag $0x2  }
0x182: {  	s0 =	rddreg [dreg:$0x0];
	s2 =	stileid.u32  }
0x183: {  	s1 =	rddreg [dreg:$0x1];
	p0 =	sne.s32 s2, $0x0  }
0x184: {  	s3 =	rddreg [dreg:$0x2];
	[bflag:$0x3] =	sbarrier.arrive $0xFFFF;
	s2 =	simm.s32 @!p0 $0x1C01  }
0x185: {  	[timem:s3], [sflag:s2] =	dma.local @!p0 [hbm:s0], s1  }
0x186: {  	s0 =	simm.s32 @!p0 $0x1  }
0x187: {  	_ =	swait.ge @!p0 [sflag:s0], s1  }
0x188: {  	s1 =	ssub.s32 @!p0 $0x0, s1;
	[sflag:s0] =	ssyncset.done @!p0 $0x0  }
0x189: {  	[sflag:s0] =	ssyncadd.s32 @!p0 s1  }
0x18a: {  	[bflag:$0x3] =	sbarrier.arrive $0xFFFF  }
0x18b: {  	_ =	shalt  }

</sc_bundles>
